<compile_context>
chip_gen: v7x
topology: tpu7x:2x2x1
jax: 0.10.2.dev20260603
libtpu: 0.0.44.dev20260713+nightly
codegen_flags: <defaults>
</compile_context>

<pallas_src>
import functools

import jax
import jax.numpy as jnp
from jax import lax
from jax.experimental import pallas as pl
from jax.experimental.pallas import tpu as pltpu
from jax.experimental.pallas import tpu_sc as plsc

CHUNK = 256
NBUF = 12
DEPTH = 8
OUTB = 4


@functools.partial(jax.jit, static_argnums=(2, 3, 4))
def _sc_gather(idx2, table, nch, num_workers, embed_dim):
    n = idx2.shape[0] * CHUNK
    mesh = plsc.VectorSubcoreMesh(core_axis_name="c", subcore_axis_name="s")
    nc = mesh.num_cores
    nbatch = nch // OUTB
    nbring = NBUF // OUTB
    assert nch % OUTB == 0 and NBUF % OUTB == 0 and DEPTH + OUTB <= NBUF

    @functools.partial(
        pl.kernel,
        out_type=jax.ShapeDtypeStruct((n, embed_dim), jnp.float32),
        mesh=mesh,
        scratch_types=(
            [pltpu.VMEM((nch, CHUNK), jnp.int32)]
            + [pltpu.VMEM((NBUF * CHUNK, embed_dim), jnp.float32)]
            + [pltpu.SemaphoreType.DMA] * (NBUF + nbring)
        ),
        compiler_params=pltpu.CompilerParams(use_tc_tiling_on_sc=False),
    )
    def run(idx_hbm, table_hbm, out_hbm, idxv, rowsv, *sems):
        gsem = sems[:NBUF]
        osem = sems[NBUF:]
        wid = lax.axis_index("s") * nc + lax.axis_index("c")
        cbase = wid * nch
        rbase = cbase * CHUNK
        pltpu.sync_copy(idx_hbm.at[pl.ds(cbase, nch)], idxv)

        def start_gather(c):
            b = c % NBUF
            pltpu.async_copy(
                table_hbm.at[idxv.at[c]],
                rowsv.at[pl.ds(b * CHUNK, CHUNK)],
                gsem[b],
            )

        def wait_gather(c):
            b = c % NBUF
            pltpu.make_async_copy(
                table_hbm.at[idxv.at[c]],
                rowsv.at[pl.ds(b * CHUNK, CHUNK)],
                gsem[b],
            ).wait()

        def out_copy(bt):
            p = (bt % nbring) * OUTB * CHUNK
            return pltpu.make_async_copy(
                rowsv.at[pl.ds(p, OUTB * CHUNK)],
                out_hbm.at[pl.ds(rbase + bt * OUTB * CHUNK, OUTB * CHUNK)],
                osem[bt % nbring],
            )

        for c in range(DEPTH):
            start_gather(c)
        for c in range(nch):
            g = c + DEPTH
            if g < nch:
                if g >= NBUF and (g - NBUF) % OUTB == 0:
                    out_copy((g - NBUF) // OUTB).wait()
                start_gather(g)
            wait_gather(c)
            if c % OUTB == OUTB - 1:
                out_copy(c // OUTB).start()
        for bt in range(nbatch - nbring, nbatch):
            out_copy(bt).wait()

    return run(idx2, table)


def kernel(inputs, embeddings):
    b, f = inputs.shape
    v, d = embeddings.shape
    n = b * f
    num_workers = 32
    assert n % (num_workers * CHUNK) == 0
    nch = n // (num_workers * CHUNK)
    idx2 = inputs.astype(jnp.int32).reshape(n // CHUNK, CHUNK)
    out = _sc_gather(idx2, embeddings, nch, num_workers, d)
    return out.reshape(b, f, d)

# --- scband reference (transcript-rebuilt; emitter-appended) ---
"""Pipeline reference for scband-embedding-75153337745792 (READ-ONLY COPY).

The authoritative reference and input builder live on the scoring server;
editing this copy changes nothing except your own understanding.
"""

import jax, jax.numpy as jnp
import numpy as np

TABLE_SIZE = 1000000
EMBED_DIM = 32
BATCH = 16384
FIELDS = 26

def setup_inputs(seed: int = 0) -> dict:
    key = jax.random.key(seed)
    k_idx, k_emb = jax.random.split(key)
    inputs = jax.random.randint(k_idx, (BATCH, FIELDS), 0, TABLE_SIZE, dtype=jnp.int64 if jax.config.jax_enable_x64 else jnp.int32)
    s3 = float(np.sqrt(3.0))
    embeddings = jax.random.uniform(k_emb, (TABLE_SIZE, EMBED_DIM), minval=-s3, maxval=s3, dtype=jnp.float32)
    return {"inputs": inputs, "embeddings": embeddings}

def reference(inputs, embeddings):
    # gather_dense_gradients forward is just tf.gather(params, indices)
    return jnp.take(embeddings, inputs, axis=0)

if __name__ == "__main__":
    import jax
    _d = setup_inputs()
    print(jax.jit(kernel)(*tuple(_d.values())))

</pallas_src>

<mosaic_0001>
#map = affine_map<(d0, d1) -> (0, 0)>
module attributes {stable_mosaic.version = 14 : i64} {
  func.func @run(%arg0: i32, %arg1: i32, %arg2: memref<1664x256xi32, #tpu.memory_space<hbm>>, %arg3: memref<1000000x32xf32, #tpu.memory_space<hbm>>, %arg4: memref<425984x32xf32, #tpu.memory_space<hbm>>, %arg5: memref<52x256xi32, #tpu.memory_space<vmem>>, %arg6: memref<3072x32xf32, #tpu.memory_space<vmem>>, %arg7: memref<!tpu.dma_semaphore, #tpu.memory_space<semaphore_mem>>, %arg8: memref<!tpu.dma_semaphore, #tpu.memory_space<semaphore_mem>>, %arg9: memref<!tpu.dma_semaphore, #tpu.memory_space<semaphore_mem>>, %arg10: memref<!tpu.dma_semaphore, #tpu.memory_space<semaphore_mem>>, %arg11: memref<!tpu.dma_semaphore, #tpu.memory_space<semaphore_mem>>, %arg12: memref<!tpu.dma_semaphore, #tpu.memory_space<semaphore_mem>>, %arg13: memref<!tpu.dma_semaphore, #tpu.memory_space<semaphore_mem>>, %arg14: memref<!tpu.dma_semaphore, #tpu.memory_space<semaphore_mem>>, %arg15: memref<!tpu.dma_semaphore, #tpu.memory_space<semaphore_mem>>, %arg16: memref<!tpu.dma_semaphore, #tpu.memory_space<semaphore_mem>>, %arg17: memref<!tpu.dma_semaphore, #tpu.memory_space<semaphore_mem>>, %arg18: memref<!tpu.dma_semaphore, #tpu.memory_space<semaphore_mem>>, %arg19: memref<!tpu.dma_semaphore, #tpu.memory_space<semaphore_mem>>, %arg20: memref<!tpu.dma_semaphore, #tpu.memory_space<semaphore_mem>>, %arg21: memref<!tpu.dma_semaphore, #tpu.memory_space<semaphore_mem>>) attributes {dimension_semantics = [#tpu.dimension_semantics<core_parallel>, #tpu.dimension_semantics<subcore_parallel>], iteration_bounds = array<i64: 2, 16>, scalar_prefetch = 0 : i64, scratch_operands = 17 : i64, tpu.core_type = #tpu.core_type<sc_vector_subcore>, window_params = [{transform_indices = #map}, {transform_indices = #map}, {transform_indices = #map}]} {
    %mul3A = arith.constant 2 : i32
    %mul3A_0 = arith.muli %arg1, %mul3A : i32
    %add3A = arith.addi %mul3A_0, %arg0 : i32
    %mul3A_1 = arith.constant 52 : i32
    %mul3A_2 = arith.muli %add3A, %mul3A_1 : i32
    %mul3A_3 = arith.constant 256 : i32
    %mul3A_4 = arith.muli %mul3A_2, %mul3A_3 : i32
    "tpu.region"() ({
      %run_scoped3A = tpu.sem_alloc : memref<!tpu.dma_semaphore, #tpu.memory_space<semaphore_mem>>
      %dma_start3A_1355 = arith.constant 0 : i32
      %dma_start3A_1356 = tpu.memref_slice %arg2[%mul3A_2, %dma_start3A_1355] : memref<1664x256xi32, #tpu.memory_space<hbm>> -> memref<52x256xi32, #tpu.memory_space<hbm>>
      %dma_start3A_1357 = arith.constant 0 : i32
      %dma_start3A_1358 = tpu.memref_slice %arg2[%mul3A_2, %dma_start3A_1357] : memref<1664x256xi32, #tpu.memory_space<hbm>> -> memref<52x256xi32, #tpu.memory_space<hbm>>
      tpu.enqueue_dma source(%dma_start3A_1358 : memref<52x256xi32, #tpu.memory_space<hbm>>) target(%arg5 : memref<52x256xi32, #tpu.memory_space<vmem>>) target_semaphore(%run_scoped3A : memref<!tpu.dma_semaphore, #tpu.memory_space<semaphore_mem>>)
      %dma_wait3A_1359 = arith.constant 0 : i32
      %dma_wait3A_1360 = tpu.memref_slice %arg2[%mul3A_2, %dma_wait3A_1359] : memref<1664x256xi32, #tpu.memory_space<hbm>> -> memref<52x256xi32, #tpu.memory_space<hbm>>
      %dma_wait3A_1361 = arith.constant 0 : i32
      %dma_wait3A_1362 = tpu.memref_slice %arg2[%mul3A_2, %dma_wait3A_1361] : memref<1664x256xi32, #tpu.memory_space<hbm>> -> memref<52x256xi32, #tpu.memory_space<hbm>>
      tpu.wait_dma2 semaphore(%run_scoped3A : memref<!tpu.dma_semaphore, #tpu.memory_space<semaphore_mem>>) src(%dma_wait3A_1362 : memref<52x256xi32, #tpu.memory_space<hbm>>) dst(%arg5 : memref<52x256xi32, #tpu.memory_space<vmem>>)
      tpu.yield
    }) : () -> ()
    %dma_start3A = arith.constant 0 : i32
    %dma_start3A_5 = arith.constant 0 : i32
    %dma_start3A_6 = arith.constant 0 : i32
    %dma_start3A_7 = tpu.memref_slice %arg6[%dma_start3A_5, %dma_start3A_6] : memref<3072x32xf32, #tpu.memory_space<vmem>> -> memref<256x32xf32, #tpu.memory_space<vmem>>
    %dma_start3A_8 = arith.constant 0 : i32
    %dma_start3A_9 = tpu.memref_slice %arg5[%dma_start3A, %dma_start3A_8] : memref<52x256xi32, #tpu.memory_space<vmem>> -> memref<1x256xi32, #tpu.memory_space<vmem>>
    %dma_start3A_10 = tpu.memref_squeeze %dma_start3A_9 : memref<1x256xi32, #tpu.memory_space<vmem>> -> memref<256xi32, #tpu.memory_space<vmem>>
    %dma_start3A_11 = arith.constant 0 : i32
    %dma_start3A_12 = arith.constant 0 : i32
    %dma_start3A_13 = tpu.memref_slice %arg3[%dma_start3A_11, %dma_start3A_12] : memref<1000000x32xf32, #tpu.memory_space<hbm>> -> memref<1000000x32xf32, #tpu.memory_space<hbm>>
    tpu.enqueue_indirect_dma source(%dma_start3A_13 : memref<1000000x32xf32, #tpu.memory_space<hbm>>) target(%dma_start3A_7 : memref<256x32xf32, #tpu.memory_space<vmem>>) offsets(%dma_start3A_10 : memref<256xi32, #tpu.memory_space<vmem>>) semaphore(%arg7 : memref<!tpu.dma_semaphore, #tpu.memory_space<semaphore_mem>>)
    %dma_start3A_14 = arith.constant 1 : i32
    %dma_start3A_15 = arith.constant 256 : i32
    %dma_start3A_16 = arith.constant 0 : i32
    %dma_start3A_17 = tpu.memref_slice %arg6[%dma_start3A_15, %dma_start3A_16] : memref<3072x32xf32, #tpu.memory_space<vmem>> -> memref<256x32xf32, #tpu.memory_space<vmem>>
    %dma_start3A_18 = arith.constant 0 : i32
    %dma_start3A_19 = tpu.memref_slice %arg5[%dma_start3A_14, %dma_start3A_18] : memref<52x256xi32, #tpu.memory_space<vmem>> -> memref<1x256xi32, #tpu.memory_space<vmem>>
    %dma_start3A_20 = tpu.memref_squeeze %dma_start3A_19 : memref<1x256xi32, #tpu.memory_space<vmem>> -> memref<256xi32, #tpu.memory_space<vmem>>
    %dma_start3A_21 = arith.constant 0 : i32
    %dma_start3A_22 = arith.constant 0 : i32
    %dma_start3A_23 = tpu.memref_slice %arg3[%dma_start3A_21, %dma_start3A_22] : memref<1000000x32xf32, #tpu.memory_space<hbm>> -> memref<1000000x32xf32, #tpu.memory_space<hbm>>
    tpu.enqueue_indirect_dma source(%dma_start3A_23 : memref<1000000x32xf32, #tpu.memory_space<hbm>>) target(%dma_start3A_17 : memref<256x32xf32, #tpu.memory_space<vmem>>) offsets(%dma_start3A_20 : memref<256xi32, #tpu.memory_space<vmem>>) semaphore(%arg8 : memref<!tpu.dma_semaphore, #tpu.memory_space<semaphore_mem>>)
    %dma_start3A_24 = arith.constant 2 : i32
    %dma_start3A_25 = arith.constant 512 : i32
    %dma_start3A_26 = arith.constant 0 : i32
    %dma_start3A_27 = tpu.memref_slice %arg6[%dma_start3A_25, %dma_start3A_26] : memref<3072x32xf32, #tpu.memory_space<vmem>> -> memref<256x32xf32, #tpu.memory_space<vmem>>
    %dma_start3A_28 = arith.constant 0 : i32
    %dma_start3A_29 = tpu.memref_slice %arg5[%dma_start3A_24, %dma_start3A_28] : memref<52x256xi32, #tpu.memory_space<vmem>> -> memref<1x256xi32, #tpu.memory_space<vmem>>
    %dma_start3A_30 = tpu.memref_squeeze %dma_start3A_29 : memref<1x256xi32, #tpu.memory_space<vmem>> -> memref<256xi32, #tpu.memory_space<vmem>>
    %dma_start3A_31 = arith.constant 0 : i32
    %dma_start3A_32 = arith.constant 0 : i32
    %dma_start3A_33 = tpu.memref_slice %arg3[%dma_start3A_31, %dma_start3A_32] : memref<1000000x32xf32, #tpu.memory_space<hbm>> -> memref<1000000x32xf32, #tpu.memory_space<hbm>>
    tpu.enqueue_indirect_dma source(%dma_start3A_33 : memref<1000000x32xf32, #tpu.memory_space<hbm>>) target(%dma_start3A_27 : memref<256x32xf32, #tpu.memory_space<vmem>>) offsets(%dma_start3A_30 : memref<256xi32, #tpu.memory_space<vmem>>) semaphore(%arg9 : memref<!tpu.dma_semaphore, #tpu.memory_space<semaphore_mem>>)
    %dma_start3A_34 = arith.constant 3 : i32
    %dma_start3A_35 = arith.constant 768 : i32
    %dma_start3A_36 = arith.constant 0 : i32
    %dma_start3A_37 = tpu.memref_slice %arg6[%dma_start3A_35, %dma_start3A_36] : memref<3072x32xf32, #tpu.memory_space<vmem>> -> memref<256x32xf32, #tpu.memory_space<vmem>>
    %dma_start3A_38 = arith.constant 0 : i32
    %dma_start3A_39 = tpu.memref_slice %arg5[%dma_start3A_34, %dma_start3A_38] : memref<52x256xi32, #tpu.memory_space<vmem>> -> memref<1x256xi32, #tpu.memory_space<vmem>>
    %dma_start3A_40 = tpu.memref_squeeze %dma_start3A_39 : memref<1x256xi32, #tpu.memory_space<vmem>> -> memref<256xi32, #tpu.memory_space<vmem>>
    %dma_start3A_41 = arith.constant 0 : i32
    %dma_start3A_42 = arith.constant 0 : i32
    %dma_start3A_43 = tpu.memref_slice %arg3[%dma_start3A_41, %dma_start3A_42] : memref<1000000x32xf32, #tpu.memory_space<hbm>> -> memref<1000000x32xf32, #tpu.memory_space<hbm>>
    tpu.enqueue_indirect_dma source(%dma_start3A_43 : memref<1000000x32xf32, #tpu.memory_space<hbm>>) target(%dma_start3A_37 : memref<256x32xf32, #tpu.memory_space<vmem>>) offsets(%dma_start3A_40 : memref<256xi32, #tpu.memory_space<vmem>>) semaphore(%arg10 : memref<!tpu.dma_semaphore, #tpu.memory_space<semaphore_mem>>)
    %dma_start3A_44 = arith.constant 4 : i32
    %dma_start3A_45 = arith.constant 1024 : i32
    %dma_start3A_46 = arith.constant 0 : i32
    %dma_start3A_47 = tpu.memref_slice %arg6[%dma_start3A_45, %dma_start3A_46] : memref<3072x32xf32, #tpu.memory_space<vmem>> -> memref<256x32xf32, #tpu.memory_space<vmem>>
    %dma_start3A_48 = arith.constant 0 : i32
    %dma_start3A_49 = tpu.memref_slice %arg5[%dma_start3A_44, %dma_start3A_48] : memref<52x256xi32, #tpu.memory_space<vmem>> -> memref<1x256xi32, #tpu.memory_space<vmem>>
    %dma_start3A_50 = tpu.memref_squeeze %dma_start3A_49 : memref<1x256xi32, #tpu.memory_space<vmem>> -> memref<256xi32, #tpu.memory_space<vmem>>
    %dma_start3A_51 = arith.constant 0 : i32
    %dma_start3A_52 = arith.constant 0 : i32
    %dma_start3A_53 = tpu.memref_slice %arg3[%dma_start3A_51, %dma_start3A_52] : memref<1000000x32xf32, #tpu.memory_space<hbm>> -> memref<1000000x32xf32, #tpu.memory_space<hbm>>
    tpu.enqueue_indirect_dma source(%dma_start3A_53 : memref<1000000x32xf32, #tpu.memory_space<hbm>>) target(%dma_start3A_47 : memref<256x32xf32, #tpu.memory_space<vmem>>) offsets(%dma_start3A_50 : memref<256xi32, #tpu.memory_space<vmem>>) semaphore(%arg11 : memref<!tpu.dma_semaphore, #tpu.memory_space<semaphore_mem>>)
    %dma_start3A_54 = arith.constant 5 : i32
    %dma_start3A_55 = arith.constant 1280 : i32
    %dma_start3A_56 = arith.constant 0 : i32
    %dma_start3A_57 = tpu.memref_slice %arg6[%dma_start3A_55, %dma_start3A_56] : memref<3072x32xf32, #tpu.memory_space<vmem>> -> memref<256x32xf32, #tpu.memory_space<vmem>>
    %dma_start3A_58 = arith.constant 0 : i32
    %dma_start3A_59 = tpu.memref_slice %arg5[%dma_start3A_54, %dma_start3A_58] : memref<52x256xi32, #tpu.memory_space<vmem>> -> memref<1x256xi32, #tpu.memory_space<vmem>>
    %dma_start3A_60 = tpu.memref_squeeze %dma_start3A_59 : memref<1x256xi32, #tpu.memory_space<vmem>> -> memref<256xi32, #tpu.memory_space<vmem>>
    %dma_start3A_61 = arith.constant 0 : i32
    %dma_start3A_62 = arith.constant 0 : i32
    %dma_start3A_63 = tpu.memref_slice %arg3[%dma_start3A_61, %dma_start3A_62] : memref<1000000x32xf32, #tpu.memory_space<hbm>> -> memref<1000000x32xf32, #tpu.memory_space<hbm>>
    tpu.enqueue_indirect_dma source(%dma_start3A_63 : memref<1000000x32xf32, #tpu.memory_space<hbm>>) target(%dma_start3A_57 : memref<256x32xf32, #tpu.memory_space<vmem>>) offsets(%dma_start3A_60 : memref<256xi32, #tpu.memory_space<vmem>>) semaphore(%arg12 : memref<!tpu.dma_semaphore, #tpu.memory_space<semaphore_mem>>)
    %dma_start3A_64 = arith.constant 6 : i32
    %dma_start3A_65 = arith.constant 1536 : i32
    %dma_start3A_66 = arith.constant 0 : i32
    %dma_start3A_67 = tpu.memref_slice %arg6[%dma_start3A_65, %dma_start3A_66] : memref<3072x32xf32, #tpu.memory_space<vmem>> -> memref<256x32xf32, #tpu.memory_space<vmem>>
    %dma_start3A_68 = arith.constant 0 : i32
    %dma_start3A_69 = tpu.memref_slice %arg5[%dma_start3A_64, %dma_start3A_68] : memref<52x256xi32, #tpu.memory_space<vmem>> -> memref<1x256xi32, #tpu.memory_space<vmem>>
    %dma_start3A_70 = tpu.memref_squeeze %dma_start3A_69 : memref<1x256xi32, #tpu.memory_space<vmem>> -> memref<256xi32, #tpu.memory_space<vmem>>
    %dma_start3A_71 = arith.constant 0 : i32
    %dma_start3A_72 = arith.constant 0 : i32
    %dma_start3A_73 = tpu.memref_slice %arg3[%dma_start3A_71, %dma_start3A_72] : memref<1000000x32xf32, #tpu.memory_space<hbm>> -> memref<1000000x32xf32, #tpu.memory_space<hbm>>
    tpu.enqueue_indirect_dma source(%dma_start3A_73 : memref<1000000x32xf32, #tpu.memory_space<hbm>>) target(%dma_start3A_67 : memref<256x32xf32, #tpu.memory_space<vmem>>) offsets(%dma_start3A_70 : memref<256xi32, #tpu.memory_space<vmem>>) semaphore(%arg13 : memref<!tpu.dma_semaphore, #tpu.memory_space<semaphore_mem>>)
    %dma_start3A_74 = arith.constant 7 : i32
    %dma_start3A_75 = arith.constant 1792 : i32
    %dma_start3A_76 = arith.constant 0 : i32
    %dma_start3A_77 = tpu.memref_slice %arg6[%dma_start3A_75, %dma_start3A_76] : memref<3072x32xf32, #tpu.memory_space<vmem>> -> memref<256x32xf32, #tpu.memory_space<vmem>>
    %dma_start3A_78 = arith.constant 0 : i32
    %dma_start3A_79 = tpu.memref_slice %arg5[%dma_start3A_74, %dma_start3A_78] : memref<52x256xi32, #tpu.memory_space<vmem>> -> memref<1x256xi32, #tpu.memory_space<vmem>>
    %dma_start3A_80 = tpu.memref_squeeze %dma_start3A_79 : memref<1x256xi32, #tpu.memory_space<vmem>> -> memref<256xi32, #tpu.memory_space<vmem>>
    %dma_start3A_81 = arith.constant 0 : i32
    %dma_start3A_82 = arith.constant 0 : i32
    %dma_start3A_83 = tpu.memref_slice %arg3[%dma_start3A_81, %dma_start3A_82] : memref<1000000x32xf32, #tpu.memory_space<hbm>> -> memref<1000000x32xf32, #tpu.memory_space<hbm>>
    tpu.enqueue_indirect_dma source(%dma_start3A_83 : memref<1000000x32xf32, #tpu.memory_space<hbm>>) target(%dma_start3A_77 : memref<256x32xf32, #tpu.memory_space<vmem>>) offsets(%dma_start3A_80 : memref<256xi32, #tpu.memory_space<vmem>>) semaphore(%arg14 : memref<!tpu.dma_semaphore, #tpu.memory_space<semaphore_mem>>)
    %dma_start3A_84 = arith.constant 8 : i32
    %dma_start3A_85 = arith.constant 2048 : i32
    %dma_start3A_86 = arith.constant 0 : i32
    %dma_start3A_87 = tpu.memref_slice %arg6[%dma_start3A_85, %dma_start3A_86] : memref<3072x32xf32, #tpu.memory_space<vmem>> -> memref<256x32xf32, #tpu.memory_space<vmem>>
    %dma_start3A_88 = arith.constant 0 : i32
    %dma_start3A_89 = tpu.memref_slice %arg5[%dma_start3A_84, %dma_start3A_88] : memref<52x256xi32, #tpu.memory_space<vmem>> -> memref<1x256xi32, #tpu.memory_space<vmem>>
    %dma_start3A_90 = tpu.memref_squeeze %dma_start3A_89 : memref<1x256xi32, #tpu.memory_space<vmem>> -> memref<256xi32, #tpu.memory_space<vmem>>
    %dma_start3A_91 = arith.constant 0 : i32
    %dma_start3A_92 = arith.constant 0 : i32
    %dma_start3A_93 = tpu.memref_slice %arg3[%dma_start3A_91, %dma_start3A_92] : memref<1000000x32xf32, #tpu.memory_space<hbm>> -> memref<1000000x32xf32, #tpu.memory_space<hbm>>
    tpu.enqueue_indirect_dma source(%dma_start3A_93 : memref<1000000x32xf32, #tpu.memory_space<hbm>>) target(%dma_start3A_87 : memref<256x32xf32, #tpu.memory_space<vmem>>) offsets(%dma_start3A_90 : memref<256xi32, #tpu.memory_space<vmem>>) semaphore(%arg15 : memref<!tpu.dma_semaphore, #tpu.memory_space<semaphore_mem>>)
    %dma_wait3A = arith.constant 0 : i32
    %dma_wait3A_94 = arith.constant 0 : i32
    %dma_wait3A_95 = arith.constant 0 : i32
    %dma_wait3A_96 = tpu.memref_slice %arg6[%dma_wait3A_94, %dma_wait3A_95] : memref<3072x32xf32, #tpu.memory_space<vmem>> -> memref<256x32xf32, #tpu.memory_space<vmem>>
    %dma_wait3A_97 = arith.constant 0 : i32
    %dma_wait3A_98 = tpu.memref_slice %arg5[%dma_wait3A, %dma_wait3A_97] : memref<52x256xi32, #tpu.memory_space<vmem>> -> memref<1x256xi32, #tpu.memory_space<vmem>>
    %dma_wait3A_99 = tpu.memref_squeeze %dma_wait3A_98 : memref<1x256xi32, #tpu.memory_space<vmem>> -> memref<256xi32, #tpu.memory_space<vmem>>
    %dma_wait3A_100 = arith.constant 0 : i32
    %dma_wait3A_101 = arith.constant 0 : i32
    %dma_wait3A_102 = tpu.memref_slice %arg3[%dma_wait3A_100, %dma_wait3A_101] : memref<1000000x32xf32, #tpu.memory_space<hbm>> -> memref<1000000x32xf32, #tpu.memory_space<hbm>>
    tpu.wait_indirect_dma semaphore(%arg7 : memref<!tpu.dma_semaphore, #tpu.memory_space<semaphore_mem>>) src(%dma_wait3A_102 : memref<1000000x32xf32, #tpu.memory_space<hbm>>) dst(%dma_wait3A_96 : memref<256x32xf32, #tpu.memory_space<vmem>>)
    %dma_start3A_103 = arith.constant 9 : i32
    %dma_start3A_104 = arith.constant 2304 : i32
    %dma_start3A_105 = arith.constant 0 : i32
    %dma_start3A_106 = tpu.memref_slice %arg6[%dma_start3A_104, %dma_start3A_105] : memref<3072x32xf32, #tpu.memory_space<vmem>> -> memref<256x32xf32, #tpu.memory_space<vmem>>
    %dma_start3A_107 = arith.constant 0 : i32
    %dma_start3A_108 = tpu.memref_slice %arg5[%dma_start3A_103, %dma_start3A_107] : memref<52x256xi32, #tpu.memory_space<vmem>> -> memref<1x256xi32, #tpu.memory_space<vmem>>
    %dma_start3A_109 = tpu.memref_squeeze %dma_start3A_108 : memref<1x256xi32, #tpu.memory_space<vmem>> -> memref<256xi32, #tpu.memory_space<vmem>>
    %dma_start3A_110 = arith.constant 0 : i32
    %dma_start3A_111 = arith.constant 0 : i32
    %dma_start3A_112 = tpu.memref_slice %arg3[%dma_start3A_110, %dma_start3A_111] : memref<1000000x32xf32, #tpu.memory_space<hbm>> -> memref<1000000x32xf32, #tpu.memory_space<hbm>>
    tpu.enqueue_indirect_dma source(%dma_start3A_112 : memref<1000000x32xf32, #tpu.memory_space<hbm>>) target(%dma_start3A_106 : memref<256x32xf32, #tpu.memory_space<vmem>>) offsets(%dma_start3A_109 : memref<256xi32, #tpu.memory_space<vmem>>) semaphore(%arg16 : memref<!tpu.dma_semaphore, #tpu.memory_space<semaphore_mem>>)
    %dma_wait3A_113 = arith.constant 1 : i32
    %dma_wait3A_114 = arith.constant 256 : i32
    %dma_wait3A_115 = arith.constant 0 : i32
    %dma_wait3A_116 = tpu.memref_slice %arg6[%dma_wait3A_114, %dma_wait3A_115] : memref<3072x32xf32, #tpu.memory_space<vmem>> -> memref<256x32xf32, #tpu.memory_space<vmem>>
    %dma_wait3A_117 = arith.constant 0 : i32
    %dma_wait3A_118 = tpu.memref_slice %arg5[%dma_wait3A_113, %dma_wait3A_117] : memref<52x256xi32, #tpu.memory_space<vmem>> -> memref<1x256xi32, #tpu.memory_space<vmem>>
    %dma_wait3A_119 = tpu.memref_squeeze %dma_wait3A_118 : memref<1x256xi32, #tpu.memory_space<vmem>> -> memref<256xi32, #tpu.memory_space<vmem>>
    %dma_wait3A_120 = arith.constant 0 : i32
    %dma_wait3A_121 = arith.constant 0 : i32
    %dma_wait3A_122 = tpu.memref_slice %arg3[%dma_wait3A_120, %dma_wait3A_121] : memref<1000000x32xf32, #tpu.memory_space<hbm>> -> memref<1000000x32xf32, #tpu.memory_space<hbm>>
    tpu.wait_indirect_dma semaphore(%arg8 : memref<!tpu.dma_semaphore, #tpu.memory_space<semaphore_mem>>) src(%dma_wait3A_122 : memref<1000000x32xf32, #tpu.memory_space<hbm>>) dst(%dma_wait3A_116 : memref<256x32xf32, #tpu.memory_space<vmem>>)
    %dma_start3A_123 = arith.constant 10 : i32
    %dma_start3A_124 = arith.constant 2560 : i32
    %dma_start3A_125 = arith.constant 0 : i32
    %dma_start3A_126 = tpu.memref_slice %arg6[%dma_start3A_124, %dma_start3A_125] : memref<3072x32xf32, #tpu.memory_space<vmem>> -> memref<256x32xf32, #tpu.memory_space<vmem>>
    %dma_start3A_127 = arith.constant 0 : i32
    %dma_start3A_128 = tpu.memref_slice %arg5[%dma_start3A_123, %dma_start3A_127] : memref<52x256xi32, #tpu.memory_space<vmem>> -> memref<1x256xi32, #tpu.memory_space<vmem>>
    %dma_start3A_129 = tpu.memref_squeeze %dma_start3A_128 : memref<1x256xi32, #tpu.memory_space<vmem>> -> memref<256xi32, #tpu.memory_space<vmem>>
    %dma_start3A_130 = arith.constant 0 : i32
    %dma_start3A_131 = arith.constant 0 : i32
    %dma_start3A_132 = tpu.memref_slice %arg3[%dma_start3A_130, %dma_start3A_131] : memref<1000000x32xf32, #tpu.memory_space<hbm>> -> memref<1000000x32xf32, #tpu.memory_space<hbm>>
    tpu.enqueue_indirect_dma source(%dma_start3A_132 : memref<1000000x32xf32, #tpu.memory_space<hbm>>) target(%dma_start3A_126 : memref<256x32xf32, #tpu.memory_space<vmem>>) offsets(%dma_start3A_129 : memref<256xi32, #tpu.memory_space<vmem>>) semaphore(%arg17 : memref<!tpu.dma_semaphore, #tpu.memory_space<semaphore_mem>>)
    %dma_wait3A_133 = arith.constant 2 : i32
    %dma_wait3A_134 = arith.constant 512 : i32
    %dma_wait3A_135 = arith.constant 0 : i32
    %dma_wait3A_136 = tpu.memref_slice %arg6[%dma_wait3A_134, %dma_wait3A_135] : memref<3072x32xf32, #tpu.memory_space<vmem>> -> memref<256x32xf32, #tpu.memory_space<vmem>>
    %dma_wait3A_137 = arith.constant 0 : i32
    %dma_wait3A_138 = tpu.memref_slice %arg5[%dma_wait3A_133, %dma_wait3A_137] : memref<52x256xi32, #tpu.memory_space<vmem>> -> memref<1x256xi32, #tpu.memory_space<vmem>>
    %dma_wait3A_139 = tpu.memref_squeeze %dma_wait3A_138 : memref<1x256xi32, #tpu.memory_space<vmem>> -> memref<256xi32, #tpu.memory_space<vmem>>
    %dma_wait3A_140 = arith.constant 0 : i32
    %dma_wait3A_141 = arith.constant 0 : i32
    %dma_wait3A_142 = tpu.memref_slice %arg3[%dma_wait3A_140, %dma_wait3A_141] : memref<1000000x32xf32, #tpu.memory_space<hbm>> -> memref<1000000x32xf32, #tpu.memory_space<hbm>>
    tpu.wait_indirect_dma semaphore(%arg9 : memref<!tpu.dma_semaphore, #tpu.memory_space<semaphore_mem>>) src(%dma_wait3A_142 : memref<1000000x32xf32, #tpu.memory_space<hbm>>) dst(%dma_wait3A_136 : memref<256x32xf32, #tpu.memory_space<vmem>>)
    %dma_start3A_143 = arith.constant 11 : i32
    %dma_start3A_144 = arith.constant 2816 : i32
    %dma_start3A_145 = arith.constant 0 : i32
    %dma_start3A_146 = tpu.memref_slice %arg6[%dma_start3A_144, %dma_start3A_145] : memref<3072x32xf32, #tpu.memory_space<vmem>> -> memref<256x32xf32, #tpu.memory_space<vmem>>
    %dma_start3A_147 = arith.constant 0 : i32
    %dma_start3A_148 = tpu.memref_slice %arg5[%dma_start3A_143, %dma_start3A_147] : memref<52x256xi32, #tpu.memory_space<vmem>> -> memref<1x256xi32, #tpu.memory_space<vmem>>
    %dma_start3A_149 = tpu.memref_squeeze %dma_start3A_148 : memref<1x256xi32, #tpu.memory_space<vmem>> -> memref<256xi32, #tpu.memory_space<vmem>>
    %dma_start3A_150 = arith.constant 0 : i32
    %dma_start3A_151 = arith.constant 0 : i32
    %dma_start3A_152 = tpu.memref_slice %arg3[%dma_start3A_150, %dma_start3A_151] : memref<1000000x32xf32, #tpu.memory_space<hbm>> -> memref<1000000x32xf32, #tpu.memory_space<hbm>>
    tpu.enqueue_indirect_dma source(%dma_start3A_152 : memref<1000000x32xf32, #tpu.memory_space<hbm>>) target(%dma_start3A_146 : memref<256x32xf32, #tpu.memory_space<vmem>>) offsets(%dma_start3A_149 : memref<256xi32, #tpu.memory_space<vmem>>) semaphore(%arg18 : memref<!tpu.dma_semaphore, #tpu.memory_space<semaphore_mem>>)
    %dma_wait3A_153 = arith.constant 3 : i32
    %dma_wait3A_154 = arith.constant 768 : i32
    %dma_wait3A_155 = arith.constant 0 : i32
    %dma_wait3A_156 = tpu.memref_slice %arg6[%dma_wait3A_154, %dma_wait3A_155] : memref<3072x32xf32, #tpu.memory_space<vmem>> -> memref<256x32xf32, #tpu.memory_space<vmem>>
    %dma_wait3A_157 = arith.constant 0 : i32
    %dma_wait3A_158 = tpu.memref_slice %arg5[%dma_wait3A_153, %dma_wait3A_157] : memref<52x256xi32, #tpu.memory_space<vmem>> -> memref<1x256xi32, #tpu.memory_space<vmem>>
    %dma_wait3A_159 = tpu.memref_squeeze %dma_wait3A_158 : memref<1x256xi32, #tpu.memory_space<vmem>> -> memref<256xi32, #tpu.memory_space<vmem>>
    %dma_wait3A_160 = arith.constant 0 : i32
    %dma_wait3A_161 = arith.constant 0 : i32
    %dma_wait3A_162 = tpu.memref_slice %arg3[%dma_wait3A_160, %dma_wait3A_161] : memref<1000000x32xf32, #tpu.memory_space<hbm>> -> memref<1000000x32xf32, #tpu.memory_space<hbm>>
    tpu.wait_indirect_dma semaphore(%arg10 : memref<!tpu.dma_semaphore, #tpu.memory_space<semaphore_mem>>) src(%dma_wait3A_162 : memref<1000000x32xf32, #tpu.memory_space<hbm>>) dst(%dma_wait3A_156 : memref<256x32xf32, #tpu.memory_space<vmem>>)
    %add3A_163 = arith.constant 0 : i32
    %add3A_164 = arith.addi %mul3A_4, %add3A_163 : i32
    %dma_start3A_165 = arith.constant 0 : i32
    %dma_start3A_166 = arith.constant 0 : i32
    %dma_start3A_167 = tpu.memref_slice %arg6[%dma_start3A_165, %dma_start3A_166] : memref<3072x32xf32, #tpu.memory_space<vmem>> -> memref<1024x32xf32, #tpu.memory_space<vmem>>
    %dma_start3A_168 = arith.constant 0 : i32
    %dma_start3A_169 = tpu.memref_slice %arg4[%add3A_164, %dma_start3A_168] : memref<425984x32xf32, #tpu.memory_space<hbm>> -> memref<1024x32xf32, #tpu.memory_space<hbm>>
    %dma_start3A_170 = arith.constant 0 : i32
    %dma_start3A_171 = tpu.memref_slice %arg4[%add3A_164, %dma_start3A_170] : memref<425984x32xf32, #tpu.memory_space<hbm>> -> memref<1024x32xf32, #tpu.memory_space<hbm>>
    %dma_start3A_172 = arith.constant 0 : i32
    %dma_start3A_173 = arith.constant 0 : i32
    %dma_start3A_174 = tpu.memref_slice %arg6[%dma_start3A_172, %dma_start3A_173] : memref<3072x32xf32, #tpu.memory_space<vmem>> -> memref<1024x32xf32, #tpu.memory_space<vmem>>
    tpu.enqueue_dma source(%dma_start3A_174 : memref<1024x32xf32, #tpu.memory_space<vmem>>) target(%dma_start3A_171 : memref<1024x32xf32, #tpu.memory_space<hbm>>) target_semaphore(%arg19 : memref<!tpu.dma_semaphore, #tpu.memory_space<semaphore_mem>>)
    %add3A_175 = arith.constant 0 : i32
    %add3A_176 = arith.addi %mul3A_4, %add3A_175 : i32
    %dma_wait3A_177 = arith.constant 0 : i32
    %dma_wait3A_178 = arith.constant 0 : i32
    %dma_wait3A_179 = tpu.memref_slice %arg6[%dma_wait3A_177, %dma_wait3A_178] : memref<3072x32xf32, #tpu.memory_space<vmem>> -> memref<1024x32xf32, #tpu.memory_space<vmem>>
    %dma_wait3A_180 = arith.constant 0 : i32
    %dma_wait3A_181 = tpu.memref_slice %arg4[%add3A_176, %dma_wait3A_180] : memref<425984x32xf32, #tpu.memory_space<hbm>> -> memref<1024x32xf32, #tpu.memory_space<hbm>>
    %dma_wait3A_182 = arith.constant 0 : i32
    %dma_wait3A_183 = tpu.memref_slice %arg4[%add3A_176, %dma_wait3A_182] : memref<425984x32xf32, #tpu.memory_space<hbm>> -> memref<1024x32xf32, #tpu.memory_space<hbm>>
    %dma_wait3A_184 = arith.constant 0 : i32
    %dma_wait3A_185 = arith.constant 0 : i32
    %dma_wait3A_186 = tpu.memref_slice %arg6[%dma_wait3A_184, %dma_wait3A_185] : memref<3072x32xf32, #tpu.memory_space<vmem>> -> memref<1024x32xf32, #tpu.memory_space<vmem>>
    tpu.wait_dma2 semaphore(%arg19 : memref<!tpu.dma_semaphore, #tpu.memory_space<semaphore_mem>>) src(%dma_wait3A_186 : memref<1024x32xf32, #tpu.memory_space<vmem>>) dst(%dma_wait3A_183 : memref<1024x32xf32, #tpu.memory_space<hbm>>)
    %dma_start3A_187 = arith.constant 12 : i32
    %dma_start3A_188 = arith.constant 0 : i32
    %dma_start3A_189 = arith.constant 0 : i32
    %dma_start3A_190 = tpu.memref_slice %arg6[%dma_start3A_188, %dma_start3A_189] : memref<3072x32xf32, #tpu.memory_space<vmem>> -> memref<256x32xf32, #tpu.memory_space<vmem>>
    %dma_start3A_191 = arith.constant 0 : i32
    %dma_start3A_192 = tpu.memref_slice %arg5[%dma_start3A_187, %dma_start3A_191] : memref<52x256xi32, #tpu.memory_space<vmem>> -> memref<1x256xi32, #tpu.memory_space<vmem>>
    %dma_start3A_193 = tpu.memref_squeeze %dma_start3A_192 : memref<1x256xi32, #tpu.memory_space<vmem>> -> memref<256xi32, #tpu.memory_space<vmem>>
    %dma_start3A_194 = arith.constant 0 : i32
    %dma_start3A_195 = arith.constant 0 : i32
    %dma_start3A_196 = tpu.memref_slice %arg3[%dma_start3A_194, %dma_start3A_195] : memref<1000000x32xf32, #tpu.memory_space<hbm>> -> memref<1000000x32xf32, #tpu.memory_space<hbm>>
    tpu.enqueue_indirect_dma source(%dma_start3A_196 : memref<1000000x32xf32, #tpu.memory_space<hbm>>) target(%dma_start3A_190 : memref<256x32xf32, #tpu.memory_space<vmem>>) offsets(%dma_start3A_193 : memref<256xi32, #tpu.memory_space<vmem>>) semaphore(%arg7 : memref<!tpu.dma_semaphore, #tpu.memory_space<semaphore_mem>>)
    %dma_wait3A_197 = arith.constant 4 : i32
    %dma_wait3A_198 = arith.constant 1024 : i32
    %dma_wait3A_199 = arith.constant 0 : i32
    %dma_wait3A_200 = tpu.memref_slice %arg6[%dma_wait3A_198, %dma_wait3A_199] : memref<3072x32xf32, #tpu.memory_space<vmem>> -> memref<256x32xf32, #tpu.memory_space<vmem>>
    %dma_wait3A_201 = arith.constant 0 : i32
    %dma_wait3A_202 = tpu.memref_slice %arg5[%dma_wait3A_197, %dma_wait3A_201] : memref<52x256xi32, #tpu.memory_space<vmem>> -> memref<1x256xi32, #tpu.memory_space<vmem>>
    %dma_wait3A_203 = tpu.memref_squeeze %dma_wait3A_202 : memref<1x256xi32, #tpu.memory_space<vmem>> -> memref<256xi32, #tpu.memory_space<vmem>>
    %dma_wait3A_204 = arith.constant 0 : i32
    %dma_wait3A_205 = arith.constant 0 : i32
    %dma_wait3A_206 = tpu.memref_slice %arg3[%dma_wait3A_204, %dma_wait3A_205] : memref<1000000x32xf32, #tpu.memory_space<hbm>> -> memref<1000000x32xf32, #tpu.memory_space<hbm>>
    tpu.wait_indirect_dma semaphore(%arg11 : memref<!tpu.dma_semaphore, #tpu.memory_space<semaphore_mem>>) src(%dma_wait3A_206 : memref<1000000x32xf32, #tpu.memory_space<hbm>>) dst(%dma_wait3A_200 : memref<256x32xf32, #tpu.memory_space<vmem>>)
    %dma_start3A_207 = arith.constant 13 : i32
    %dma_start3A_208 = arith.constant 256 : i32
    %dma_start3A_209 = arith.constant 0 : i32
    %dma_start3A_210 = tpu.memref_slice %arg6[%dma_start3A_208, %dma_start3A_209] : memref<3072x32xf32, #tpu.memory_space<vmem>> -> memref<256x32xf32, #tpu.memory_space<vmem>>
    %dma_start3A_211 = arith.constant 0 : i32
    %dma_start3A_212 = tpu.memref_slice %arg5[%dma_start3A_207, %dma_start3A_211] : memref<52x256xi32, #tpu.memory_space<vmem>> -> memref<1x256xi32, #tpu.memory_space<vmem>>
    %dma_start3A_213 = tpu.memref_squeeze %dma_start3A_212 : memref<1x256xi32, #tpu.memory_space<vmem>> -> memref<256xi32, #tpu.memory_space<vmem>>
    %dma_start3A_214 = arith.constant 0 : i32
    %dma_start3A_215 = arith.constant 0 : i32
    %dma_start3A_216 = tpu.memref_slice %arg3[%dma_start3A_214, %dma_start3A_215] : memref<1000000x32xf32, #tpu.memory_space<hbm>> -> memref<1000000x32xf32, #tpu.memory_space<hbm>>
    tpu.enqueue_indirect_dma source(%dma_start3A_216 : memref<1000000x32xf32, #tpu.memory_space<hbm>>) target(%dma_start3A_210 : memref<256x32xf32, #tpu.memory_space<vmem>>) offsets(%dma_start3A_213 : memref<256xi32, #tpu.memory_space<vmem>>) semaphore(%arg8 : memref<!tpu.dma_semaphore, #tpu.memory_space<semaphore_mem>>)
    %dma_wait3A_217 = arith.constant 5 : i32
    %dma_wait3A_218 = arith.constant 1280 : i32
    %dma_wait3A_219 = arith.constant 0 : i32
    %dma_wait3A_220 = tpu.memref_slice %arg6[%dma_wait3A_218, %dma_wait3A_219] : memref<3072x32xf32, #tpu.memory_space<vmem>> -> memref<256x32xf32, #tpu.memory_space<vmem>>
    %dma_wait3A_221 = arith.constant 0 : i32
    %dma_wait3A_222 = tpu.memref_slice %arg5[%dma_wait3A_217, %dma_wait3A_221] : memref<52x256xi32, #tpu.memory_space<vmem>> -> memref<1x256xi32, #tpu.memory_space<vmem>>
    %dma_wait3A_223 = tpu.memref_squeeze %dma_wait3A_222 : memref<1x256xi32, #tpu.memory_space<vmem>> -> memref<256xi32, #tpu.memory_space<vmem>>
    %dma_wait3A_224 = arith.constant 0 : i32
    %dma_wait3A_225 = arith.constant 0 : i32
    %dma_wait3A_226 = tpu.memref_slice %arg3[%dma_wait3A_224, %dma_wait3A_225] : memref<1000000x32xf32, #tpu.memory_space<hbm>> -> memref<1000000x32xf32, #tpu.memory_space<hbm>>
    tpu.wait_indirect_dma semaphore(%arg12 : memref<!tpu.dma_semaphore, #tpu.memory_space<semaphore_mem>>) src(%dma_wait3A_226 : memref<1000000x32xf32, #tpu.memory_space<hbm>>) dst(%dma_wait3A_220 : memref<256x32xf32, #tpu.memory_space<vmem>>)
    %dma_start3A_227 = arith.constant 14 : i32
    %dma_start3A_228 = arith.constant 512 : i32
    %dma_start3A_229 = arith.constant 0 : i32
    %dma_start3A_230 = tpu.memref_slice %arg6[%dma_start3A_228, %dma_start3A_229] : memref<3072x32xf32, #tpu.memory_space<vmem>> -> memref<256x32xf32, #tpu.memory_space<vmem>>
    %dma_start3A_231 = arith.constant 0 : i32
    %dma_start3A_232 = tpu.memref_slice %arg5[%dma_start3A_227, %dma_start3A_231] : memref<52x256xi32, #tpu.memory_space<vmem>> -> memref<1x256xi32, #tpu.memory_space<vmem>>
    %dma_start3A_233 = tpu.memref_squeeze %dma_start3A_232 : memref<1x256xi32, #tpu.memory_space<vmem>> -> memref<256xi32, #tpu.memory_space<vmem>>
    %dma_start3A_234 = arith.constant 0 : i32
    %dma_start3A_235 = arith.constant 0 : i32
    %dma_start3A_236 = tpu.memref_slice %arg3[%dma_start3A_234, %dma_start3A_235] : memref<1000000x32xf32, #tpu.memory_space<hbm>> -> memref<1000000x32xf32, #tpu.memory_space<hbm>>
    tpu.enqueue_indirect_dma source(%dma_start3A_236 : memref<1000000x32xf32, #tpu.memory_space<hbm>>) target(%dma_start3A_230 : memref<256x32xf32, #tpu.memory_space<vmem>>) offsets(%dma_start3A_233 : memref<256xi32, #tpu.memory_space<vmem>>) semaphore(%arg9 : memref<!tpu.dma_semaphore, #tpu.memory_space<semaphore_mem>>)
    %dma_wait3A_237 = arith.constant 6 : i32
    %dma_wait3A_238 = arith.constant 1536 : i32
    %dma_wait3A_239 = arith.constant 0 : i32
    %dma_wait3A_240 = tpu.memref_slice %arg6[%dma_wait3A_238, %dma_wait3A_239] : memref<3072x32xf32, #tpu.memory_space<vmem>> -> memref<256x32xf32, #tpu.memory_space<vmem>>
    %dma_wait3A_241 = arith.constant 0 : i32
    %dma_wait3A_242 = tpu.memref_slice %arg5[%dma_wait3A_237, %dma_wait3A_241] : memref<52x256xi32, #tpu.memory_space<vmem>> -> memref<1x256xi32, #tpu.memory_space<vmem>>
    %dma_wait3A_243 = tpu.memref_squeeze %dma_wait3A_242 : memref<1x256xi32, #tpu.memory_space<vmem>> -> memref<256xi32, #tpu.memory_space<vmem>>
    %dma_wait3A_244 = arith.constant 0 : i32
    %dma_wait3A_245 = arith.constant 0 : i32
    %dma_wait3A_246 = tpu.memref_slice %arg3[%dma_wait3A_244, %dma_wait3A_245] : memref<1000000x32xf32, #tpu.memory_space<hbm>> -> memref<1000000x32xf32, #tpu.memory_space<hbm>>
    tpu.wait_indirect_dma semaphore(%arg13 : memref<!tpu.dma_semaphore, #tpu.memory_space<semaphore_mem>>) src(%dma_wait3A_246 : memref<1000000x32xf32, #tpu.memory_space<hbm>>) dst(%dma_wait3A_240 : memref<256x32xf32, #tpu.memory_space<vmem>>)
    %dma_start3A_247 = arith.constant 15 : i32
    %dma_start3A_248 = arith.constant 768 : i32
    %dma_start3A_249 = arith.constant 0 : i32
    %dma_start3A_250 = tpu.memref_slice %arg6[%dma_start3A_248, %dma_start3A_249] : memref<3072x32xf32, #tpu.memory_space<vmem>> -> memref<256x32xf32, #tpu.memory_space<vmem>>
    %dma_start3A_251 = arith.constant 0 : i32
    %dma_start3A_252 = tpu.memref_slice %arg5[%dma_start3A_247, %dma_start3A_251] : memref<52x256xi32, #tpu.memory_space<vmem>> -> memref<1x256xi32, #tpu.memory_space<vmem>>
    %dma_start3A_253 = tpu.memref_squeeze %dma_start3A_252 : memref<1x256xi32, #tpu.memory_space<vmem>> -> memref<256xi32, #tpu.memory_space<vmem>>
    %dma_start3A_254 = arith.constant 0 : i32
    %dma_start3A_255 = arith.constant 0 : i32
    %dma_start3A_256 = tpu.memref_slice %arg3[%dma_start3A_254, %dma_start3A_255] : memref<1000000x32xf32, #tpu.memory_space<hbm>> -> memref<1000000x32xf32, #tpu.memory_space<hbm>>
    tpu.enqueue_indirect_dma source(%dma_start3A_256 : memref<1000000x32xf32, #tpu.memory_space<hbm>>) target(%dma_start3A_250 : memref<256x32xf32, #tpu.memory_space<vmem>>) offsets(%dma_start3A_253 : memref<256xi32, #tpu.memory_space<vmem>>) semaphore(%arg10 : memref<!tpu.dma_semaphore, #tpu.memory_space<semaphore_mem>>)
    %dma_wait3A_257 = arith.constant 7 : i32
    %dma_wait3A_258 = arith.constant 1792 : i32
    %dma_wait3A_259 = arith.constant 0 : i32
    %dma_wait3A_260 = tpu.memref_slice %arg6[%dma_wait3A_258, %dma_wait3A_259] : memref<3072x32xf32, #tpu.memory_space<vmem>> -> memref<256x32xf32, #tpu.memory_space<vmem>>
    %dma_wait3A_261 = arith.constant 0 : i32
    %dma_wait3A_262 = tpu.memref_slice %arg5[%dma_wait3A_257, %dma_wait3A_261] : memref<52x256xi32, #tpu.memory_space<vmem>> -> memref<1x256xi32, #tpu.memory_space<vmem>>
    %dma_wait3A_263 = tpu.memref_squeeze %dma_wait3A_262 : memref<1x256xi32, #tpu.memory_space<vmem>> -> memref<256xi32, #tpu.memory_space<vmem>>
    %dma_wait3A_264 = arith.constant 0 : i32
    %dma_wait3A_265 = arith.constant 0 : i32
    %dma_wait3A_266 = tpu.memref_slice %arg3[%dma_wait3A_264, %dma_wait3A_265] : memref<1000000x32xf32, #tpu.memory_space<hbm>> -> memref<1000000x32xf32, #tpu.memory_space<hbm>>
    tpu.wait_indirect_dma semaphore(%arg14 : memref<!tpu.dma_semaphore, #tpu.memory_space<semaphore_mem>>) src(%dma_wait3A_266 : memref<1000000x32xf32, #tpu.memory_space<hbm>>) dst(%dma_wait3A_260 : memref<256x32xf32, #tpu.memory_space<vmem>>)
    %add3A_267 = arith.constant 1024 : i32
    %add3A_268 = arith.addi %mul3A_4, %add3A_267 : i32
    %dma_start3A_269 = arith.constant 1024 : i32
    %dma_start3A_270 = arith.constant 0 : i32
    %dma_start3A_271 = tpu.memref_slice %arg6[%dma_start3A_269, %dma_start3A_270] : memref<3072x32xf32, #tpu.memory_space<vmem>> -> memref<1024x32xf32, #tpu.memory_space<vmem>>
    %dma_start3A_272 = arith.constant 0 : i32
    %dma_start3A_273 = tpu.memref_slice %arg4[%add3A_268, %dma_start3A_272] : memref<425984x32xf32, #tpu.memory_space<hbm>> -> memref<1024x32xf32, #tpu.memory_space<hbm>>
    %dma_start3A_274 = arith.constant 0 : i32
    %dma_start3A_275 = tpu.memref_slice %arg4[%add3A_268, %dma_start3A_274] : memref<425984x32xf32, #tpu.memory_space<hbm>> -> memref<1024x32xf32, #tpu.memory_space<hbm>>
    %dma_start3A_276 = arith.constant 1024 : i32
    %dma_start3A_277 = arith.constant 0 : i32
    %dma_start3A_278 = tpu.memref_slice %arg6[%dma_start3A_276, %dma_start3A_277] : memref<3072x32xf32, #tpu.memory_space<vmem>> -> memref<1024x32xf32, #tpu.memory_space<vmem>>
    tpu.enqueue_dma source(%dma_start3A_278 : memref<1024x32xf32, #tpu.memory_space<vmem>>) target(%dma_start3A_275 : memref<1024x32xf32, #tpu.memory_space<hbm>>) target_semaphore(%arg20 : memref<!tpu.dma_semaphore, #tpu.memory_space<semaphore_mem>>)
    %add3A_279 = arith.constant 1024 : i32
    %add3A_280 = arith.addi %mul3A_4, %add3A_279 : i32
    %dma_wait3A_281 = arith.constant 1024 : i32
    %dma_wait3A_282 = arith.constant 0 : i32
    %dma_wait3A_283 = tpu.memref_slice %arg6[%dma_wait3A_281, %dma_wait3A_282] : memref<3072x32xf32, #tpu.memory_space<vmem>> -> memref<1024x32xf32, #tpu.memory_space<vmem>>
    %dma_wait3A_284 = arith.constant 0 : i32
    %dma_wait3A_285 = tpu.memref_slice %arg4[%add3A_280, %dma_wait3A_284] : memref<425984x32xf32, #tpu.memory_space<hbm>> -> memref<1024x32xf32, #tpu.memory_space<hbm>>
    %dma_wait3A_286 = arith.constant 0 : i32
    %dma_wait3A_287 = tpu.memref_slice %arg4[%add3A_280, %dma_wait3A_286] : memref<425984x32xf32, #tpu.memory_space<hbm>> -> memref<1024x32xf32, #tpu.memory_space<hbm>>
    %dma_wait3A_288 = arith.constant 1024 : i32
    %dma_wait3A_289 = arith.constant 0 : i32
    %dma_wait3A_290 = tpu.memref_slice %arg6[%dma_wait3A_288, %dma_wait3A_289] : memref<3072x32xf32, #tpu.memory_space<vmem>> -> memref<1024x32xf32, #tpu.memory_space<vmem>>
    tpu.wait_dma2 semaphore(%arg20 : memref<!tpu.dma_semaphore, #tpu.memory_space<semaphore_mem>>) src(%dma_wait3A_290 : memref<1024x32xf32, #tpu.memory_space<vmem>>) dst(%dma_wait3A_287 : memref<1024x32xf32, #tpu.memory_space<hbm>>)
    %dma_start3A_291 = arith.constant 16 : i32
    %dma_start3A_292 = arith.constant 1024 : i32
    %dma_start3A_293 = arith.constant 0 : i32
    %dma_start3A_294 = tpu.memref_slice %arg6[%dma_start3A_292, %dma_start3A_293] : memref<3072x32xf32, #tpu.memory_space<vmem>> -> memref<256x32xf32, #tpu.memory_space<vmem>>
    %dma_start3A_295 = arith.constant 0 : i32
    %dma_start3A_296 = tpu.memref_slice %arg5[%dma_start3A_291, %dma_start3A_295] : memref<52x256xi32, #tpu.memory_space<vmem>> -> memref<1x256xi32, #tpu.memory_space<vmem>>
    %dma_start3A_297 = tpu.memref_squeeze %dma_start3A_296 : memref<1x256xi32, #tpu.memory_space<vmem>> -> memref<256xi32, #tpu.memory_space<vmem>>
    %dma_start3A_298 = arith.constant 0 : i32
    %dma_start3A_299 = arith.constant 0 : i32
    %dma_start3A_300 = tpu.memref_slice %arg3[%dma_start3A_298, %dma_start3A_299] : memref<1000000x32xf32, #tpu.memory_space<hbm>> -> memref<1000000x32xf32, #tpu.memory_space<hbm>>
    tpu.enqueue_indirect_dma source(%dma_start3A_300 : memref<1000000x32xf32, #tpu.memory_space<hbm>>) target(%dma_start3A_294 : memref<256x32xf32, #tpu.memory_space<vmem>>) offsets(%dma_start3A_297 : memref<256xi32, #tpu.memory_space<vmem>>) semaphore(%arg11 : memref<!tpu.dma_semaphore, #tpu.memory_space<semaphore_mem>>)
    %dma_wait3A_301 = arith.constant 8 : i32
    %dma_wait3A_302 = arith.constant 2048 : i32
    %dma_wait3A_303 = arith.constant 0 : i32
    %dma_wait3A_304 = tpu.memref_slice %arg6[%dma_wait3A_302, %dma_wait3A_303] : memref<3072x32xf32, #tpu.memory_space<vmem>> -> memref<256x32xf32, #tpu.memory_space<vmem>>
    %dma_wait3A_305 = arith.constant 0 : i32
    %dma_wait3A_306 = tpu.memref_slice %arg5[%dma_wait3A_301, %dma_wait3A_305] : memref<52x256xi32, #tpu.memory_space<vmem>> -> memref<1x256xi32, #tpu.memory_space<vmem>>
    %dma_wait3A_307 = tpu.memref_squeeze %dma_wait3A_306 : memref<1x256xi32, #tpu.memory_space<vmem>> -> memref<256xi32, #tpu.memory_space<vmem>>
    %dma_wait3A_308 = arith.constant 0 : i32
    %dma_wait3A_309 = arith.constant 0 : i32
    %dma_wait3A_310 = tpu.memref_slice %arg3[%dma_wait3A_308, %dma_wait3A_309] : memref<1000000x32xf32, #tpu.memory_space<hbm>> -> memref<1000000x32xf32, #tpu.memory_space<hbm>>
    tpu.wait_indirect_dma semaphore(%arg15 : memref<!tpu.dma_semaphore, #tpu.memory_space<semaphore_mem>>) src(%dma_wait3A_310 : memref<1000000x32xf32, #tpu.memory_space<hbm>>) dst(%dma_wait3A_304 : memref<256x32xf32, #tpu.memory_space<vmem>>)
    %dma_start3A_311 = arith.constant 17 : i32
    %dma_start3A_312 = arith.constant 1280 : i32
    %dma_start3A_313 = arith.constant 0 : i32
    %dma_start3A_314 = tpu.memref_slice %arg6[%dma_start3A_312, %dma_start3A_313] : memref<3072x32xf32, #tpu.memory_space<vmem>> -> memref<256x32xf32, #tpu.memory_space<vmem>>
    %dma_start3A_315 = arith.constant 0 : i32
    %dma_start3A_316 = tpu.memref_slice %arg5[%dma_start3A_311, %dma_start3A_315] : memref<52x256xi32, #tpu.memory_space<vmem>> -> memref<1x256xi32, #tpu.memory_space<vmem>>
    %dma_start3A_317 = tpu.memref_squeeze %dma_start3A_316 : memref<1x256xi32, #tpu.memory_space<vmem>> -> memref<256xi32, #tpu.memory_space<vmem>>
    %dma_start3A_318 = arith.constant 0 : i32
    %dma_start3A_319 = arith.constant 0 : i32
    %dma_start3A_320 = tpu.memref_slice %arg3[%dma_start3A_318, %dma_start3A_319] : memref<1000000x32xf32, #tpu.memory_space<hbm>> -> memref<1000000x32xf32, #tpu.memory_space<hbm>>
    tpu.enqueue_indirect_dma source(%dma_start3A_320 : memref<1000000x32xf32, #tpu.memory_space<hbm>>) target(%dma_start3A_314 : memref<256x32xf32, #tpu.memory_space<vmem>>) offsets(%dma_start3A_317 : memref<256xi32, #tpu.memory_space<vmem>>) semaphore(%arg12 : memref<!tpu.dma_semaphore, #tpu.memory_space<semaphore_mem>>)
    %dma_wait3A_321 = arith.constant 9 : i32
    %dma_wait3A_322 = arith.constant 2304 : i32
    %dma_wait3A_323 = arith.constant 0 : i32
    %dma_wait3A_324 = tpu.memref_slice %arg6[%dma_wait3A_322, %dma_wait3A_323] : memref<3072x32xf32, #tpu.memory_space<vmem>> -> memref<256x32xf32, #tpu.memory_space<vmem>>
    %dma_wait3A_325 = arith.constant 0 : i32
    %dma_wait3A_326 = tpu.memref_slice %arg5[%dma_wait3A_321, %dma_wait3A_325] : memref<52x256xi32, #tpu.memory_space<vmem>> -> memref<1x256xi32, #tpu.memory_space<vmem>>
    %dma_wait3A_327 = tpu.memref_squeeze %dma_wait3A_326 : memref<1x256xi32, #tpu.memory_space<vmem>> -> memref<256xi32, #tpu.memory_space<vmem>>
    %dma_wait3A_328 = arith.constant 0 : i32
    %dma_wait3A_329 = arith.constant 0 : i32
    %dma_wait3A_330 = tpu.memref_slice %arg3[%dma_wait3A_328, %dma_wait3A_329] : memref<1000000x32xf32, #tpu.memory_space<hbm>> -> memref<1000000x32xf32, #tpu.memory_space<hbm>>
    tpu.wait_indirect_dma semaphore(%arg16 : memref<!tpu.dma_semaphore, #tpu.memory_space<semaphore_mem>>) src(%dma_wait3A_330 : memref<1000000x32xf32, #tpu.memory_space<hbm>>) dst(%dma_wait3A_324 : memref<256x32xf32, #tpu.memory_space<vmem>>)
    %dma_start3A_331 = arith.constant 18 : i32
    %dma_start3A_332 = arith.constant 1536 : i32
    %dma_start3A_333 = arith.constant 0 : i32
    %dma_start3A_334 = tpu.memref_slice %arg6[%dma_start3A_332, %dma_start3A_333] : memref<3072x32xf32, #tpu.memory_space<vmem>> -> memref<256x32xf32, #tpu.memory_space<vmem>>
    %dma_start3A_335 = arith.constant 0 : i32
    %dma_start3A_336 = tpu.memref_slice %arg5[%dma_start3A_331, %dma_start3A_335] : memref<52x256xi32, #tpu.memory_space<vmem>> -> memref<1x256xi32, #tpu.memory_space<vmem>>
    %dma_start3A_337 = tpu.memref_squeeze %dma_start3A_336 : memref<1x256xi32, #tpu.memory_space<vmem>> -> memref<256xi32, #tpu.memory_space<vmem>>
    %dma_start3A_338 = arith.constant 0 : i32
    %dma_start3A_339 = arith.constant 0 : i32
    %dma_start3A_340 = tpu.memref_slice %arg3[%dma_start3A_338, %dma_start3A_339] : memref<1000000x32xf32, #tpu.memory_space<hbm>> -> memref<1000000x32xf32, #tpu.memory_space<hbm>>
    tpu.enqueue_indirect_dma source(%dma_start3A_340 : memref<1000000x32xf32, #tpu.memory_space<hbm>>) target(%dma_start3A_334 : memref<256x32xf32, #tpu.memory_space<vmem>>) offsets(%dma_start3A_337 : memref<256xi32, #tpu.memory_space<vmem>>) semaphore(%arg13 : memref<!tpu.dma_semaphore, #tpu.memory_space<semaphore_mem>>)
    %dma_wait3A_341 = arith.constant 10 : i32
    %dma_wait3A_342 = arith.constant 2560 : i32
    %dma_wait3A_343 = arith.constant 0 : i32
    %dma_wait3A_344 = tpu.memref_slice %arg6[%dma_wait3A_342, %dma_wait3A_343] : memref<3072x32xf32, #tpu.memory_space<vmem>> -> memref<256x32xf32, #tpu.memory_space<vmem>>
    %dma_wait3A_345 = arith.constant 0 : i32
    %dma_wait3A_346 = tpu.memref_slice %arg5[%dma_wait3A_341, %dma_wait3A_345] : memref<52x256xi32, #tpu.memory_space<vmem>> -> memref<1x256xi32, #tpu.memory_space<vmem>>
    %dma_wait3A_347 = tpu.memref_squeeze %dma_wait3A_346 : memref<1x256xi32, #tpu.memory_space<vmem>> -> memref<256xi32, #tpu.memory_space<vmem>>
    %dma_wait3A_348 = arith.constant 0 : i32
    %dma_wait3A_349 = arith.constant 0 : i32
    %dma_wait3A_350 = tpu.memref_slice %arg3[%dma_wait3A_348, %dma_wait3A_349] : memref<1000000x32xf32, #tpu.memory_space<hbm>> -> memref<1000000x32xf32, #tpu.memory_space<hbm>>
    tpu.wait_indirect_dma semaphore(%arg17 : memref<!tpu.dma_semaphore, #tpu.memory_space<semaphore_mem>>) src(%dma_wait3A_350 : memref<1000000x32xf32, #tpu.memory_space<hbm>>) dst(%dma_wait3A_344 : memref<256x32xf32, #tpu.memory_space<vmem>>)
    %dma_start3A_351 = arith.constant 19 : i32
    %dma_start3A_352 = arith.constant 1792 : i32
    %dma_start3A_353 = arith.constant 0 : i32
    %dma_start3A_354 = tpu.memref_slice %arg6[%dma_start3A_352, %dma_start3A_353] : memref<3072x32xf32, #tpu.memory_space<vmem>> -> memref<256x32xf32, #tpu.memory_space<vmem>>
    %dma_start3A_355 = arith.constant 0 : i32
    %dma_start3A_356 = tpu.memref_slice %arg5[%dma_start3A_351, %dma_start3A_355] : memref<52x256xi32, #tpu.memory_space<vmem>> -> memref<1x256xi32, #tpu.memory_space<vmem>>
    %dma_start3A_357 = tpu.memref_squeeze %dma_start3A_356 : memref<1x256xi32, #tpu.memory_space<vmem>> -> memref<256xi32, #tpu.memory_space<vmem>>
    %dma_start3A_358 = arith.constant 0 : i32
    %dma_start3A_359 = arith.constant 0 : i32
    %dma_start3A_360 = tpu.memref_slice %arg3[%dma_start3A_358, %dma_start3A_359] : memref<1000000x32xf32, #tpu.memory_space<hbm>> -> memref<1000000x32xf32, #tpu.memory_space<hbm>>
    tpu.enqueue_indirect_dma source(%dma_start3A_360 : memref<1000000x32xf32, #tpu.memory_space<hbm>>) target(%dma_start3A_354 : memref<256x32xf32, #tpu.memory_space<vmem>>) offsets(%dma_start3A_357 : memref<256xi32, #tpu.memory_space<vmem>>) semaphore(%arg14 : memref<!tpu.dma_semaphore, #tpu.memory_space<semaphore_mem>>)
    %dma_wait3A_361 = arith.constant 11 : i32
    %dma_wait3A_362 = arith.constant 2816 : i32
    %dma_wait3A_363 = arith.constant 0 : i32
    %dma_wait3A_364 = tpu.memref_slice %arg6[%dma_wait3A_362, %dma_wait3A_363] : memref<3072x32xf32, #tpu.memory_space<vmem>> -> memref<256x32xf32, #tpu.memory_space<vmem>>
    %dma_wait3A_365 = arith.constant 0 : i32
    %dma_wait3A_366 = tpu.memref_slice %arg5[%dma_wait3A_361, %dma_wait3A_365] : memref<52x256xi32, #tpu.memory_space<vmem>> -> memref<1x256xi32, #tpu.memory_space<vmem>>
    %dma_wait3A_367 = tpu.memref_squeeze %dma_wait3A_366 : memref<1x256xi32, #tpu.memory_space<vmem>> -> memref<256xi32, #tpu.memory_space<vmem>>
    %dma_wait3A_368 = arith.constant 0 : i32
    %dma_wait3A_369 = arith.constant 0 : i32
    %dma_wait3A_370 = tpu.memref_slice %arg3[%dma_wait3A_368, %dma_wait3A_369] : memref<1000000x32xf32, #tpu.memory_space<hbm>> -> memref<1000000x32xf32, #tpu.memory_space<hbm>>
    tpu.wait_indirect_dma semaphore(%arg18 : memref<!tpu.dma_semaphore, #tpu.memory_space<semaphore_mem>>) src(%dma_wait3A_370 : memref<1000000x32xf32, #tpu.memory_space<hbm>>) dst(%dma_wait3A_364 : memref<256x32xf32, #tpu.memory_space<vmem>>)
    %add3A_371 = arith.constant 2048 : i32
    %add3A_372 = arith.addi %mul3A_4, %add3A_371 : i32
    %dma_start3A_373 = arith.constant 2048 : i32
    %dma_start3A_374 = arith.constant 0 : i32
    %dma_start3A_375 = tpu.memref_slice %arg6[%dma_start3A_373, %dma_start3A_374] : memref<3072x32xf32, #tpu.memory_space<vmem>> -> memref<1024x32xf32, #tpu.memory_space<vmem>>
    %dma_start3A_376 = arith.constant 0 : i32
    %dma_start3A_377 = tpu.memref_slice %arg4[%add3A_372, %dma_start3A_376] : memref<425984x32xf32, #tpu.memory_space<hbm>> -> memref<1024x32xf32, #tpu.memory_space<hbm>>
    %dma_start3A_378 = arith.constant 0 : i32
    %dma_start3A_379 = tpu.memref_slice %arg4[%add3A_372, %dma_start3A_378] : memref<425984x32xf32, #tpu.memory_space<hbm>> -> memref<1024x32xf32, #tpu.memory_space<hbm>>
    %dma_start3A_380 = arith.constant 2048 : i32
    %dma_start3A_381 = arith.constant 0 : i32
    %dma_start3A_382 = tpu.memref_slice %arg6[%dma_start3A_380, %dma_start3A_381] : memref<3072x32xf32, #tpu.memory_space<vmem>> -> memref<1024x32xf32, #tpu.memory_space<vmem>>
    tpu.enqueue_dma source(%dma_start3A_382 : memref<1024x32xf32, #tpu.memory_space<vmem>>) target(%dma_start3A_379 : memref<1024x32xf32, #tpu.memory_space<hbm>>) target_semaphore(%arg21 : memref<!tpu.dma_semaphore, #tpu.memory_space<semaphore_mem>>)
    %add3A_383 = arith.constant 2048 : i32
    %add3A_384 = arith.addi %mul3A_4, %add3A_383 : i32
    %dma_wait3A_385 = arith.constant 2048 : i32
    %dma_wait3A_386 = arith.constant 0 : i32
    %dma_wait3A_387 = tpu.memref_slice %arg6[%dma_wait3A_385, %dma_wait3A_386] : memref<3072x32xf32, #tpu.memory_space<vmem>> -> memref<1024x32xf32, #tpu.memory_space<vmem>>
    %dma_wait3A_388 = arith.constant 0 : i32
    %dma_wait3A_389 = tpu.memref_slice %arg4[%add3A_384, %dma_wait3A_388] : memref<425984x32xf32, #tpu.memory_space<hbm>> -> memref<1024x32xf32, #tpu.memory_space<hbm>>
    %dma_wait3A_390 = arith.constant 0 : i32
    %dma_wait3A_391 = tpu.memref_slice %arg4[%add3A_384, %dma_wait3A_390] : memref<425984x32xf32, #tpu.memory_space<hbm>> -> memref<1024x32xf32, #tpu.memory_space<hbm>>
    %dma_wait3A_392 = arith.constant 2048 : i32
    %dma_wait3A_393 = arith.constant 0 : i32
    %dma_wait3A_394 = tpu.memref_slice %arg6[%dma_wait3A_392, %dma_wait3A_393] : memref<3072x32xf32, #tpu.memory_space<vmem>> -> memref<1024x32xf32, #tpu.memory_space<vmem>>
    tpu.wait_dma2 semaphore(%arg21 : memref<!tpu.dma_semaphore, #tpu.memory_space<semaphore_mem>>) src(%dma_wait3A_394 : memref<1024x32xf32, #tpu.memory_space<vmem>>) dst(%dma_wait3A_391 : memref<1024x32xf32, #tpu.memory_space<hbm>>)
    %dma_start3A_395 = arith.constant 20 : i32
    %dma_start3A_396 = arith.constant 2048 : i32
    %dma_start3A_397 = arith.constant 0 : i32
    %dma_start3A_398 = tpu.memref_slice %arg6[%dma_start3A_396, %dma_start3A_397] : memref<3072x32xf32, #tpu.memory_space<vmem>> -> memref<256x32xf32, #tpu.memory_space<vmem>>
    %dma_start3A_399 = arith.constant 0 : i32
    %dma_start3A_400 = tpu.memref_slice %arg5[%dma_start3A_395, %dma_start3A_399] : memref<52x256xi32, #tpu.memory_space<vmem>> -> memref<1x256xi32, #tpu.memory_space<vmem>>
    %dma_start3A_401 = tpu.memref_squeeze %dma_start3A_400 : memref<1x256xi32, #tpu.memory_space<vmem>> -> memref<256xi32, #tpu.memory_space<vmem>>
    %dma_start3A_402 = arith.constant 0 : i32
    %dma_start3A_403 = arith.constant 0 : i32
    %dma_start3A_404 = tpu.memref_slice %arg3[%dma_start3A_402, %dma_start3A_403] : memref<1000000x32xf32, #tpu.memory_space<hbm>> -> memref<1000000x32xf32, #tpu.memory_space<hbm>>
    tpu.enqueue_indirect_dma source(%dma_start3A_404 : memref<1000000x32xf32, #tpu.memory_space<hbm>>) target(%dma_start3A_398 : memref<256x32xf32, #tpu.memory_space<vmem>>) offsets(%dma_start3A_401 : memref<256xi32, #tpu.memory_space<vmem>>) semaphore(%arg15 : memref<!tpu.dma_semaphore, #tpu.memory_space<semaphore_mem>>)
    %dma_wait3A_405 = arith.constant 12 : i32
    %dma_wait3A_406 = arith.constant 0 : i32
    %dma_wait3A_407 = arith.constant 0 : i32
    %dma_wait3A_408 = tpu.memref_slice %arg6[%dma_wait3A_406, %dma_wait3A_407] : memref<3072x32xf32, #tpu.memory_space<vmem>> -> memref<256x32xf32, #tpu.memory_space<vmem>>
    %dma_wait3A_409 = arith.constant 0 : i32
    %dma_wait3A_410 = tpu.memref_slice %arg5[%dma_wait3A_405, %dma_wait3A_409] : memref<52x256xi32, #tpu.memory_space<vmem>> -> memref<1x256xi32, #tpu.memory_space<vmem>>
    %dma_wait3A_411 = tpu.memref_squeeze %dma_wait3A_410 : memref<1x256xi32, #tpu.memory_space<vmem>> -> memref<256xi32, #tpu.memory_space<vmem>>
    %dma_wait3A_412 = arith.constant 0 : i32
    %dma_wait3A_413 = arith.constant 0 : i32
    %dma_wait3A_414 = tpu.memref_slice %arg3[%dma_wait3A_412, %dma_wait3A_413] : memref<1000000x32xf32, #tpu.memory_space<hbm>> -> memref<1000000x32xf32, #tpu.memory_space<hbm>>
    tpu.wait_indirect_dma semaphore(%arg7 : memref<!tpu.dma_semaphore, #tpu.memory_space<semaphore_mem>>) src(%dma_wait3A_414 : memref<1000000x32xf32, #tpu.memory_space<hbm>>) dst(%dma_wait3A_408 : memref<256x32xf32, #tpu.memory_space<vmem>>)
    %dma_start3A_415 = arith.constant 21 : i32
    %dma_start3A_416 = arith.constant 2304 : i32
    %dma_start3A_417 = arith.constant 0 : i32
    %dma_start3A_418 = tpu.memref_slice %arg6[%dma_start3A_416, %dma_start3A_417] : memref<3072x32xf32, #tpu.memory_space<vmem>> -> memref<256x32xf32, #tpu.memory_space<vmem>>
    %dma_start3A_419 = arith.constant 0 : i32
    %dma_start3A_420 = tpu.memref_slice %arg5[%dma_start3A_415, %dma_start3A_419] : memref<52x256xi32, #tpu.memory_space<vmem>> -> memref<1x256xi32, #tpu.memory_space<vmem>>
    %dma_start3A_421 = tpu.memref_squeeze %dma_start3A_420 : memref<1x256xi32, #tpu.memory_space<vmem>> -> memref<256xi32, #tpu.memory_space<vmem>>
    %dma_start3A_422 = arith.constant 0 : i32
    %dma_start3A_423 = arith.constant 0 : i32
    %dma_start3A_424 = tpu.memref_slice %arg3[%dma_start3A_422, %dma_start3A_423] : memref<1000000x32xf32, #tpu.memory_space<hbm>> -> memref<1000000x32xf32, #tpu.memory_space<hbm>>
    tpu.enqueue_indirect_dma source(%dma_start3A_424 : memref<1000000x32xf32, #tpu.memory_space<hbm>>) target(%dma_start3A_418 : memref<256x32xf32, #tpu.memory_space<vmem>>) offsets(%dma_start3A_421 : memref<256xi32, #tpu.memory_space<vmem>>) semaphore(%arg16 : memref<!tpu.dma_semaphore, #tpu.memory_space<semaphore_mem>>)
    %dma_wait3A_425 = arith.constant 13 : i32
    %dma_wait3A_426 = arith.constant 256 : i32
    %dma_wait3A_427 = arith.constant 0 : i32
    %dma_wait3A_428 = tpu.memref_slice %arg6[%dma_wait3A_426, %dma_wait3A_427] : memref<3072x32xf32, #tpu.memory_space<vmem>> -> memref<256x32xf32, #tpu.memory_space<vmem>>
    %dma_wait3A_429 = arith.constant 0 : i32
    %dma_wait3A_430 = tpu.memref_slice %arg5[%dma_wait3A_425, %dma_wait3A_429] : memref<52x256xi32, #tpu.memory_space<vmem>> -> memref<1x256xi32, #tpu.memory_space<vmem>>
    %dma_wait3A_431 = tpu.memref_squeeze %dma_wait3A_430 : memref<1x256xi32, #tpu.memory_space<vmem>> -> memref<256xi32, #tpu.memory_space<vmem>>
    %dma_wait3A_432 = arith.constant 0 : i32
    %dma_wait3A_433 = arith.constant 0 : i32
    %dma_wait3A_434 = tpu.memref_slice %arg3[%dma_wait3A_432, %dma_wait3A_433] : memref<1000000x32xf32, #tpu.memory_space<hbm>> -> memref<1000000x32xf32, #tpu.memory_space<hbm>>
    tpu.wait_indirect_dma semaphore(%arg8 : memref<!tpu.dma_semaphore, #tpu.memory_space<semaphore_mem>>) src(%dma_wait3A_434 : memref<1000000x32xf32, #tpu.memory_space<hbm>>) dst(%dma_wait3A_428 : memref<256x32xf32, #tpu.memory_space<vmem>>)
    %dma_start3A_435 = arith.constant 22 : i32
    %dma_start3A_436 = arith.constant 2560 : i32
    %dma_start3A_437 = arith.constant 0 : i32
    %dma_start3A_438 = tpu.memref_slice %arg6[%dma_start3A_436, %dma_start3A_437] : memref<3072x32xf32, #tpu.memory_space<vmem>> -> memref<256x32xf32, #tpu.memory_space<vmem>>
    %dma_start3A_439 = arith.constant 0 : i32
    %dma_start3A_440 = tpu.memref_slice %arg5[%dma_start3A_435, %dma_start3A_439] : memref<52x256xi32, #tpu.memory_space<vmem>> -> memref<1x256xi32, #tpu.memory_space<vmem>>
    %dma_start3A_441 = tpu.memref_squeeze %dma_start3A_440 : memref<1x256xi32, #tpu.memory_space<vmem>> -> memref<256xi32, #tpu.memory_space<vmem>>
    %dma_start3A_442 = arith.constant 0 : i32
    %dma_start3A_443 = arith.constant 0 : i32
    %dma_start3A_444 = tpu.memref_slice %arg3[%dma_start3A_442, %dma_start3A_443] : memref<1000000x32xf32, #tpu.memory_space<hbm>> -> memref<1000000x32xf32, #tpu.memory_space<hbm>>
    tpu.enqueue_indirect_dma source(%dma_start3A_444 : memref<1000000x32xf32, #tpu.memory_space<hbm>>) target(%dma_start3A_438 : memref<256x32xf32, #tpu.memory_space<vmem>>) offsets(%dma_start3A_441 : memref<256xi32, #tpu.memory_space<vmem>>) semaphore(%arg17 : memref<!tpu.dma_semaphore, #tpu.memory_space<semaphore_mem>>)
    %dma_wait3A_445 = arith.constant 14 : i32
    %dma_wait3A_446 = arith.constant 512 : i32
    %dma_wait3A_447 = arith.constant 0 : i32
    %dma_wait3A_448 = tpu.memref_slice %arg6[%dma_wait3A_446, %dma_wait3A_447] : memref<3072x32xf32, #tpu.memory_space<vmem>> -> memref<256x32xf32, #tpu.memory_space<vmem>>
    %dma_wait3A_449 = arith.constant 0 : i32
    %dma_wait3A_450 = tpu.memref_slice %arg5[%dma_wait3A_445, %dma_wait3A_449] : memref<52x256xi32, #tpu.memory_space<vmem>> -> memref<1x256xi32, #tpu.memory_space<vmem>>
    %dma_wait3A_451 = tpu.memref_squeeze %dma_wait3A_450 : memref<1x256xi32, #tpu.memory_space<vmem>> -> memref<256xi32, #tpu.memory_space<vmem>>
    %dma_wait3A_452 = arith.constant 0 : i32
    %dma_wait3A_453 = arith.constant 0 : i32
    %dma_wait3A_454 = tpu.memref_slice %arg3[%dma_wait3A_452, %dma_wait3A_453] : memref<1000000x32xf32, #tpu.memory_space<hbm>> -> memref<1000000x32xf32, #tpu.memory_space<hbm>>
    tpu.wait_indirect_dma semaphore(%arg9 : memref<!tpu.dma_semaphore, #tpu.memory_space<semaphore_mem>>) src(%dma_wait3A_454 : memref<1000000x32xf32, #tpu.memory_space<hbm>>) dst(%dma_wait3A_448 : memref<256x32xf32, #tpu.memory_space<vmem>>)
    %dma_start3A_455 = arith.constant 23 : i32
    %dma_start3A_456 = arith.constant 2816 : i32
    %dma_start3A_457 = arith.constant 0 : i32
    %dma_start3A_458 = tpu.memref_slice %arg6[%dma_start3A_456, %dma_start3A_457] : memref<3072x32xf32, #tpu.memory_space<vmem>> -> memref<256x32xf32, #tpu.memory_space<vmem>>
    %dma_start3A_459 = arith.constant 0 : i32
    %dma_start3A_460 = tpu.memref_slice %arg5[%dma_start3A_455, %dma_start3A_459] : memref<52x256xi32, #tpu.memory_space<vmem>> -> memref<1x256xi32, #tpu.memory_space<vmem>>
    %dma_start3A_461 = tpu.memref_squeeze %dma_start3A_460 : memref<1x256xi32, #tpu.memory_space<vmem>> -> memref<256xi32, #tpu.memory_space<vmem>>
    %dma_start3A_462 = arith.constant 0 : i32
    %dma_start3A_463 = arith.constant 0 : i32
    %dma_start3A_464 = tpu.memref_slice %arg3[%dma_start3A_462, %dma_start3A_463] : memref<1000000x32xf32, #tpu.memory_space<hbm>> -> memref<1000000x32xf32, #tpu.memory_space<hbm>>
    tpu.enqueue_indirect_dma source(%dma_start3A_464 : memref<1000000x32xf32, #tpu.memory_space<hbm>>) target(%dma_start3A_458 : memref<256x32xf32, #tpu.memory_space<vmem>>) offsets(%dma_start3A_461 : memref<256xi32, #tpu.memory_space<vmem>>) semaphore(%arg18 : memref<!tpu.dma_semaphore, #tpu.memory_space<semaphore_mem>>)
    %dma_wait3A_465 = arith.constant 15 : i32
    %dma_wait3A_466 = arith.constant 768 : i32
    %dma_wait3A_467 = arith.constant 0 : i32
    %dma_wait3A_468 = tpu.memref_slice %arg6[%dma_wait3A_466, %dma_wait3A_467] : memref<3072x32xf32, #tpu.memory_space<vmem>> -> memref<256x32xf32, #tpu.memory_space<vmem>>
    %dma_wait3A_469 = arith.constant 0 : i32
    %dma_wait3A_470 = tpu.memref_slice %arg5[%dma_wait3A_465, %dma_wait3A_469] : memref<52x256xi32, #tpu.memory_space<vmem>> -> memref<1x256xi32, #tpu.memory_space<vmem>>
    %dma_wait3A_471 = tpu.memref_squeeze %dma_wait3A_470 : memref<1x256xi32, #tpu.memory_space<vmem>> -> memref<256xi32, #tpu.memory_space<vmem>>
    %dma_wait3A_472 = arith.constant 0 : i32
    %dma_wait3A_473 = arith.constant 0 : i32
    %dma_wait3A_474 = tpu.memref_slice %arg3[%dma_wait3A_472, %dma_wait3A_473] : memref<1000000x32xf32, #tpu.memory_space<hbm>> -> memref<1000000x32xf32, #tpu.memory_space<hbm>>
    tpu.wait_indirect_dma semaphore(%arg10 : memref<!tpu.dma_semaphore, #tpu.memory_space<semaphore_mem>>) src(%dma_wait3A_474 : memref<1000000x32xf32, #tpu.memory_space<hbm>>) dst(%dma_wait3A_468 : memref<256x32xf32, #tpu.memory_space<vmem>>)
    %add3A_475 = arith.constant 3072 : i32
    %add3A_476 = arith.addi %mul3A_4, %add3A_475 : i32
    %dma_start3A_477 = arith.constant 0 : i32
    %dma_start3A_478 = arith.constant 0 : i32
    %dma_start3A_479 = tpu.memref_slice %arg6[%dma_start3A_477, %dma_start3A_478] : memref<3072x32xf32, #tpu.memory_space<vmem>> -> memref<1024x32xf32, #tpu.memory_space<vmem>>
    %dma_start3A_480 = arith.constant 0 : i32
    %dma_start3A_481 = tpu.memref_slice %arg4[%add3A_476, %dma_start3A_480] : memref<425984x32xf32, #tpu.memory_space<hbm>> -> memref<1024x32xf32, #tpu.memory_space<hbm>>
    %dma_start3A_482 = arith.constant 0 : i32
    %dma_start3A_483 = tpu.memref_slice %arg4[%add3A_476, %dma_start3A_482] : memref<425984x32xf32, #tpu.memory_space<hbm>> -> memref<1024x32xf32, #tpu.memory_space<hbm>>
    %dma_start3A_484 = arith.constant 0 : i32
    %dma_start3A_485 = arith.constant 0 : i32
    %dma_start3A_486 = tpu.memref_slice %arg6[%dma_start3A_484, %dma_start3A_485] : memref<3072x32xf32, #tpu.memory_space<vmem>> -> memref<1024x32xf32, #tpu.memory_space<vmem>>
    tpu.enqueue_dma source(%dma_start3A_486 : memref<1024x32xf32, #tpu.memory_space<vmem>>) target(%dma_start3A_483 : memref<1024x32xf32, #tpu.memory_space<hbm>>) target_semaphore(%arg19 : memref<!tpu.dma_semaphore, #tpu.memory_space<semaphore_mem>>)
    %add3A_487 = arith.constant 3072 : i32
    %add3A_488 = arith.addi %mul3A_4, %add3A_487 : i32
    %dma_wait3A_489 = arith.constant 0 : i32
    %dma_wait3A_490 = arith.constant 0 : i32
    %dma_wait3A_491 = tpu.memref_slice %arg6[%dma_wait3A_489, %dma_wait3A_490] : memref<3072x32xf32, #tpu.memory_space<vmem>> -> memref<1024x32xf32, #tpu.memory_space<vmem>>
    %dma_wait3A_492 = arith.constant 0 : i32
    %dma_wait3A_493 = tpu.memref_slice %arg4[%add3A_488, %dma_wait3A_492] : memref<425984x32xf32, #tpu.memory_space<hbm>> -> memref<1024x32xf32, #tpu.memory_space<hbm>>
    %dma_wait3A_494 = arith.constant 0 : i32
    %dma_wait3A_495 = tpu.memref_slice %arg4[%add3A_488, %dma_wait3A_494] : memref<425984x32xf32, #tpu.memory_space<hbm>> -> memref<1024x32xf32, #tpu.memory_space<hbm>>
    %dma_wait3A_496 = arith.constant 0 : i32
    %dma_wait3A_497 = arith.constant 0 : i32
    %dma_wait3A_498 = tpu.memref_slice %arg6[%dma_wait3A_496, %dma_wait3A_497] : memref<3072x32xf32, #tpu.memory_space<vmem>> -> memref<1024x32xf32, #tpu.memory_space<vmem>>
    tpu.wait_dma2 semaphore(%arg19 : memref<!tpu.dma_semaphore, #tpu.memory_space<semaphore_mem>>) src(%dma_wait3A_498 : memref<1024x32xf32, #tpu.memory_space<vmem>>) dst(%dma_wait3A_495 : memref<1024x32xf32, #tpu.memory_space<hbm>>)
    %dma_start3A_499 = arith.constant 24 : i32
    %dma_start3A_500 = arith.constant 0 : i32
    %dma_start3A_501 = arith.constant 0 : i32
    %dma_start3A_502 = tpu.memref_slice %arg6[%dma_start3A_500, %dma_start3A_501] : memref<3072x32xf32, #tpu.memory_space<vmem>> -> memref<256x32xf32, #tpu.memory_space<vmem>>
    %dma_start3A_503 = arith.constant 0 : i32
    %dma_start3A_504 = tpu.memref_slice %arg5[%dma_start3A_499, %dma_start3A_503] : memref<52x256xi32, #tpu.memory_space<vmem>> -> memref<1x256xi32, #tpu.memory_space<vmem>>
    %dma_start3A_505 = tpu.memref_squeeze %dma_start3A_504 : memref<1x256xi32, #tpu.memory_space<vmem>> -> memref<256xi32, #tpu.memory_space<vmem>>
    %dma_start3A_506 = arith.constant 0 : i32
    %dma_start3A_507 = arith.constant 0 : i32
    %dma_start3A_508 = tpu.memref_slice %arg3[%dma_start3A_506, %dma_start3A_507] : memref<1000000x32xf32, #tpu.memory_space<hbm>> -> memref<1000000x32xf32, #tpu.memory_space<hbm>>
    tpu.enqueue_indirect_dma source(%dma_start3A_508 : memref<1000000x32xf32, #tpu.memory_space<hbm>>) target(%dma_start3A_502 : memref<256x32xf32, #tpu.memory_space<vmem>>) offsets(%dma_start3A_505 : memref<256xi32, #tpu.memory_space<vmem>>) semaphore(%arg7 : memref<!tpu.dma_semaphore, #tpu.memory_space<semaphore_mem>>)
    %dma_wait3A_509 = arith.constant 16 : i32
    %dma_wait3A_510 = arith.constant 1024 : i32
    %dma_wait3A_511 = arith.constant 0 : i32
    %dma_wait3A_512 = tpu.memref_slice %arg6[%dma_wait3A_510, %dma_wait3A_511] : memref<3072x32xf32, #tpu.memory_space<vmem>> -> memref<256x32xf32, #tpu.memory_space<vmem>>
    %dma_wait3A_513 = arith.constant 0 : i32
    %dma_wait3A_514 = tpu.memref_slice %arg5[%dma_wait3A_509, %dma_wait3A_513] : memref<52x256xi32, #tpu.memory_space<vmem>> -> memref<1x256xi32, #tpu.memory_space<vmem>>
    %dma_wait3A_515 = tpu.memref_squeeze %dma_wait3A_514 : memref<1x256xi32, #tpu.memory_space<vmem>> -> memref<256xi32, #tpu.memory_space<vmem>>
    %dma_wait3A_516 = arith.constant 0 : i32
    %dma_wait3A_517 = arith.constant 0 : i32
    %dma_wait3A_518 = tpu.memref_slice %arg3[%dma_wait3A_516, %dma_wait3A_517] : memref<1000000x32xf32, #tpu.memory_space<hbm>> -> memref<1000000x32xf32, #tpu.memory_space<hbm>>
    tpu.wait_indirect_dma semaphore(%arg11 : memref<!tpu.dma_semaphore, #tpu.memory_space<semaphore_mem>>) src(%dma_wait3A_518 : memref<1000000x32xf32, #tpu.memory_space<hbm>>) dst(%dma_wait3A_512 : memref<256x32xf32, #tpu.memory_space<vmem>>)
    %dma_start3A_519 = arith.constant 25 : i32
    %dma_start3A_520 = arith.constant 256 : i32
    %dma_start3A_521 = arith.constant 0 : i32
    %dma_start3A_522 = tpu.memref_slice %arg6[%dma_start3A_520, %dma_start3A_521] : memref<3072x32xf32, #tpu.memory_space<vmem>> -> memref<256x32xf32, #tpu.memory_space<vmem>>
    %dma_start3A_523 = arith.constant 0 : i32
    %dma_start3A_524 = tpu.memref_slice %arg5[%dma_start3A_519, %dma_start3A_523] : memref<52x256xi32, #tpu.memory_space<vmem>> -> memref<1x256xi32, #tpu.memory_space<vmem>>
    %dma_start3A_525 = tpu.memref_squeeze %dma_start3A_524 : memref<1x256xi32, #tpu.memory_space<vmem>> -> memref<256xi32, #tpu.memory_space<vmem>>
    %dma_start3A_526 = arith.constant 0 : i32
    %dma_start3A_527 = arith.constant 0 : i32
    %dma_start3A_528 = tpu.memref_slice %arg3[%dma_start3A_526, %dma_start3A_527] : memref<1000000x32xf32, #tpu.memory_space<hbm>> -> memref<1000000x32xf32, #tpu.memory_space<hbm>>
    tpu.enqueue_indirect_dma source(%dma_start3A_528 : memref<1000000x32xf32, #tpu.memory_space<hbm>>) target(%dma_start3A_522 : memref<256x32xf32, #tpu.memory_space<vmem>>) offsets(%dma_start3A_525 : memref<256xi32, #tpu.memory_space<vmem>>) semaphore(%arg8 : memref<!tpu.dma_semaphore, #tpu.memory_space<semaphore_mem>>)
    %dma_wait3A_529 = arith.constant 17 : i32
    %dma_wait3A_530 = arith.constant 1280 : i32
    %dma_wait3A_531 = arith.constant 0 : i32
    %dma_wait3A_532 = tpu.memref_slice %arg6[%dma_wait3A_530, %dma_wait3A_531] : memref<3072x32xf32, #tpu.memory_space<vmem>> -> memref<256x32xf32, #tpu.memory_space<vmem>>
    %dma_wait3A_533 = arith.constant 0 : i32
    %dma_wait3A_534 = tpu.memref_slice %arg5[%dma_wait3A_529, %dma_wait3A_533] : memref<52x256xi32, #tpu.memory_space<vmem>> -> memref<1x256xi32, #tpu.memory_space<vmem>>
    %dma_wait3A_535 = tpu.memref_squeeze %dma_wait3A_534 : memref<1x256xi32, #tpu.memory_space<vmem>> -> memref<256xi32, #tpu.memory_space<vmem>>
    %dma_wait3A_536 = arith.constant 0 : i32
    %dma_wait3A_537 = arith.constant 0 : i32
    %dma_wait3A_538 = tpu.memref_slice %arg3[%dma_wait3A_536, %dma_wait3A_537] : memref<1000000x32xf32, #tpu.memory_space<hbm>> -> memref<1000000x32xf32, #tpu.memory_space<hbm>>
    tpu.wait_indirect_dma semaphore(%arg12 : memref<!tpu.dma_semaphore, #tpu.memory_space<semaphore_mem>>) src(%dma_wait3A_538 : memref<1000000x32xf32, #tpu.memory_space<hbm>>) dst(%dma_wait3A_532 : memref<256x32xf32, #tpu.memory_space<vmem>>)
    %dma_start3A_539 = arith.constant 26 : i32
    %dma_start3A_540 = arith.constant 512 : i32
    %dma_start3A_541 = arith.constant 0 : i32
    %dma_start3A_542 = tpu.memref_slice %arg6[%dma_start3A_540, %dma_start3A_541] : memref<3072x32xf32, #tpu.memory_space<vmem>> -> memref<256x32xf32, #tpu.memory_space<vmem>>
    %dma_start3A_543 = arith.constant 0 : i32
    %dma_start3A_544 = tpu.memref_slice %arg5[%dma_start3A_539, %dma_start3A_543] : memref<52x256xi32, #tpu.memory_space<vmem>> -> memref<1x256xi32, #tpu.memory_space<vmem>>
    %dma_start3A_545 = tpu.memref_squeeze %dma_start3A_544 : memref<1x256xi32, #tpu.memory_space<vmem>> -> memref<256xi32, #tpu.memory_space<vmem>>
    %dma_start3A_546 = arith.constant 0 : i32
    %dma_start3A_547 = arith.constant 0 : i32
    %dma_start3A_548 = tpu.memref_slice %arg3[%dma_start3A_546, %dma_start3A_547] : memref<1000000x32xf32, #tpu.memory_space<hbm>> -> memref<1000000x32xf32, #tpu.memory_space<hbm>>
    tpu.enqueue_indirect_dma source(%dma_start3A_548 : memref<1000000x32xf32, #tpu.memory_space<hbm>>) target(%dma_start3A_542 : memref<256x32xf32, #tpu.memory_space<vmem>>) offsets(%dma_start3A_545 : memref<256xi32, #tpu.memory_space<vmem>>) semaphore(%arg9 : memref<!tpu.dma_semaphore, #tpu.memory_space<semaphore_mem>>)
    %dma_wait3A_549 = arith.constant 18 : i32
    %dma_wait3A_550 = arith.constant 1536 : i32
    %dma_wait3A_551 = arith.constant 0 : i32
    %dma_wait3A_552 = tpu.memref_slice %arg6[%dma_wait3A_550, %dma_wait3A_551] : memref<3072x32xf32, #tpu.memory_space<vmem>> -> memref<256x32xf32, #tpu.memory_space<vmem>>
    %dma_wait3A_553 = arith.constant 0 : i32
    %dma_wait3A_554 = tpu.memref_slice %arg5[%dma_wait3A_549, %dma_wait3A_553] : memref<52x256xi32, #tpu.memory_space<vmem>> -> memref<1x256xi32, #tpu.memory_space<vmem>>
    %dma_wait3A_555 = tpu.memref_squeeze %dma_wait3A_554 : memref<1x256xi32, #tpu.memory_space<vmem>> -> memref<256xi32, #tpu.memory_space<vmem>>
    %dma_wait3A_556 = arith.constant 0 : i32
    %dma_wait3A_557 = arith.constant 0 : i32
    %dma_wait3A_558 = tpu.memref_slice %arg3[%dma_wait3A_556, %dma_wait3A_557] : memref<1000000x32xf32, #tpu.memory_space<hbm>> -> memref<1000000x32xf32, #tpu.memory_space<hbm>>
    tpu.wait_indirect_dma semaphore(%arg13 : memref<!tpu.dma_semaphore, #tpu.memory_space<semaphore_mem>>) src(%dma_wait3A_558 : memref<1000000x32xf32, #tpu.memory_space<hbm>>) dst(%dma_wait3A_552 : memref<256x32xf32, #tpu.memory_space<vmem>>)
    %dma_start3A_559 = arith.constant 27 : i32
    %dma_start3A_560 = arith.constant 768 : i32
    %dma_start3A_561 = arith.constant 0 : i32
    %dma_start3A_562 = tpu.memref_slice %arg6[%dma_start3A_560, %dma_start3A_561] : memref<3072x32xf32, #tpu.memory_space<vmem>> -> memref<256x32xf32, #tpu.memory_space<vmem>>
    %dma_start3A_563 = arith.constant 0 : i32
    %dma_start3A_564 = tpu.memref_slice %arg5[%dma_start3A_559, %dma_start3A_563] : memref<52x256xi32, #tpu.memory_space<vmem>> -> memref<1x256xi32, #tpu.memory_space<vmem>>
    %dma_start3A_565 = tpu.memref_squeeze %dma_start3A_564 : memref<1x256xi32, #tpu.memory_space<vmem>> -> memref<256xi32, #tpu.memory_space<vmem>>
    %dma_start3A_566 = arith.constant 0 : i32
    %dma_start3A_567 = arith.constant 0 : i32
    %dma_start3A_568 = tpu.memref_slice %arg3[%dma_start3A_566, %dma_start3A_567] : memref<1000000x32xf32, #tpu.memory_space<hbm>> -> memref<1000000x32xf32, #tpu.memory_space<hbm>>
    tpu.enqueue_indirect_dma source(%dma_start3A_568 : memref<1000000x32xf32, #tpu.memory_space<hbm>>) target(%dma_start3A_562 : memref<256x32xf32, #tpu.memory_space<vmem>>) offsets(%dma_start3A_565 : memref<256xi32, #tpu.memory_space<vmem>>) semaphore(%arg10 : memref<!tpu.dma_semaphore, #tpu.memory_space<semaphore_mem>>)
    %dma_wait3A_569 = arith.constant 19 : i32
    %dma_wait3A_570 = arith.constant 1792 : i32
    %dma_wait3A_571 = arith.constant 0 : i32
    %dma_wait3A_572 = tpu.memref_slice %arg6[%dma_wait3A_570, %dma_wait3A_571] : memref<3072x32xf32, #tpu.memory_space<vmem>> -> memref<256x32xf32, #tpu.memory_space<vmem>>
    %dma_wait3A_573 = arith.constant 0 : i32
    %dma_wait3A_574 = tpu.memref_slice %arg5[%dma_wait3A_569, %dma_wait3A_573] : memref<52x256xi32, #tpu.memory_space<vmem>> -> memref<1x256xi32, #tpu.memory_space<vmem>>
    %dma_wait3A_575 = tpu.memref_squeeze %dma_wait3A_574 : memref<1x256xi32, #tpu.memory_space<vmem>> -> memref<256xi32, #tpu.memory_space<vmem>>
    %dma_wait3A_576 = arith.constant 0 : i32
    %dma_wait3A_577 = arith.constant 0 : i32
    %dma_wait3A_578 = tpu.memref_slice %arg3[%dma_wait3A_576, %dma_wait3A_577] : memref<1000000x32xf32, #tpu.memory_space<hbm>> -> memref<1000000x32xf32, #tpu.memory_space<hbm>>
    tpu.wait_indirect_dma semaphore(%arg14 : memref<!tpu.dma_semaphore, #tpu.memory_space<semaphore_mem>>) src(%dma_wait3A_578 : memref<1000000x32xf32, #tpu.memory_space<hbm>>) dst(%dma_wait3A_572 : memref<256x32xf32, #tpu.memory_space<vmem>>)
    %add3A_579 = arith.constant 4096 : i32
    %add3A_580 = arith.addi %mul3A_4, %add3A_579 : i32
    %dma_start3A_581 = arith.constant 1024 : i32
    %dma_start3A_582 = arith.constant 0 : i32
    %dma_start3A_583 = tpu.memref_slice %arg6[%dma_start3A_581, %dma_start3A_582] : memref<3072x32xf32, #tpu.memory_space<vmem>> -> memref<1024x32xf32, #tpu.memory_space<vmem>>
    %dma_start3A_584 = arith.constant 0 : i32
    %dma_start3A_585 = tpu.memref_slice %arg4[%add3A_580, %dma_start3A_584] : memref<425984x32xf32, #tpu.memory_space<hbm>> -> memref<1024x32xf32, #tpu.memory_space<hbm>>
    %dma_start3A_586 = arith.constant 0 : i32
    %dma_start3A_587 = tpu.memref_slice %arg4[%add3A_580, %dma_start3A_586] : memref<425984x32xf32, #tpu.memory_space<hbm>> -> memref<1024x32xf32, #tpu.memory_space<hbm>>
    %dma_start3A_588 = arith.constant 1024 : i32
    %dma_start3A_589 = arith.constant 0 : i32
    %dma_start3A_590 = tpu.memref_slice %arg6[%dma_start3A_588, %dma_start3A_589] : memref<3072x32xf32, #tpu.memory_space<vmem>> -> memref<1024x32xf32, #tpu.memory_space<vmem>>
    tpu.enqueue_dma source(%dma_start3A_590 : memref<1024x32xf32, #tpu.memory_space<vmem>>) target(%dma_start3A_587 : memref<1024x32xf32, #tpu.memory_space<hbm>>) target_semaphore(%arg20 : memref<!tpu.dma_semaphore, #tpu.memory_space<semaphore_mem>>)
    %add3A_591 = arith.constant 4096 : i32
    %add3A_592 = arith.addi %mul3A_4, %add3A_591 : i32
    %dma_wait3A_593 = arith.constant 1024 : i32
    %dma_wait3A_594 = arith.constant 0 : i32
    %dma_wait3A_595 = tpu.memref_slice %arg6[%dma_wait3A_593, %dma_wait3A_594] : memref<3072x32xf32, #tpu.memory_space<vmem>> -> memref<1024x32xf32, #tpu.memory_space<vmem>>
    %dma_wait3A_596 = arith.constant 0 : i32
    %dma_wait3A_597 = tpu.memref_slice %arg4[%add3A_592, %dma_wait3A_596] : memref<425984x32xf32, #tpu.memory_space<hbm>> -> memref<1024x32xf32, #tpu.memory_space<hbm>>
    %dma_wait3A_598 = arith.constant 0 : i32
    %dma_wait3A_599 = tpu.memref_slice %arg4[%add3A_592, %dma_wait3A_598] : memref<425984x32xf32, #tpu.memory_space<hbm>> -> memref<1024x32xf32, #tpu.memory_space<hbm>>
    %dma_wait3A_600 = arith.constant 1024 : i32
    %dma_wait3A_601 = arith.constant 0 : i32
    %dma_wait3A_602 = tpu.memref_slice %arg6[%dma_wait3A_600, %dma_wait3A_601] : memref<3072x32xf32, #tpu.memory_space<vmem>> -> memref<1024x32xf32, #tpu.memory_space<vmem>>
    tpu.wait_dma2 semaphore(%arg20 : memref<!tpu.dma_semaphore, #tpu.memory_space<semaphore_mem>>) src(%dma_wait3A_602 : memref<1024x32xf32, #tpu.memory_space<vmem>>) dst(%dma_wait3A_599 : memref<1024x32xf32, #tpu.memory_space<hbm>>)
    %dma_start3A_603 = arith.constant 28 : i32
    %dma_start3A_604 = arith.constant 1024 : i32
    %dma_start3A_605 = arith.constant 0 : i32
    %dma_start3A_606 = tpu.memref_slice %arg6[%dma_start3A_604, %dma_start3A_605] : memref<3072x32xf32, #tpu.memory_space<vmem>> -> memref<256x32xf32, #tpu.memory_space<vmem>>
    %dma_start3A_607 = arith.constant 0 : i32
    %dma_start3A_608 = tpu.memref_slice %arg5[%dma_start3A_603, %dma_start3A_607] : memref<52x256xi32, #tpu.memory_space<vmem>> -> memref<1x256xi32, #tpu.memory_space<vmem>>
    %dma_start3A_609 = tpu.memref_squeeze %dma_start3A_608 : memref<1x256xi32, #tpu.memory_space<vmem>> -> memref<256xi32, #tpu.memory_space<vmem>>
    %dma_start3A_610 = arith.constant 0 : i32
    %dma_start3A_611 = arith.constant 0 : i32
    %dma_start3A_612 = tpu.memref_slice %arg3[%dma_start3A_610, %dma_start3A_611] : memref<1000000x32xf32, #tpu.memory_space<hbm>> -> memref<1000000x32xf32, #tpu.memory_space<hbm>>
    tpu.enqueue_indirect_dma source(%dma_start3A_612 : memref<1000000x32xf32, #tpu.memory_space<hbm>>) target(%dma_start3A_606 : memref<256x32xf32, #tpu.memory_space<vmem>>) offsets(%dma_start3A_609 : memref<256xi32, #tpu.memory_space<vmem>>) semaphore(%arg11 : memref<!tpu.dma_semaphore, #tpu.memory_space<semaphore_mem>>)
    %dma_wait3A_613 = arith.constant 20 : i32
    %dma_wait3A_614 = arith.constant 2048 : i32
    %dma_wait3A_615 = arith.constant 0 : i32
    %dma_wait3A_616 = tpu.memref_slice %arg6[%dma_wait3A_614, %dma_wait3A_615] : memref<3072x32xf32, #tpu.memory_space<vmem>> -> memref<256x32xf32, #tpu.memory_space<vmem>>
    %dma_wait3A_617 = arith.constant 0 : i32
    %dma_wait3A_618 = tpu.memref_slice %arg5[%dma_wait3A_613, %dma_wait3A_617] : memref<52x256xi32, #tpu.memory_space<vmem>> -> memref<1x256xi32, #tpu.memory_space<vmem>>
    %dma_wait3A_619 = tpu.memref_squeeze %dma_wait3A_618 : memref<1x256xi32, #tpu.memory_space<vmem>> -> memref<256xi32, #tpu.memory_space<vmem>>
    %dma_wait3A_620 = arith.constant 0 : i32
    %dma_wait3A_621 = arith.constant 0 : i32
    %dma_wait3A_622 = tpu.memref_slice %arg3[%dma_wait3A_620, %dma_wait3A_621] : memref<1000000x32xf32, #tpu.memory_space<hbm>> -> memref<1000000x32xf32, #tpu.memory_space<hbm>>
    tpu.wait_indirect_dma semaphore(%arg15 : memref<!tpu.dma_semaphore, #tpu.memory_space<semaphore_mem>>) src(%dma_wait3A_622 : memref<1000000x32xf32, #tpu.memory_space<hbm>>) dst(%dma_wait3A_616 : memref<256x32xf32, #tpu.memory_space<vmem>>)
    %dma_start3A_623 = arith.constant 29 : i32
    %dma_start3A_624 = arith.constant 1280 : i32
    %dma_start3A_625 = arith.constant 0 : i32
    %dma_start3A_626 = tpu.memref_slice %arg6[%dma_start3A_624, %dma_start3A_625] : memref<3072x32xf32, #tpu.memory_space<vmem>> -> memref<256x32xf32, #tpu.memory_space<vmem>>
    %dma_start3A_627 = arith.constant 0 : i32
    %dma_start3A_628 = tpu.memref_slice %arg5[%dma_start3A_623, %dma_start3A_627] : memref<52x256xi32, #tpu.memory_space<vmem>> -> memref<1x256xi32, #tpu.memory_space<vmem>>
    %dma_start3A_629 = tpu.memref_squeeze %dma_start3A_628 : memref<1x256xi32, #tpu.memory_space<vmem>> -> memref<256xi32, #tpu.memory_space<vmem>>
    %dma_start3A_630 = arith.constant 0 : i32
    %dma_start3A_631 = arith.constant 0 : i32
    %dma_start3A_632 = tpu.memref_slice %arg3[%dma_start3A_630, %dma_start3A_631] : memref<1000000x32xf32, #tpu.memory_space<hbm>> -> memref<1000000x32xf32, #tpu.memory_space<hbm>>
    tpu.enqueue_indirect_dma source(%dma_start3A_632 : memref<1000000x32xf32, #tpu.memory_space<hbm>>) target(%dma_start3A_626 : memref<256x32xf32, #tpu.memory_space<vmem>>) offsets(%dma_start3A_629 : memref<256xi32, #tpu.memory_space<vmem>>) semaphore(%arg12 : memref<!tpu.dma_semaphore, #tpu.memory_space<semaphore_mem>>)
    %dma_wait3A_633 = arith.constant 21 : i32
    %dma_wait3A_634 = arith.constant 2304 : i32
    %dma_wait3A_635 = arith.constant 0 : i32
    %dma_wait3A_636 = tpu.memref_slice %arg6[%dma_wait3A_634, %dma_wait3A_635] : memref<3072x32xf32, #tpu.memory_space<vmem>> -> memref<256x32xf32, #tpu.memory_space<vmem>>
    %dma_wait3A_637 = arith.constant 0 : i32
    %dma_wait3A_638 = tpu.memref_slice %arg5[%dma_wait3A_633, %dma_wait3A_637] : memref<52x256xi32, #tpu.memory_space<vmem>> -> memref<1x256xi32, #tpu.memory_space<vmem>>
    %dma_wait3A_639 = tpu.memref_squeeze %dma_wait3A_638 : memref<1x256xi32, #tpu.memory_space<vmem>> -> memref<256xi32, #tpu.memory_space<vmem>>
    %dma_wait3A_640 = arith.constant 0 : i32
    %dma_wait3A_641 = arith.constant 0 : i32
    %dma_wait3A_642 = tpu.memref_slice %arg3[%dma_wait3A_640, %dma_wait3A_641] : memref<1000000x32xf32, #tpu.memory_space<hbm>> -> memref<1000000x32xf32, #tpu.memory_space<hbm>>
    tpu.wait_indirect_dma semaphore(%arg16 : memref<!tpu.dma_semaphore, #tpu.memory_space<semaphore_mem>>) src(%dma_wait3A_642 : memref<1000000x32xf32, #tpu.memory_space<hbm>>) dst(%dma_wait3A_636 : memref<256x32xf32, #tpu.memory_space<vmem>>)
    %dma_start3A_643 = arith.constant 30 : i32
    %dma_start3A_644 = arith.constant 1536 : i32
    %dma_start3A_645 = arith.constant 0 : i32
    %dma_start3A_646 = tpu.memref_slice %arg6[%dma_start3A_644, %dma_start3A_645] : memref<3072x32xf32, #tpu.memory_space<vmem>> -> memref<256x32xf32, #tpu.memory_space<vmem>>
    %dma_start3A_647 = arith.constant 0 : i32
    %dma_start3A_648 = tpu.memref_slice %arg5[%dma_start3A_643, %dma_start3A_647] : memref<52x256xi32, #tpu.memory_space<vmem>> -> memref<1x256xi32, #tpu.memory_space<vmem>>
    %dma_start3A_649 = tpu.memref_squeeze %dma_start3A_648 : memref<1x256xi32, #tpu.memory_space<vmem>> -> memref<256xi32, #tpu.memory_space<vmem>>
    %dma_start3A_650 = arith.constant 0 : i32
    %dma_start3A_651 = arith.constant 0 : i32
    %dma_start3A_652 = tpu.memref_slice %arg3[%dma_start3A_650, %dma_start3A_651] : memref<1000000x32xf32, #tpu.memory_space<hbm>> -> memref<1000000x32xf32, #tpu.memory_space<hbm>>
    tpu.enqueue_indirect_dma source(%dma_start3A_652 : memref<1000000x32xf32, #tpu.memory_space<hbm>>) target(%dma_start3A_646 : memref<256x32xf32, #tpu.memory_space<vmem>>) offsets(%dma_start3A_649 : memref<256xi32, #tpu.memory_space<vmem>>) semaphore(%arg13 : memref<!tpu.dma_semaphore, #tpu.memory_space<semaphore_mem>>)
    %dma_wait3A_653 = arith.constant 22 : i32
    %dma_wait3A_654 = arith.constant 2560 : i32
    %dma_wait3A_655 = arith.constant 0 : i32
    %dma_wait3A_656 = tpu.memref_slice %arg6[%dma_wait3A_654, %dma_wait3A_655] : memref<3072x32xf32, #tpu.memory_space<vmem>> -> memref<256x32xf32, #tpu.memory_space<vmem>>
    %dma_wait3A_657 = arith.constant 0 : i32
    %dma_wait3A_658 = tpu.memref_slice %arg5[%dma_wait3A_653, %dma_wait3A_657] : memref<52x256xi32, #tpu.memory_space<vmem>> -> memref<1x256xi32, #tpu.memory_space<vmem>>
    %dma_wait3A_659 = tpu.memref_squeeze %dma_wait3A_658 : memref<1x256xi32, #tpu.memory_space<vmem>> -> memref<256xi32, #tpu.memory_space<vmem>>
    %dma_wait3A_660 = arith.constant 0 : i32
    %dma_wait3A_661 = arith.constant 0 : i32
    %dma_wait3A_662 = tpu.memref_slice %arg3[%dma_wait3A_660, %dma_wait3A_661] : memref<1000000x32xf32, #tpu.memory_space<hbm>> -> memref<1000000x32xf32, #tpu.memory_space<hbm>>
    tpu.wait_indirect_dma semaphore(%arg17 : memref<!tpu.dma_semaphore, #tpu.memory_space<semaphore_mem>>) src(%dma_wait3A_662 : memref<1000000x32xf32, #tpu.memory_space<hbm>>) dst(%dma_wait3A_656 : memref<256x32xf32, #tpu.memory_space<vmem>>)
    %dma_start3A_663 = arith.constant 31 : i32
    %dma_start3A_664 = arith.constant 1792 : i32
    %dma_start3A_665 = arith.constant 0 : i32
    %dma_start3A_666 = tpu.memref_slice %arg6[%dma_start3A_664, %dma_start3A_665] : memref<3072x32xf32, #tpu.memory_space<vmem>> -> memref<256x32xf32, #tpu.memory_space<vmem>>
    %dma_start3A_667 = arith.constant 0 : i32
    %dma_start3A_668 = tpu.memref_slice %arg5[%dma_start3A_663, %dma_start3A_667] : memref<52x256xi32, #tpu.memory_space<vmem>> -> memref<1x256xi32, #tpu.memory_space<vmem>>
    %dma_start3A_669 = tpu.memref_squeeze %dma_start3A_668 : memref<1x256xi32, #tpu.memory_space<vmem>> -> memref<256xi32, #tpu.memory_space<vmem>>
    %dma_start3A_670 = arith.constant 0 : i32
    %dma_start3A_671 = arith.constant 0 : i32
    %dma_start3A_672 = tpu.memref_slice %arg3[%dma_start3A_670, %dma_start3A_671] : memref<1000000x32xf32, #tpu.memory_space<hbm>> -> memref<1000000x32xf32, #tpu.memory_space<hbm>>
    tpu.enqueue_indirect_dma source(%dma_start3A_672 : memref<1000000x32xf32, #tpu.memory_space<hbm>>) target(%dma_start3A_666 : memref<256x32xf32, #tpu.memory_space<vmem>>) offsets(%dma_start3A_669 : memref<256xi32, #tpu.memory_space<vmem>>) semaphore(%arg14 : memref<!tpu.dma_semaphore, #tpu.memory_space<semaphore_mem>>)
    %dma_wait3A_673 = arith.constant 23 : i32
    %dma_wait3A_674 = arith.constant 2816 : i32
    %dma_wait3A_675 = arith.constant 0 : i32
    %dma_wait3A_676 = tpu.memref_slice %arg6[%dma_wait3A_674, %dma_wait3A_675] : memref<3072x32xf32, #tpu.memory_space<vmem>> -> memref<256x32xf32, #tpu.memory_space<vmem>>
    %dma_wait3A_677 = arith.constant 0 : i32
    %dma_wait3A_678 = tpu.memref_slice %arg5[%dma_wait3A_673, %dma_wait3A_677] : memref<52x256xi32, #tpu.memory_space<vmem>> -> memref<1x256xi32, #tpu.memory_space<vmem>>
    %dma_wait3A_679 = tpu.memref_squeeze %dma_wait3A_678 : memref<1x256xi32, #tpu.memory_space<vmem>> -> memref<256xi32, #tpu.memory_space<vmem>>
    %dma_wait3A_680 = arith.constant 0 : i32
    %dma_wait3A_681 = arith.constant 0 : i32
    %dma_wait3A_682 = tpu.memref_slice %arg3[%dma_wait3A_680, %dma_wait3A_681] : memref<1000000x32xf32, #tpu.memory_space<hbm>> -> memref<1000000x32xf32, #tpu.memory_space<hbm>>
    tpu.wait_indirect_dma semaphore(%arg18 : memref<!tpu.dma_semaphore, #tpu.memory_space<semaphore_mem>>) src(%dma_wait3A_682 : memref<1000000x32xf32, #tpu.memory_space<hbm>>) dst(%dma_wait3A_676 : memref<256x32xf32, #tpu.memory_space<vmem>>)
    %add3A_683 = arith.constant 5120 : i32
    %add3A_684 = arith.addi %mul3A_4, %add3A_683 : i32
    %dma_start3A_685 = arith.constant 2048 : i32
    %dma_start3A_686 = arith.constant 0 : i32
    %dma_start3A_687 = tpu.memref_slice %arg6[%dma_start3A_685, %dma_start3A_686] : memref<3072x32xf32, #tpu.memory_space<vmem>> -> memref<1024x32xf32, #tpu.memory_space<vmem>>
    %dma_start3A_688 = arith.constant 0 : i32
    %dma_start3A_689 = tpu.memref_slice %arg4[%add3A_684, %dma_start3A_688] : memref<425984x32xf32, #tpu.memory_space<hbm>> -> memref<1024x32xf32, #tpu.memory_space<hbm>>
    %dma_start3A_690 = arith.constant 0 : i32
    %dma_start3A_691 = tpu.memref_slice %arg4[%add3A_684, %dma_start3A_690] : memref<425984x32xf32, #tpu.memory_space<hbm>> -> memref<1024x32xf32, #tpu.memory_space<hbm>>
    %dma_start3A_692 = arith.constant 2048 : i32
    %dma_start3A_693 = arith.constant 0 : i32
    %dma_start3A_694 = tpu.memref_slice %arg6[%dma_start3A_692, %dma_start3A_693] : memref<3072x32xf32, #tpu.memory_space<vmem>> -> memref<1024x32xf32, #tpu.memory_space<vmem>>
    tpu.enqueue_dma source(%dma_start3A_694 : memref<1024x32xf32, #tpu.memory_space<vmem>>) target(%dma_start3A_691 : memref<1024x32xf32, #tpu.memory_space<hbm>>) target_semaphore(%arg21 : memref<!tpu.dma_semaphore, #tpu.memory_space<semaphore_mem>>)
    %add3A_695 = arith.constant 5120 : i32
    %add3A_696 = arith.addi %mul3A_4, %add3A_695 : i32
    %dma_wait3A_697 = arith.constant 2048 : i32
    %dma_wait3A_698 = arith.constant 0 : i32
    %dma_wait3A_699 = tpu.memref_slice %arg6[%dma_wait3A_697, %dma_wait3A_698] : memref<3072x32xf32, #tpu.memory_space<vmem>> -> memref<1024x32xf32, #tpu.memory_space<vmem>>
    %dma_wait3A_700 = arith.constant 0 : i32
    %dma_wait3A_701 = tpu.memref_slice %arg4[%add3A_696, %dma_wait3A_700] : memref<425984x32xf32, #tpu.memory_space<hbm>> -> memref<1024x32xf32, #tpu.memory_space<hbm>>
    %dma_wait3A_702 = arith.constant 0 : i32
    %dma_wait3A_703 = tpu.memref_slice %arg4[%add3A_696, %dma_wait3A_702] : memref<425984x32xf32, #tpu.memory_space<hbm>> -> memref<1024x32xf32, #tpu.memory_space<hbm>>
    %dma_wait3A_704 = arith.constant 2048 : i32
    %dma_wait3A_705 = arith.constant 0 : i32
    %dma_wait3A_706 = tpu.memref_slice %arg6[%dma_wait3A_704, %dma_wait3A_705] : memref<3072x32xf32, #tpu.memory_space<vmem>> -> memref<1024x32xf32, #tpu.memory_space<vmem>>
    tpu.wait_dma2 semaphore(%arg21 : memref<!tpu.dma_semaphore, #tpu.memory_space<semaphore_mem>>) src(%dma_wait3A_706 : memref<1024x32xf32, #tpu.memory_space<vmem>>) dst(%dma_wait3A_703 : memref<1024x32xf32, #tpu.memory_space<hbm>>)
    %dma_start3A_707 = arith.constant 32 : i32
    %dma_start3A_708 = arith.constant 2048 : i32
    %dma_start3A_709 = arith.constant 0 : i32
    %dma_start3A_710 = tpu.memref_slice %arg6[%dma_start3A_708, %dma_start3A_709] : memref<3072x32xf32, #tpu.memory_space<vmem>> -> memref<256x32xf32, #tpu.memory_space<vmem>>
    %dma_start3A_711 = arith.constant 0 : i32
    %dma_start3A_712 = tpu.memref_slice %arg5[%dma_start3A_707, %dma_start3A_711] : memref<52x256xi32, #tpu.memory_space<vmem>> -> memref<1x256xi32, #tpu.memory_space<vmem>>
    %dma_start3A_713 = tpu.memref_squeeze %dma_start3A_712 : memref<1x256xi32, #tpu.memory_space<vmem>> -> memref<256xi32, #tpu.memory_space<vmem>>
    %dma_start3A_714 = arith.constant 0 : i32
    %dma_start3A_715 = arith.constant 0 : i32
    %dma_start3A_716 = tpu.memref_slice %arg3[%dma_start3A_714, %dma_start3A_715] : memref<1000000x32xf32, #tpu.memory_space<hbm>> -> memref<1000000x32xf32, #tpu.memory_space<hbm>>
    tpu.enqueue_indirect_dma source(%dma_start3A_716 : memref<1000000x32xf32, #tpu.memory_space<hbm>>) target(%dma_start3A_710 : memref<256x32xf32, #tpu.memory_space<vmem>>) offsets(%dma_start3A_713 : memref<256xi32, #tpu.memory_space<vmem>>) semaphore(%arg15 : memref<!tpu.dma_semaphore, #tpu.memory_space<semaphore_mem>>)
    %dma_wait3A_717 = arith.constant 24 : i32
    %dma_wait3A_718 = arith.constant 0 : i32
    %dma_wait3A_719 = arith.constant 0 : i32
    %dma_wait3A_720 = tpu.memref_slice %arg6[%dma_wait3A_718, %dma_wait3A_719] : memref<3072x32xf32, #tpu.memory_space<vmem>> -> memref<256x32xf32, #tpu.memory_space<vmem>>
    %dma_wait3A_721 = arith.constant 0 : i32
    %dma_wait3A_722 = tpu.memref_slice %arg5[%dma_wait3A_717, %dma_wait3A_721] : memref<52x256xi32, #tpu.memory_space<vmem>> -> memref<1x256xi32, #tpu.memory_space<vmem>>
    %dma_wait3A_723 = tpu.memref_squeeze %dma_wait3A_722 : memref<1x256xi32, #tpu.memory_space<vmem>> -> memref<256xi32, #tpu.memory_space<vmem>>
    %dma_wait3A_724 = arith.constant 0 : i32
    %dma_wait3A_725 = arith.constant 0 : i32
    %dma_wait3A_726 = tpu.memref_slice %arg3[%dma_wait3A_724, %dma_wait3A_725] : memref<1000000x32xf32, #tpu.memory_space<hbm>> -> memref<1000000x32xf32, #tpu.memory_space<hbm>>
    tpu.wait_indirect_dma semaphore(%arg7 : memref<!tpu.dma_semaphore, #tpu.memory_space<semaphore_mem>>) src(%dma_wait3A_726 : memref<1000000x32xf32, #tpu.memory_space<hbm>>) dst(%dma_wait3A_720 : memref<256x32xf32, #tpu.memory_space<vmem>>)
    %dma_start3A_727 = arith.constant 33 : i32
    %dma_start3A_728 = arith.constant 2304 : i32
    %dma_start3A_729 = arith.constant 0 : i32
    %dma_start3A_730 = tpu.memref_slice %arg6[%dma_start3A_728, %dma_start3A_729] : memref<3072x32xf32, #tpu.memory_space<vmem>> -> memref<256x32xf32, #tpu.memory_space<vmem>>
    %dma_start3A_731 = arith.constant 0 : i32
    %dma_start3A_732 = tpu.memref_slice %arg5[%dma_start3A_727, %dma_start3A_731] : memref<52x256xi32, #tpu.memory_space<vmem>> -> memref<1x256xi32, #tpu.memory_space<vmem>>
    %dma_start3A_733 = tpu.memref_squeeze %dma_start3A_732 : memref<1x256xi32, #tpu.memory_space<vmem>> -> memref<256xi32, #tpu.memory_space<vmem>>
    %dma_start3A_734 = arith.constant 0 : i32
    %dma_start3A_735 = arith.constant 0 : i32
    %dma_start3A_736 = tpu.memref_slice %arg3[%dma_start3A_734, %dma_start3A_735] : memref<1000000x32xf32, #tpu.memory_space<hbm>> -> memref<1000000x32xf32, #tpu.memory_space<hbm>>
    tpu.enqueue_indirect_dma source(%dma_start3A_736 : memref<1000000x32xf32, #tpu.memory_space<hbm>>) target(%dma_start3A_730 : memref<256x32xf32, #tpu.memory_space<vmem>>) offsets(%dma_start3A_733 : memref<256xi32, #tpu.memory_space<vmem>>) semaphore(%arg16 : memref<!tpu.dma_semaphore, #tpu.memory_space<semaphore_mem>>)
    %dma_wait3A_737 = arith.constant 25 : i32
    %dma_wait3A_738 = arith.constant 256 : i32
    %dma_wait3A_739 = arith.constant 0 : i32
    %dma_wait3A_740 = tpu.memref_slice %arg6[%dma_wait3A_738, %dma_wait3A_739] : memref<3072x32xf32, #tpu.memory_space<vmem>> -> memref<256x32xf32, #tpu.memory_space<vmem>>
    %dma_wait3A_741 = arith.constant 0 : i32
    %dma_wait3A_742 = tpu.memref_slice %arg5[%dma_wait3A_737, %dma_wait3A_741] : memref<52x256xi32, #tpu.memory_space<vmem>> -> memref<1x256xi32, #tpu.memory_space<vmem>>
    %dma_wait3A_743 = tpu.memref_squeeze %dma_wait3A_742 : memref<1x256xi32, #tpu.memory_space<vmem>> -> memref<256xi32, #tpu.memory_space<vmem>>
    %dma_wait3A_744 = arith.constant 0 : i32
    %dma_wait3A_745 = arith.constant 0 : i32
    %dma_wait3A_746 = tpu.memref_slice %arg3[%dma_wait3A_744, %dma_wait3A_745] : memref<1000000x32xf32, #tpu.memory_space<hbm>> -> memref<1000000x32xf32, #tpu.memory_space<hbm>>
    tpu.wait_indirect_dma semaphore(%arg8 : memref<!tpu.dma_semaphore, #tpu.memory_space<semaphore_mem>>) src(%dma_wait3A_746 : memref<1000000x32xf32, #tpu.memory_space<hbm>>) dst(%dma_wait3A_740 : memref<256x32xf32, #tpu.memory_space<vmem>>)
    %dma_start3A_747 = arith.constant 34 : i32
    %dma_start3A_748 = arith.constant 2560 : i32
    %dma_start3A_749 = arith.constant 0 : i32
    %dma_start3A_750 = tpu.memref_slice %arg6[%dma_start3A_748, %dma_start3A_749] : memref<3072x32xf32, #tpu.memory_space<vmem>> -> memref<256x32xf32, #tpu.memory_space<vmem>>
    %dma_start3A_751 = arith.constant 0 : i32
    %dma_start3A_752 = tpu.memref_slice %arg5[%dma_start3A_747, %dma_start3A_751] : memref<52x256xi32, #tpu.memory_space<vmem>> -> memref<1x256xi32, #tpu.memory_space<vmem>>
    %dma_start3A_753 = tpu.memref_squeeze %dma_start3A_752 : memref<1x256xi32, #tpu.memory_space<vmem>> -> memref<256xi32, #tpu.memory_space<vmem>>
    %dma_start3A_754 = arith.constant 0 : i32
    %dma_start3A_755 = arith.constant 0 : i32
    %dma_start3A_756 = tpu.memref_slice %arg3[%dma_start3A_754, %dma_start3A_755] : memref<1000000x32xf32, #tpu.memory_space<hbm>> -> memref<1000000x32xf32, #tpu.memory_space<hbm>>
    tpu.enqueue_indirect_dma source(%dma_start3A_756 : memref<1000000x32xf32, #tpu.memory_space<hbm>>) target(%dma_start3A_750 : memref<256x32xf32, #tpu.memory_space<vmem>>) offsets(%dma_start3A_753 : memref<256xi32, #tpu.memory_space<vmem>>) semaphore(%arg17 : memref<!tpu.dma_semaphore, #tpu.memory_space<semaphore_mem>>)
    %dma_wait3A_757 = arith.constant 26 : i32
    %dma_wait3A_758 = arith.constant 512 : i32
    %dma_wait3A_759 = arith.constant 0 : i32
    %dma_wait3A_760 = tpu.memref_slice %arg6[%dma_wait3A_758, %dma_wait3A_759] : memref<3072x32xf32, #tpu.memory_space<vmem>> -> memref<256x32xf32, #tpu.memory_space<vmem>>
    %dma_wait3A_761 = arith.constant 0 : i32
    %dma_wait3A_762 = tpu.memref_slice %arg5[%dma_wait3A_757, %dma_wait3A_761] : memref<52x256xi32, #tpu.memory_space<vmem>> -> memref<1x256xi32, #tpu.memory_space<vmem>>
    %dma_wait3A_763 = tpu.memref_squeeze %dma_wait3A_762 : memref<1x256xi32, #tpu.memory_space<vmem>> -> memref<256xi32, #tpu.memory_space<vmem>>
    %dma_wait3A_764 = arith.constant 0 : i32
    %dma_wait3A_765 = arith.constant 0 : i32
    %dma_wait3A_766 = tpu.memref_slice %arg3[%dma_wait3A_764, %dma_wait3A_765] : memref<1000000x32xf32, #tpu.memory_space<hbm>> -> memref<1000000x32xf32, #tpu.memory_space<hbm>>
    tpu.wait_indirect_dma semaphore(%arg9 : memref<!tpu.dma_semaphore, #tpu.memory_space<semaphore_mem>>) src(%dma_wait3A_766 : memref<1000000x32xf32, #tpu.memory_space<hbm>>) dst(%dma_wait3A_760 : memref<256x32xf32, #tpu.memory_space<vmem>>)
    %dma_start3A_767 = arith.constant 35 : i32
    %dma_start3A_768 = arith.constant 2816 : i32
    %dma_start3A_769 = arith.constant 0 : i32
    %dma_start3A_770 = tpu.memref_slice %arg6[%dma_start3A_768, %dma_start3A_769] : memref<3072x32xf32, #tpu.memory_space<vmem>> -> memref<256x32xf32, #tpu.memory_space<vmem>>
    %dma_start3A_771 = arith.constant 0 : i32
    %dma_start3A_772 = tpu.memref_slice %arg5[%dma_start3A_767, %dma_start3A_771] : memref<52x256xi32, #tpu.memory_space<vmem>> -> memref<1x256xi32, #tpu.memory_space<vmem>>
    %dma_start3A_773 = tpu.memref_squeeze %dma_start3A_772 : memref<1x256xi32, #tpu.memory_space<vmem>> -> memref<256xi32, #tpu.memory_space<vmem>>
    %dma_start3A_774 = arith.constant 0 : i32
    %dma_start3A_775 = arith.constant 0 : i32
    %dma_start3A_776 = tpu.memref_slice %arg3[%dma_start3A_774, %dma_start3A_775] : memref<1000000x32xf32, #tpu.memory_space<hbm>> -> memref<1000000x32xf32, #tpu.memory_space<hbm>>
    tpu.enqueue_indirect_dma source(%dma_start3A_776 : memref<1000000x32xf32, #tpu.memory_space<hbm>>) target(%dma_start3A_770 : memref<256x32xf32, #tpu.memory_space<vmem>>) offsets(%dma_start3A_773 : memref<256xi32, #tpu.memory_space<vmem>>) semaphore(%arg18 : memref<!tpu.dma_semaphore, #tpu.memory_space<semaphore_mem>>)
    %dma_wait3A_777 = arith.constant 27 : i32
    %dma_wait3A_778 = arith.constant 768 : i32
    %dma_wait3A_779 = arith.constant 0 : i32
    %dma_wait3A_780 = tpu.memref_slice %arg6[%dma_wait3A_778, %dma_wait3A_779] : memref<3072x32xf32, #tpu.memory_space<vmem>> -> memref<256x32xf32, #tpu.memory_space<vmem>>
    %dma_wait3A_781 = arith.constant 0 : i32
    %dma_wait3A_782 = tpu.memref_slice %arg5[%dma_wait3A_777, %dma_wait3A_781] : memref<52x256xi32, #tpu.memory_space<vmem>> -> memref<1x256xi32, #tpu.memory_space<vmem>>
    %dma_wait3A_783 = tpu.memref_squeeze %dma_wait3A_782 : memref<1x256xi32, #tpu.memory_space<vmem>> -> memref<256xi32, #tpu.memory_space<vmem>>
    %dma_wait3A_784 = arith.constant 0 : i32
    %dma_wait3A_785 = arith.constant 0 : i32
    %dma_wait3A_786 = tpu.memref_slice %arg3[%dma_wait3A_784, %dma_wait3A_785] : memref<1000000x32xf32, #tpu.memory_space<hbm>> -> memref<1000000x32xf32, #tpu.memory_space<hbm>>
    tpu.wait_indirect_dma semaphore(%arg10 : memref<!tpu.dma_semaphore, #tpu.memory_space<semaphore_mem>>) src(%dma_wait3A_786 : memref<1000000x32xf32, #tpu.memory_space<hbm>>) dst(%dma_wait3A_780 : memref<256x32xf32, #tpu.memory_space<vmem>>)
    %add3A_787 = arith.constant 6144 : i32
    %add3A_788 = arith.addi %mul3A_4, %add3A_787 : i32
    %dma_start3A_789 = arith.constant 0 : i32
    %dma_start3A_790 = arith.constant 0 : i32
    %dma_start3A_791 = tpu.memref_slice %arg6[%dma_start3A_789, %dma_start3A_790] : memref<3072x32xf32, #tpu.memory_space<vmem>> -> memref<1024x32xf32, #tpu.memory_space<vmem>>
    %dma_start3A_792 = arith.constant 0 : i32
    %dma_start3A_793 = tpu.memref_slice %arg4[%add3A_788, %dma_start3A_792] : memref<425984x32xf32, #tpu.memory_space<hbm>> -> memref<1024x32xf32, #tpu.memory_space<hbm>>
    %dma_start3A_794 = arith.constant 0 : i32
    %dma_start3A_795 = tpu.memref_slice %arg4[%add3A_788, %dma_start3A_794] : memref<425984x32xf32, #tpu.memory_space<hbm>> -> memref<1024x32xf32, #tpu.memory_space<hbm>>
    %dma_start3A_796 = arith.constant 0 : i32
    %dma_start3A_797 = arith.constant 0 : i32
    %dma_start3A_798 = tpu.memref_slice %arg6[%dma_start3A_796, %dma_start3A_797] : memref<3072x32xf32, #tpu.memory_space<vmem>> -> memref<1024x32xf32, #tpu.memory_space<vmem>>
    tpu.enqueue_dma source(%dma_start3A_798 : memref<1024x32xf32, #tpu.memory_space<vmem>>) target(%dma_start3A_795 : memref<1024x32xf32, #tpu.memory_space<hbm>>) target_semaphore(%arg19 : memref<!tpu.dma_semaphore, #tpu.memory_space<semaphore_mem>>)
    %add3A_799 = arith.constant 6144 : i32
    %add3A_800 = arith.addi %mul3A_4, %add3A_799 : i32
    %dma_wait3A_801 = arith.constant 0 : i32
    %dma_wait3A_802 = arith.constant 0 : i32
    %dma_wait3A_803 = tpu.memref_slice %arg6[%dma_wait3A_801, %dma_wait3A_802] : memref<3072x32xf32, #tpu.memory_space<vmem>> -> memref<1024x32xf32, #tpu.memory_space<vmem>>
    %dma_wait3A_804 = arith.constant 0 : i32
    %dma_wait3A_805 = tpu.memref_slice %arg4[%add3A_800, %dma_wait3A_804] : memref<425984x32xf32, #tpu.memory_space<hbm>> -> memref<1024x32xf32, #tpu.memory_space<hbm>>
    %dma_wait3A_806 = arith.constant 0 : i32
    %dma_wait3A_807 = tpu.memref_slice %arg4[%add3A_800, %dma_wait3A_806] : memref<425984x32xf32, #tpu.memory_space<hbm>> -> memref<1024x32xf32, #tpu.memory_space<hbm>>
    %dma_wait3A_808 = arith.constant 0 : i32
    %dma_wait3A_809 = arith.constant 0 : i32
    %dma_wait3A_810 = tpu.memref_slice %arg6[%dma_wait3A_808, %dma_wait3A_809] : memref<3072x32xf32, #tpu.memory_space<vmem>> -> memref<1024x32xf32, #tpu.memory_space<vmem>>
    tpu.wait_dma2 semaphore(%arg19 : memref<!tpu.dma_semaphore, #tpu.memory_space<semaphore_mem>>) src(%dma_wait3A_810 : memref<1024x32xf32, #tpu.memory_space<vmem>>) dst(%dma_wait3A_807 : memref<1024x32xf32, #tpu.memory_space<hbm>>)
    %dma_start3A_811 = arith.constant 36 : i32
    %dma_start3A_812 = arith.constant 0 : i32
    %dma_start3A_813 = arith.constant 0 : i32
    %dma_start3A_814 = tpu.memref_slice %arg6[%dma_start3A_812, %dma_start3A_813] : memref<3072x32xf32, #tpu.memory_space<vmem>> -> memref<256x32xf32, #tpu.memory_space<vmem>>
    %dma_start3A_815 = arith.constant 0 : i32
    %dma_start3A_816 = tpu.memref_slice %arg5[%dma_start3A_811, %dma_start3A_815] : memref<52x256xi32, #tpu.memory_space<vmem>> -> memref<1x256xi32, #tpu.memory_space<vmem>>
    %dma_start3A_817 = tpu.memref_squeeze %dma_start3A_816 : memref<1x256xi32, #tpu.memory_space<vmem>> -> memref<256xi32, #tpu.memory_space<vmem>>
    %dma_start3A_818 = arith.constant 0 : i32
    %dma_start3A_819 = arith.constant 0 : i32
    %dma_start3A_820 = tpu.memref_slice %arg3[%dma_start3A_818, %dma_start3A_819] : memref<1000000x32xf32, #tpu.memory_space<hbm>> -> memref<1000000x32xf32, #tpu.memory_space<hbm>>
    tpu.enqueue_indirect_dma source(%dma_start3A_820 : memref<1000000x32xf32, #tpu.memory_space<hbm>>) target(%dma_start3A_814 : memref<256x32xf32, #tpu.memory_space<vmem>>) offsets(%dma_start3A_817 : memref<256xi32, #tpu.memory_space<vmem>>) semaphore(%arg7 : memref<!tpu.dma_semaphore, #tpu.memory_space<semaphore_mem>>)
    %dma_wait3A_821 = arith.constant 28 : i32
    %dma_wait3A_822 = arith.constant 1024 : i32
    %dma_wait3A_823 = arith.constant 0 : i32
    %dma_wait3A_824 = tpu.memref_slice %arg6[%dma_wait3A_822, %dma_wait3A_823] : memref<3072x32xf32, #tpu.memory_space<vmem>> -> memref<256x32xf32, #tpu.memory_space<vmem>>
    %dma_wait3A_825 = arith.constant 0 : i32
    %dma_wait3A_826 = tpu.memref_slice %arg5[%dma_wait3A_821, %dma_wait3A_825] : memref<52x256xi32, #tpu.memory_space<vmem>> -> memref<1x256xi32, #tpu.memory_space<vmem>>
    %dma_wait3A_827 = tpu.memref_squeeze %dma_wait3A_826 : memref<1x256xi32, #tpu.memory_space<vmem>> -> memref<256xi32, #tpu.memory_space<vmem>>
    %dma_wait3A_828 = arith.constant 0 : i32
    %dma_wait3A_829 = arith.constant 0 : i32
    %dma_wait3A_830 = tpu.memref_slice %arg3[%dma_wait3A_828, %dma_wait3A_829] : memref<1000000x32xf32, #tpu.memory_space<hbm>> -> memref<1000000x32xf32, #tpu.memory_space<hbm>>
    tpu.wait_indirect_dma semaphore(%arg11 : memref<!tpu.dma_semaphore, #tpu.memory_space<semaphore_mem>>) src(%dma_wait3A_830 : memref<1000000x32xf32, #tpu.memory_space<hbm>>) dst(%dma_wait3A_824 : memref<256x32xf32, #tpu.memory_space<vmem>>)
    %dma_start3A_831 = arith.constant 37 : i32
    %dma_start3A_832 = arith.constant 256 : i32
    %dma_start3A_833 = arith.constant 0 : i32
    %dma_start3A_834 = tpu.memref_slice %arg6[%dma_start3A_832, %dma_start3A_833] : memref<3072x32xf32, #tpu.memory_space<vmem>> -> memref<256x32xf32, #tpu.memory_space<vmem>>
    %dma_start3A_835 = arith.constant 0 : i32
    %dma_start3A_836 = tpu.memref_slice %arg5[%dma_start3A_831, %dma_start3A_835] : memref<52x256xi32, #tpu.memory_space<vmem>> -> memref<1x256xi32, #tpu.memory_space<vmem>>
    %dma_start3A_837 = tpu.memref_squeeze %dma_start3A_836 : memref<1x256xi32, #tpu.memory_space<vmem>> -> memref<256xi32, #tpu.memory_space<vmem>>
    %dma_start3A_838 = arith.constant 0 : i32
    %dma_start3A_839 = arith.constant 0 : i32
    %dma_start3A_840 = tpu.memref_slice %arg3[%dma_start3A_838, %dma_start3A_839] : memref<1000000x32xf32, #tpu.memory_space<hbm>> -> memref<1000000x32xf32, #tpu.memory_space<hbm>>
    tpu.enqueue_indirect_dma source(%dma_start3A_840 : memref<1000000x32xf32, #tpu.memory_space<hbm>>) target(%dma_start3A_834 : memref<256x32xf32, #tpu.memory_space<vmem>>) offsets(%dma_start3A_837 : memref<256xi32, #tpu.memory_space<vmem>>) semaphore(%arg8 : memref<!tpu.dma_semaphore, #tpu.memory_space<semaphore_mem>>)
    %dma_wait3A_841 = arith.constant 29 : i32
    %dma_wait3A_842 = arith.constant 1280 : i32
    %dma_wait3A_843 = arith.constant 0 : i32
    %dma_wait3A_844 = tpu.memref_slice %arg6[%dma_wait3A_842, %dma_wait3A_843] : memref<3072x32xf32, #tpu.memory_space<vmem>> -> memref<256x32xf32, #tpu.memory_space<vmem>>
    %dma_wait3A_845 = arith.constant 0 : i32
    %dma_wait3A_846 = tpu.memref_slice %arg5[%dma_wait3A_841, %dma_wait3A_845] : memref<52x256xi32, #tpu.memory_space<vmem>> -> memref<1x256xi32, #tpu.memory_space<vmem>>
    %dma_wait3A_847 = tpu.memref_squeeze %dma_wait3A_846 : memref<1x256xi32, #tpu.memory_space<vmem>> -> memref<256xi32, #tpu.memory_space<vmem>>
    %dma_wait3A_848 = arith.constant 0 : i32
    %dma_wait3A_849 = arith.constant 0 : i32
    %dma_wait3A_850 = tpu.memref_slice %arg3[%dma_wait3A_848, %dma_wait3A_849] : memref<1000000x32xf32, #tpu.memory_space<hbm>> -> memref<1000000x32xf32, #tpu.memory_space<hbm>>
    tpu.wait_indirect_dma semaphore(%arg12 : memref<!tpu.dma_semaphore, #tpu.memory_space<semaphore_mem>>) src(%dma_wait3A_850 : memref<1000000x32xf32, #tpu.memory_space<hbm>>) dst(%dma_wait3A_844 : memref<256x32xf32, #tpu.memory_space<vmem>>)
    %dma_start3A_851 = arith.constant 38 : i32
    %dma_start3A_852 = arith.constant 512 : i32
    %dma_start3A_853 = arith.constant 0 : i32
    %dma_start3A_854 = tpu.memref_slice %arg6[%dma_start3A_852, %dma_start3A_853] : memref<3072x32xf32, #tpu.memory_space<vmem>> -> memref<256x32xf32, #tpu.memory_space<vmem>>
    %dma_start3A_855 = arith.constant 0 : i32
    %dma_start3A_856 = tpu.memref_slice %arg5[%dma_start3A_851, %dma_start3A_855] : memref<52x256xi32, #tpu.memory_space<vmem>> -> memref<1x256xi32, #tpu.memory_space<vmem>>
    %dma_start3A_857 = tpu.memref_squeeze %dma_start3A_856 : memref<1x256xi32, #tpu.memory_space<vmem>> -> memref<256xi32, #tpu.memory_space<vmem>>
    %dma_start3A_858 = arith.constant 0 : i32
    %dma_start3A_859 = arith.constant 0 : i32
    %dma_start3A_860 = tpu.memref_slice %arg3[%dma_start3A_858, %dma_start3A_859] : memref<1000000x32xf32, #tpu.memory_space<hbm>> -> memref<1000000x32xf32, #tpu.memory_space<hbm>>
    tpu.enqueue_indirect_dma source(%dma_start3A_860 : memref<1000000x32xf32, #tpu.memory_space<hbm>>) target(%dma_start3A_854 : memref<256x32xf32, #tpu.memory_space<vmem>>) offsets(%dma_start3A_857 : memref<256xi32, #tpu.memory_space<vmem>>) semaphore(%arg9 : memref<!tpu.dma_semaphore, #tpu.memory_space<semaphore_mem>>)
    %dma_wait3A_861 = arith.constant 30 : i32
    %dma_wait3A_862 = arith.constant 1536 : i32
    %dma_wait3A_863 = arith.constant 0 : i32
    %dma_wait3A_864 = tpu.memref_slice %arg6[%dma_wait3A_862, %dma_wait3A_863] : memref<3072x32xf32, #tpu.memory_space<vmem>> -> memref<256x32xf32, #tpu.memory_space<vmem>>
    %dma_wait3A_865 = arith.constant 0 : i32
    %dma_wait3A_866 = tpu.memref_slice %arg5[%dma_wait3A_861, %dma_wait3A_865] : memref<52x256xi32, #tpu.memory_space<vmem>> -> memref<1x256xi32, #tpu.memory_space<vmem>>
    %dma_wait3A_867 = tpu.memref_squeeze %dma_wait3A_866 : memref<1x256xi32, #tpu.memory_space<vmem>> -> memref<256xi32, #tpu.memory_space<vmem>>
    %dma_wait3A_868 = arith.constant 0 : i32
    %dma_wait3A_869 = arith.constant 0 : i32
    %dma_wait3A_870 = tpu.memref_slice %arg3[%dma_wait3A_868, %dma_wait3A_869] : memref<1000000x32xf32, #tpu.memory_space<hbm>> -> memref<1000000x32xf32, #tpu.memory_space<hbm>>
    tpu.wait_indirect_dma semaphore(%arg13 : memref<!tpu.dma_semaphore, #tpu.memory_space<semaphore_mem>>) src(%dma_wait3A_870 : memref<1000000x32xf32, #tpu.memory_space<hbm>>) dst(%dma_wait3A_864 : memref<256x32xf32, #tpu.memory_space<vmem>>)
    %dma_start3A_871 = arith.constant 39 : i32
    %dma_start3A_872 = arith.constant 768 : i32
    %dma_start3A_873 = arith.constant 0 : i32
    %dma_start3A_874 = tpu.memref_slice %arg6[%dma_start3A_872, %dma_start3A_873] : memref<3072x32xf32, #tpu.memory_space<vmem>> -> memref<256x32xf32, #tpu.memory_space<vmem>>
    %dma_start3A_875 = arith.constant 0 : i32
    %dma_start3A_876 = tpu.memref_slice %arg5[%dma_start3A_871, %dma_start3A_875] : memref<52x256xi32, #tpu.memory_space<vmem>> -> memref<1x256xi32, #tpu.memory_space<vmem>>
    %dma_start3A_877 = tpu.memref_squeeze %dma_start3A_876 : memref<1x256xi32, #tpu.memory_space<vmem>> -> memref<256xi32, #tpu.memory_space<vmem>>
    %dma_start3A_878 = arith.constant 0 : i32
    %dma_start3A_879 = arith.constant 0 : i32
    %dma_start3A_880 = tpu.memref_slice %arg3[%dma_start3A_878, %dma_start3A_879] : memref<1000000x32xf32, #tpu.memory_space<hbm>> -> memref<1000000x32xf32, #tpu.memory_space<hbm>>
    tpu.enqueue_indirect_dma source(%dma_start3A_880 : memref<1000000x32xf32, #tpu.memory_space<hbm>>) target(%dma_start3A_874 : memref<256x32xf32, #tpu.memory_space<vmem>>) offsets(%dma_start3A_877 : memref<256xi32, #tpu.memory_space<vmem>>) semaphore(%arg10 : memref<!tpu.dma_semaphore, #tpu.memory_space<semaphore_mem>>)
    %dma_wait3A_881 = arith.constant 31 : i32
    %dma_wait3A_882 = arith.constant 1792 : i32
    %dma_wait3A_883 = arith.constant 0 : i32
    %dma_wait3A_884 = tpu.memref_slice %arg6[%dma_wait3A_882, %dma_wait3A_883] : memref<3072x32xf32, #tpu.memory_space<vmem>> -> memref<256x32xf32, #tpu.memory_space<vmem>>
    %dma_wait3A_885 = arith.constant 0 : i32
    %dma_wait3A_886 = tpu.memref_slice %arg5[%dma_wait3A_881, %dma_wait3A_885] : memref<52x256xi32, #tpu.memory_space<vmem>> -> memref<1x256xi32, #tpu.memory_space<vmem>>
    %dma_wait3A_887 = tpu.memref_squeeze %dma_wait3A_886 : memref<1x256xi32, #tpu.memory_space<vmem>> -> memref<256xi32, #tpu.memory_space<vmem>>
    %dma_wait3A_888 = arith.constant 0 : i32
    %dma_wait3A_889 = arith.constant 0 : i32
    %dma_wait3A_890 = tpu.memref_slice %arg3[%dma_wait3A_888, %dma_wait3A_889] : memref<1000000x32xf32, #tpu.memory_space<hbm>> -> memref<1000000x32xf32, #tpu.memory_space<hbm>>
    tpu.wait_indirect_dma semaphore(%arg14 : memref<!tpu.dma_semaphore, #tpu.memory_space<semaphore_mem>>) src(%dma_wait3A_890 : memref<1000000x32xf32, #tpu.memory_space<hbm>>) dst(%dma_wait3A_884 : memref<256x32xf32, #tpu.memory_space<vmem>>)
    %add3A_891 = arith.constant 7168 : i32
    %add3A_892 = arith.addi %mul3A_4, %add3A_891 : i32
    %dma_start3A_893 = arith.constant 1024 : i32
    %dma_start3A_894 = arith.constant 0 : i32
    %dma_start3A_895 = tpu.memref_slice %arg6[%dma_start3A_893, %dma_start3A_894] : memref<3072x32xf32, #tpu.memory_space<vmem>> -> memref<1024x32xf32, #tpu.memory_space<vmem>>
    %dma_start3A_896 = arith.constant 0 : i32
    %dma_start3A_897 = tpu.memref_slice %arg4[%add3A_892, %dma_start3A_896] : memref<425984x32xf32, #tpu.memory_space<hbm>> -> memref<1024x32xf32, #tpu.memory_space<hbm>>
    %dma_start3A_898 = arith.constant 0 : i32
    %dma_start3A_899 = tpu.memref_slice %arg4[%add3A_892, %dma_start3A_898] : memref<425984x32xf32, #tpu.memory_space<hbm>> -> memref<1024x32xf32, #tpu.memory_space<hbm>>
    %dma_start3A_900 = arith.constant 1024 : i32
    %dma_start3A_901 = arith.constant 0 : i32
    %dma_start3A_902 = tpu.memref_slice %arg6[%dma_start3A_900, %dma_start3A_901] : memref<3072x32xf32, #tpu.memory_space<vmem>> -> memref<1024x32xf32, #tpu.memory_space<vmem>>
    tpu.enqueue_dma source(%dma_start3A_902 : memref<1024x32xf32, #tpu.memory_space<vmem>>) target(%dma_start3A_899 : memref<1024x32xf32, #tpu.memory_space<hbm>>) target_semaphore(%arg20 : memref<!tpu.dma_semaphore, #tpu.memory_space<semaphore_mem>>)
    %add3A_903 = arith.constant 7168 : i32
    %add3A_904 = arith.addi %mul3A_4, %add3A_903 : i32
    %dma_wait3A_905 = arith.constant 1024 : i32
    %dma_wait3A_906 = arith.constant 0 : i32
    %dma_wait3A_907 = tpu.memref_slice %arg6[%dma_wait3A_905, %dma_wait3A_906] : memref<3072x32xf32, #tpu.memory_space<vmem>> -> memref<1024x32xf32, #tpu.memory_space<vmem>>
    %dma_wait3A_908 = arith.constant 0 : i32
    %dma_wait3A_909 = tpu.memref_slice %arg4[%add3A_904, %dma_wait3A_908] : memref<425984x32xf32, #tpu.memory_space<hbm>> -> memref<1024x32xf32, #tpu.memory_space<hbm>>
    %dma_wait3A_910 = arith.constant 0 : i32
    %dma_wait3A_911 = tpu.memref_slice %arg4[%add3A_904, %dma_wait3A_910] : memref<425984x32xf32, #tpu.memory_space<hbm>> -> memref<1024x32xf32, #tpu.memory_space<hbm>>
    %dma_wait3A_912 = arith.constant 1024 : i32
    %dma_wait3A_913 = arith.constant 0 : i32
    %dma_wait3A_914 = tpu.memref_slice %arg6[%dma_wait3A_912, %dma_wait3A_913] : memref<3072x32xf32, #tpu.memory_space<vmem>> -> memref<1024x32xf32, #tpu.memory_space<vmem>>
    tpu.wait_dma2 semaphore(%arg20 : memref<!tpu.dma_semaphore, #tpu.memory_space<semaphore_mem>>) src(%dma_wait3A_914 : memref<1024x32xf32, #tpu.memory_space<vmem>>) dst(%dma_wait3A_911 : memref<1024x32xf32, #tpu.memory_space<hbm>>)
    %dma_start3A_915 = arith.constant 40 : i32
    %dma_start3A_916 = arith.constant 1024 : i32
    %dma_start3A_917 = arith.constant 0 : i32
    %dma_start3A_918 = tpu.memref_slice %arg6[%dma_start3A_916, %dma_start3A_917] : memref<3072x32xf32, #tpu.memory_space<vmem>> -> memref<256x32xf32, #tpu.memory_space<vmem>>
    %dma_start3A_919 = arith.constant 0 : i32
    %dma_start3A_920 = tpu.memref_slice %arg5[%dma_start3A_915, %dma_start3A_919] : memref<52x256xi32, #tpu.memory_space<vmem>> -> memref<1x256xi32, #tpu.memory_space<vmem>>
    %dma_start3A_921 = tpu.memref_squeeze %dma_start3A_920 : memref<1x256xi32, #tpu.memory_space<vmem>> -> memref<256xi32, #tpu.memory_space<vmem>>
    %dma_start3A_922 = arith.constant 0 : i32
    %dma_start3A_923 = arith.constant 0 : i32
    %dma_start3A_924 = tpu.memref_slice %arg3[%dma_start3A_922, %dma_start3A_923] : memref<1000000x32xf32, #tpu.memory_space<hbm>> -> memref<1000000x32xf32, #tpu.memory_space<hbm>>
    tpu.enqueue_indirect_dma source(%dma_start3A_924 : memref<1000000x32xf32, #tpu.memory_space<hbm>>) target(%dma_start3A_918 : memref<256x32xf32, #tpu.memory_space<vmem>>) offsets(%dma_start3A_921 : memref<256xi32, #tpu.memory_space<vmem>>) semaphore(%arg11 : memref<!tpu.dma_semaphore, #tpu.memory_space<semaphore_mem>>)
    %dma_wait3A_925 = arith.constant 32 : i32
    %dma_wait3A_926 = arith.constant 2048 : i32
    %dma_wait3A_927 = arith.constant 0 : i32
    %dma_wait3A_928 = tpu.memref_slice %arg6[%dma_wait3A_926, %dma_wait3A_927] : memref<3072x32xf32, #tpu.memory_space<vmem>> -> memref<256x32xf32, #tpu.memory_space<vmem>>
    %dma_wait3A_929 = arith.constant 0 : i32
    %dma_wait3A_930 = tpu.memref_slice %arg5[%dma_wait3A_925, %dma_wait3A_929] : memref<52x256xi32, #tpu.memory_space<vmem>> -> memref<1x256xi32, #tpu.memory_space<vmem>>
    %dma_wait3A_931 = tpu.memref_squeeze %dma_wait3A_930 : memref<1x256xi32, #tpu.memory_space<vmem>> -> memref<256xi32, #tpu.memory_space<vmem>>
    %dma_wait3A_932 = arith.constant 0 : i32
    %dma_wait3A_933 = arith.constant 0 : i32
    %dma_wait3A_934 = tpu.memref_slice %arg3[%dma_wait3A_932, %dma_wait3A_933] : memref<1000000x32xf32, #tpu.memory_space<hbm>> -> memref<1000000x32xf32, #tpu.memory_space<hbm>>
    tpu.wait_indirect_dma semaphore(%arg15 : memref<!tpu.dma_semaphore, #tpu.memory_space<semaphore_mem>>) src(%dma_wait3A_934 : memref<1000000x32xf32, #tpu.memory_space<hbm>>) dst(%dma_wait3A_928 : memref<256x32xf32, #tpu.memory_space<vmem>>)
    %dma_start3A_935 = arith.constant 41 : i32
    %dma_start3A_936 = arith.constant 1280 : i32
    %dma_start3A_937 = arith.constant 0 : i32
    %dma_start3A_938 = tpu.memref_slice %arg6[%dma_start3A_936, %dma_start3A_937] : memref<3072x32xf32, #tpu.memory_space<vmem>> -> memref<256x32xf32, #tpu.memory_space<vmem>>
    %dma_start3A_939 = arith.constant 0 : i32
    %dma_start3A_940 = tpu.memref_slice %arg5[%dma_start3A_935, %dma_start3A_939] : memref<52x256xi32, #tpu.memory_space<vmem>> -> memref<1x256xi32, #tpu.memory_space<vmem>>
    %dma_start3A_941 = tpu.memref_squeeze %dma_start3A_940 : memref<1x256xi32, #tpu.memory_space<vmem>> -> memref<256xi32, #tpu.memory_space<vmem>>
    %dma_start3A_942 = arith.constant 0 : i32
    %dma_start3A_943 = arith.constant 0 : i32
    %dma_start3A_944 = tpu.memref_slice %arg3[%dma_start3A_942, %dma_start3A_943] : memref<1000000x32xf32, #tpu.memory_space<hbm>> -> memref<1000000x32xf32, #tpu.memory_space<hbm>>
    tpu.enqueue_indirect_dma source(%dma_start3A_944 : memref<1000000x32xf32, #tpu.memory_space<hbm>>) target(%dma_start3A_938 : memref<256x32xf32, #tpu.memory_space<vmem>>) offsets(%dma_start3A_941 : memref<256xi32, #tpu.memory_space<vmem>>) semaphore(%arg12 : memref<!tpu.dma_semaphore, #tpu.memory_space<semaphore_mem>>)
    %dma_wait3A_945 = arith.constant 33 : i32
    %dma_wait3A_946 = arith.constant 2304 : i32
    %dma_wait3A_947 = arith.constant 0 : i32
    %dma_wait3A_948 = tpu.memref_slice %arg6[%dma_wait3A_946, %dma_wait3A_947] : memref<3072x32xf32, #tpu.memory_space<vmem>> -> memref<256x32xf32, #tpu.memory_space<vmem>>
    %dma_wait3A_949 = arith.constant 0 : i32
    %dma_wait3A_950 = tpu.memref_slice %arg5[%dma_wait3A_945, %dma_wait3A_949] : memref<52x256xi32, #tpu.memory_space<vmem>> -> memref<1x256xi32, #tpu.memory_space<vmem>>
    %dma_wait3A_951 = tpu.memref_squeeze %dma_wait3A_950 : memref<1x256xi32, #tpu.memory_space<vmem>> -> memref<256xi32, #tpu.memory_space<vmem>>
    %dma_wait3A_952 = arith.constant 0 : i32
    %dma_wait3A_953 = arith.constant 0 : i32
    %dma_wait3A_954 = tpu.memref_slice %arg3[%dma_wait3A_952, %dma_wait3A_953] : memref<1000000x32xf32, #tpu.memory_space<hbm>> -> memref<1000000x32xf32, #tpu.memory_space<hbm>>
    tpu.wait_indirect_dma semaphore(%arg16 : memref<!tpu.dma_semaphore, #tpu.memory_space<semaphore_mem>>) src(%dma_wait3A_954 : memref<1000000x32xf32, #tpu.memory_space<hbm>>) dst(%dma_wait3A_948 : memref<256x32xf32, #tpu.memory_space<vmem>>)
    %dma_start3A_955 = arith.constant 42 : i32
    %dma_start3A_956 = arith.constant 1536 : i32
    %dma_start3A_957 = arith.constant 0 : i32
    %dma_start3A_958 = tpu.memref_slice %arg6[%dma_start3A_956, %dma_start3A_957] : memref<3072x32xf32, #tpu.memory_space<vmem>> -> memref<256x32xf32, #tpu.memory_space<vmem>>
    %dma_start3A_959 = arith.constant 0 : i32
    %dma_start3A_960 = tpu.memref_slice %arg5[%dma_start3A_955, %dma_start3A_959] : memref<52x256xi32, #tpu.memory_space<vmem>> -> memref<1x256xi32, #tpu.memory_space<vmem>>
    %dma_start3A_961 = tpu.memref_squeeze %dma_start3A_960 : memref<1x256xi32, #tpu.memory_space<vmem>> -> memref<256xi32, #tpu.memory_space<vmem>>
    %dma_start3A_962 = arith.constant 0 : i32
    %dma_start3A_963 = arith.constant 0 : i32
    %dma_start3A_964 = tpu.memref_slice %arg3[%dma_start3A_962, %dma_start3A_963] : memref<1000000x32xf32, #tpu.memory_space<hbm>> -> memref<1000000x32xf32, #tpu.memory_space<hbm>>
    tpu.enqueue_indirect_dma source(%dma_start3A_964 : memref<1000000x32xf32, #tpu.memory_space<hbm>>) target(%dma_start3A_958 : memref<256x32xf32, #tpu.memory_space<vmem>>) offsets(%dma_start3A_961 : memref<256xi32, #tpu.memory_space<vmem>>) semaphore(%arg13 : memref<!tpu.dma_semaphore, #tpu.memory_space<semaphore_mem>>)
    %dma_wait3A_965 = arith.constant 34 : i32
    %dma_wait3A_966 = arith.constant 2560 : i32
    %dma_wait3A_967 = arith.constant 0 : i32
    %dma_wait3A_968 = tpu.memref_slice %arg6[%dma_wait3A_966, %dma_wait3A_967] : memref<3072x32xf32, #tpu.memory_space<vmem>> -> memref<256x32xf32, #tpu.memory_space<vmem>>
    %dma_wait3A_969 = arith.constant 0 : i32
    %dma_wait3A_970 = tpu.memref_slice %arg5[%dma_wait3A_965, %dma_wait3A_969] : memref<52x256xi32, #tpu.memory_space<vmem>> -> memref<1x256xi32, #tpu.memory_space<vmem>>
    %dma_wait3A_971 = tpu.memref_squeeze %dma_wait3A_970 : memref<1x256xi32, #tpu.memory_space<vmem>> -> memref<256xi32, #tpu.memory_space<vmem>>
    %dma_wait3A_972 = arith.constant 0 : i32
    %dma_wait3A_973 = arith.constant 0 : i32
    %dma_wait3A_974 = tpu.memref_slice %arg3[%dma_wait3A_972, %dma_wait3A_973] : memref<1000000x32xf32, #tpu.memory_space<hbm>> -> memref<1000000x32xf32, #tpu.memory_space<hbm>>
    tpu.wait_indirect_dma semaphore(%arg17 : memref<!tpu.dma_semaphore, #tpu.memory_space<semaphore_mem>>) src(%dma_wait3A_974 : memref<1000000x32xf32, #tpu.memory_space<hbm>>) dst(%dma_wait3A_968 : memref<256x32xf32, #tpu.memory_space<vmem>>)
    %dma_start3A_975 = arith.constant 43 : i32
    %dma_start3A_976 = arith.constant 1792 : i32
    %dma_start3A_977 = arith.constant 0 : i32
    %dma_start3A_978 = tpu.memref_slice %arg6[%dma_start3A_976, %dma_start3A_977] : memref<3072x32xf32, #tpu.memory_space<vmem>> -> memref<256x32xf32, #tpu.memory_space<vmem>>
    %dma_start3A_979 = arith.constant 0 : i32
    %dma_start3A_980 = tpu.memref_slice %arg5[%dma_start3A_975, %dma_start3A_979] : memref<52x256xi32, #tpu.memory_space<vmem>> -> memref<1x256xi32, #tpu.memory_space<vmem>>
    %dma_start3A_981 = tpu.memref_squeeze %dma_start3A_980 : memref<1x256xi32, #tpu.memory_space<vmem>> -> memref<256xi32, #tpu.memory_space<vmem>>
    %dma_start3A_982 = arith.constant 0 : i32
    %dma_start3A_983 = arith.constant 0 : i32
    %dma_start3A_984 = tpu.memref_slice %arg3[%dma_start3A_982, %dma_start3A_983] : memref<1000000x32xf32, #tpu.memory_space<hbm>> -> memref<1000000x32xf32, #tpu.memory_space<hbm>>
    tpu.enqueue_indirect_dma source(%dma_start3A_984 : memref<1000000x32xf32, #tpu.memory_space<hbm>>) target(%dma_start3A_978 : memref<256x32xf32, #tpu.memory_space<vmem>>) offsets(%dma_start3A_981 : memref<256xi32, #tpu.memory_space<vmem>>) semaphore(%arg14 : memref<!tpu.dma_semaphore, #tpu.memory_space<semaphore_mem>>)
    %dma_wait3A_985 = arith.constant 35 : i32
    %dma_wait3A_986 = arith.constant 2816 : i32
    %dma_wait3A_987 = arith.constant 0 : i32
    %dma_wait3A_988 = tpu.memref_slice %arg6[%dma_wait3A_986, %dma_wait3A_987] : memref<3072x32xf32, #tpu.memory_space<vmem>> -> memref<256x32xf32, #tpu.memory_space<vmem>>
    %dma_wait3A_989 = arith.constant 0 : i32
    %dma_wait3A_990 = tpu.memref_slice %arg5[%dma_wait3A_985, %dma_wait3A_989] : memref<52x256xi32, #tpu.memory_space<vmem>> -> memref<1x256xi32, #tpu.memory_space<vmem>>
    %dma_wait3A_991 = tpu.memref_squeeze %dma_wait3A_990 : memref<1x256xi32, #tpu.memory_space<vmem>> -> memref<256xi32, #tpu.memory_space<vmem>>
    %dma_wait3A_992 = arith.constant 0 : i32
    %dma_wait3A_993 = arith.constant 0 : i32
    %dma_wait3A_994 = tpu.memref_slice %arg3[%dma_wait3A_992, %dma_wait3A_993] : memref<1000000x32xf32, #tpu.memory_space<hbm>> -> memref<1000000x32xf32, #tpu.memory_space<hbm>>
    tpu.wait_indirect_dma semaphore(%arg18 : memref<!tpu.dma_semaphore, #tpu.memory_space<semaphore_mem>>) src(%dma_wait3A_994 : memref<1000000x32xf32, #tpu.memory_space<hbm>>) dst(%dma_wait3A_988 : memref<256x32xf32, #tpu.memory_space<vmem>>)
    %add3A_995 = arith.constant 8192 : i32
    %add3A_996 = arith.addi %mul3A_4, %add3A_995 : i32
    %dma_start3A_997 = arith.constant 2048 : i32
    %dma_start3A_998 = arith.constant 0 : i32
    %dma_start3A_999 = tpu.memref_slice %arg6[%dma_start3A_997, %dma_start3A_998] : memref<3072x32xf32, #tpu.memory_space<vmem>> -> memref<1024x32xf32, #tpu.memory_space<vmem>>
    %dma_start3A_1000 = arith.constant 0 : i32
    %dma_start3A_1001 = tpu.memref_slice %arg4[%add3A_996, %dma_start3A_1000] : memref<425984x32xf32, #tpu.memory_space<hbm>> -> memref<1024x32xf32, #tpu.memory_space<hbm>>
    %dma_start3A_1002 = arith.constant 0 : i32
    %dma_start3A_1003 = tpu.memref_slice %arg4[%add3A_996, %dma_start3A_1002] : memref<425984x32xf32, #tpu.memory_space<hbm>> -> memref<1024x32xf32, #tpu.memory_space<hbm>>
    %dma_start3A_1004 = arith.constant 2048 : i32
    %dma_start3A_1005 = arith.constant 0 : i32
    %dma_start3A_1006 = tpu.memref_slice %arg6[%dma_start3A_1004, %dma_start3A_1005] : memref<3072x32xf32, #tpu.memory_space<vmem>> -> memref<1024x32xf32, #tpu.memory_space<vmem>>
    tpu.enqueue_dma source(%dma_start3A_1006 : memref<1024x32xf32, #tpu.memory_space<vmem>>) target(%dma_start3A_1003 : memref<1024x32xf32, #tpu.memory_space<hbm>>) target_semaphore(%arg21 : memref<!tpu.dma_semaphore, #tpu.memory_space<semaphore_mem>>)
    %add3A_1007 = arith.constant 8192 : i32
    %add3A_1008 = arith.addi %mul3A_4, %add3A_1007 : i32
    %dma_wait3A_1009 = arith.constant 2048 : i32
    %dma_wait3A_1010 = arith.constant 0 : i32
    %dma_wait3A_1011 = tpu.memref_slice %arg6[%dma_wait3A_1009, %dma_wait3A_1010] : memref<3072x32xf32, #tpu.memory_space<vmem>> -> memref<1024x32xf32, #tpu.memory_space<vmem>>
    %dma_wait3A_1012 = arith.constant 0 : i32
    %dma_wait3A_1013 = tpu.memref_slice %arg4[%add3A_1008, %dma_wait3A_1012] : memref<425984x32xf32, #tpu.memory_space<hbm>> -> memref<1024x32xf32, #tpu.memory_space<hbm>>
    %dma_wait3A_1014 = arith.constant 0 : i32
    %dma_wait3A_1015 = tpu.memref_slice %arg4[%add3A_1008, %dma_wait3A_1014] : memref<425984x32xf32, #tpu.memory_space<hbm>> -> memref<1024x32xf32, #tpu.memory_space<hbm>>
    %dma_wait3A_1016 = arith.constant 2048 : i32
    %dma_wait3A_1017 = arith.constant 0 : i32
    %dma_wait3A_1018 = tpu.memref_slice %arg6[%dma_wait3A_1016, %dma_wait3A_1017] : memref<3072x32xf32, #tpu.memory_space<vmem>> -> memref<1024x32xf32, #tpu.memory_space<vmem>>
    tpu.wait_dma2 semaphore(%arg21 : memref<!tpu.dma_semaphore, #tpu.memory_space<semaphore_mem>>) src(%dma_wait3A_1018 : memref<1024x32xf32, #tpu.memory_space<vmem>>) dst(%dma_wait3A_1015 : memref<1024x32xf32, #tpu.memory_space<hbm>>)
    %dma_start3A_1019 = arith.constant 44 : i32
    %dma_start3A_1020 = arith.constant 2048 : i32
    %dma_start3A_1021 = arith.constant 0 : i32
    %dma_start3A_1022 = tpu.memref_slice %arg6[%dma_start3A_1020, %dma_start3A_1021] : memref<3072x32xf32, #tpu.memory_space<vmem>> -> memref<256x32xf32, #tpu.memory_space<vmem>>
    %dma_start3A_1023 = arith.constant 0 : i32
    %dma_start3A_1024 = tpu.memref_slice %arg5[%dma_start3A_1019, %dma_start3A_1023] : memref<52x256xi32, #tpu.memory_space<vmem>> -> memref<1x256xi32, #tpu.memory_space<vmem>>
    %dma_start3A_1025 = tpu.memref_squeeze %dma_start3A_1024 : memref<1x256xi32, #tpu.memory_space<vmem>> -> memref<256xi32, #tpu.memory_space<vmem>>
    %dma_start3A_1026 = arith.constant 0 : i32
    %dma_start3A_1027 = arith.constant 0 : i32
    %dma_start3A_1028 = tpu.memref_slice %arg3[%dma_start3A_1026, %dma_start3A_1027] : memref<1000000x32xf32, #tpu.memory_space<hbm>> -> memref<1000000x32xf32, #tpu.memory_space<hbm>>
    tpu.enqueue_indirect_dma source(%dma_start3A_1028 : memref<1000000x32xf32, #tpu.memory_space<hbm>>) target(%dma_start3A_1022 : memref<256x32xf32, #tpu.memory_space<vmem>>) offsets(%dma_start3A_1025 : memref<256xi32, #tpu.memory_space<vmem>>) semaphore(%arg15 : memref<!tpu.dma_semaphore, #tpu.memory_space<semaphore_mem>>)
    %dma_wait3A_1029 = arith.constant 36 : i32
    %dma_wait3A_1030 = arith.constant 0 : i32
    %dma_wait3A_1031 = arith.constant 0 : i32
    %dma_wait3A_1032 = tpu.memref_slice %arg6[%dma_wait3A_1030, %dma_wait3A_1031] : memref<3072x32xf32, #tpu.memory_space<vmem>> -> memref<256x32xf32, #tpu.memory_space<vmem>>
    %dma_wait3A_1033 = arith.constant 0 : i32
    %dma_wait3A_1034 = tpu.memref_slice %arg5[%dma_wait3A_1029, %dma_wait3A_1033] : memref<52x256xi32, #tpu.memory_space<vmem>> -> memref<1x256xi32, #tpu.memory_space<vmem>>
    %dma_wait3A_1035 = tpu.memref_squeeze %dma_wait3A_1034 : memref<1x256xi32, #tpu.memory_space<vmem>> -> memref<256xi32, #tpu.memory_space<vmem>>
    %dma_wait3A_1036 = arith.constant 0 : i32
    %dma_wait3A_1037 = arith.constant 0 : i32
    %dma_wait3A_1038 = tpu.memref_slice %arg3[%dma_wait3A_1036, %dma_wait3A_1037] : memref<1000000x32xf32, #tpu.memory_space<hbm>> -> memref<1000000x32xf32, #tpu.memory_space<hbm>>
    tpu.wait_indirect_dma semaphore(%arg7 : memref<!tpu.dma_semaphore, #tpu.memory_space<semaphore_mem>>) src(%dma_wait3A_1038 : memref<1000000x32xf32, #tpu.memory_space<hbm>>) dst(%dma_wait3A_1032 : memref<256x32xf32, #tpu.memory_space<vmem>>)
    %dma_start3A_1039 = arith.constant 45 : i32
    %dma_start3A_1040 = arith.constant 2304 : i32
    %dma_start3A_1041 = arith.constant 0 : i32
    %dma_start3A_1042 = tpu.memref_slice %arg6[%dma_start3A_1040, %dma_start3A_1041] : memref<3072x32xf32, #tpu.memory_space<vmem>> -> memref<256x32xf32, #tpu.memory_space<vmem>>
    %dma_start3A_1043 = arith.constant 0 : i32
    %dma_start3A_1044 = tpu.memref_slice %arg5[%dma_start3A_1039, %dma_start3A_1043] : memref<52x256xi32, #tpu.memory_space<vmem>> -> memref<1x256xi32, #tpu.memory_space<vmem>>
    %dma_start3A_1045 = tpu.memref_squeeze %dma_start3A_1044 : memref<1x256xi32, #tpu.memory_space<vmem>> -> memref<256xi32, #tpu.memory_space<vmem>>
    %dma_start3A_1046 = arith.constant 0 : i32
    %dma_start3A_1047 = arith.constant 0 : i32
    %dma_start3A_1048 = tpu.memref_slice %arg3[%dma_start3A_1046, %dma_start3A_1047] : memref<1000000x32xf32, #tpu.memory_space<hbm>> -> memref<1000000x32xf32, #tpu.memory_space<hbm>>
    tpu.enqueue_indirect_dma source(%dma_start3A_1048 : memref<1000000x32xf32, #tpu.memory_space<hbm>>) target(%dma_start3A_1042 : memref<256x32xf32, #tpu.memory_space<vmem>>) offsets(%dma_start3A_1045 : memref<256xi32, #tpu.memory_space<vmem>>) semaphore(%arg16 : memref<!tpu.dma_semaphore, #tpu.memory_space<semaphore_mem>>)
    %dma_wait3A_1049 = arith.constant 37 : i32
    %dma_wait3A_1050 = arith.constant 256 : i32
    %dma_wait3A_1051 = arith.constant 0 : i32
    %dma_wait3A_1052 = tpu.memref_slice %arg6[%dma_wait3A_1050, %dma_wait3A_1051] : memref<3072x32xf32, #tpu.memory_space<vmem>> -> memref<256x32xf32, #tpu.memory_space<vmem>>
    %dma_wait3A_1053 = arith.constant 0 : i32
    %dma_wait3A_1054 = tpu.memref_slice %arg5[%dma_wait3A_1049, %dma_wait3A_1053] : memref<52x256xi32, #tpu.memory_space<vmem>> -> memref<1x256xi32, #tpu.memory_space<vmem>>
    %dma_wait3A_1055 = tpu.memref_squeeze %dma_wait3A_1054 : memref<1x256xi32, #tpu.memory_space<vmem>> -> memref<256xi32, #tpu.memory_space<vmem>>
    %dma_wait3A_1056 = arith.constant 0 : i32
    %dma_wait3A_1057 = arith.constant 0 : i32
    %dma_wait3A_1058 = tpu.memref_slice %arg3[%dma_wait3A_1056, %dma_wait3A_1057] : memref<1000000x32xf32, #tpu.memory_space<hbm>> -> memref<1000000x32xf32, #tpu.memory_space<hbm>>
    tpu.wait_indirect_dma semaphore(%arg8 : memref<!tpu.dma_semaphore, #tpu.memory_space<semaphore_mem>>) src(%dma_wait3A_1058 : memref<1000000x32xf32, #tpu.memory_space<hbm>>) dst(%dma_wait3A_1052 : memref<256x32xf32, #tpu.memory_space<vmem>>)
    %dma_start3A_1059 = arith.constant 46 : i32
    %dma_start3A_1060 = arith.constant 2560 : i32
    %dma_start3A_1061 = arith.constant 0 : i32
    %dma_start3A_1062 = tpu.memref_slice %arg6[%dma_start3A_1060, %dma_start3A_1061] : memref<3072x32xf32, #tpu.memory_space<vmem>> -> memref<256x32xf32, #tpu.memory_space<vmem>>
    %dma_start3A_1063 = arith.constant 0 : i32
    %dma_start3A_1064 = tpu.memref_slice %arg5[%dma_start3A_1059, %dma_start3A_1063] : memref<52x256xi32, #tpu.memory_space<vmem>> -> memref<1x256xi32, #tpu.memory_space<vmem>>
    %dma_start3A_1065 = tpu.memref_squeeze %dma_start3A_1064 : memref<1x256xi32, #tpu.memory_space<vmem>> -> memref<256xi32, #tpu.memory_space<vmem>>
    %dma_start3A_1066 = arith.constant 0 : i32
    %dma_start3A_1067 = arith.constant 0 : i32
    %dma_start3A_1068 = tpu.memref_slice %arg3[%dma_start3A_1066, %dma_start3A_1067] : memref<1000000x32xf32, #tpu.memory_space<hbm>> -> memref<1000000x32xf32, #tpu.memory_space<hbm>>
    tpu.enqueue_indirect_dma source(%dma_start3A_1068 : memref<1000000x32xf32, #tpu.memory_space<hbm>>) target(%dma_start3A_1062 : memref<256x32xf32, #tpu.memory_space<vmem>>) offsets(%dma_start3A_1065 : memref<256xi32, #tpu.memory_space<vmem>>) semaphore(%arg17 : memref<!tpu.dma_semaphore, #tpu.memory_space<semaphore_mem>>)
    %dma_wait3A_1069 = arith.constant 38 : i32
    %dma_wait3A_1070 = arith.constant 512 : i32
    %dma_wait3A_1071 = arith.constant 0 : i32
    %dma_wait3A_1072 = tpu.memref_slice %arg6[%dma_wait3A_1070, %dma_wait3A_1071] : memref<3072x32xf32, #tpu.memory_space<vmem>> -> memref<256x32xf32, #tpu.memory_space<vmem>>
    %dma_wait3A_1073 = arith.constant 0 : i32
    %dma_wait3A_1074 = tpu.memref_slice %arg5[%dma_wait3A_1069, %dma_wait3A_1073] : memref<52x256xi32, #tpu.memory_space<vmem>> -> memref<1x256xi32, #tpu.memory_space<vmem>>
    %dma_wait3A_1075 = tpu.memref_squeeze %dma_wait3A_1074 : memref<1x256xi32, #tpu.memory_space<vmem>> -> memref<256xi32, #tpu.memory_space<vmem>>
    %dma_wait3A_1076 = arith.constant 0 : i32
    %dma_wait3A_1077 = arith.constant 0 : i32
    %dma_wait3A_1078 = tpu.memref_slice %arg3[%dma_wait3A_1076, %dma_wait3A_1077] : memref<1000000x32xf32, #tpu.memory_space<hbm>> -> memref<1000000x32xf32, #tpu.memory_space<hbm>>
    tpu.wait_indirect_dma semaphore(%arg9 : memref<!tpu.dma_semaphore, #tpu.memory_space<semaphore_mem>>) src(%dma_wait3A_1078 : memref<1000000x32xf32, #tpu.memory_space<hbm>>) dst(%dma_wait3A_1072 : memref<256x32xf32, #tpu.memory_space<vmem>>)
    %dma_start3A_1079 = arith.constant 47 : i32
    %dma_start3A_1080 = arith.constant 2816 : i32
    %dma_start3A_1081 = arith.constant 0 : i32
    %dma_start3A_1082 = tpu.memref_slice %arg6[%dma_start3A_1080, %dma_start3A_1081] : memref<3072x32xf32, #tpu.memory_space<vmem>> -> memref<256x32xf32, #tpu.memory_space<vmem>>
    %dma_start3A_1083 = arith.constant 0 : i32
    %dma_start3A_1084 = tpu.memref_slice %arg5[%dma_start3A_1079, %dma_start3A_1083] : memref<52x256xi32, #tpu.memory_space<vmem>> -> memref<1x256xi32, #tpu.memory_space<vmem>>
    %dma_start3A_1085 = tpu.memref_squeeze %dma_start3A_1084 : memref<1x256xi32, #tpu.memory_space<vmem>> -> memref<256xi32, #tpu.memory_space<vmem>>
    %dma_start3A_1086 = arith.constant 0 : i32
    %dma_start3A_1087 = arith.constant 0 : i32
    %dma_start3A_1088 = tpu.memref_slice %arg3[%dma_start3A_1086, %dma_start3A_1087] : memref<1000000x32xf32, #tpu.memory_space<hbm>> -> memref<1000000x32xf32, #tpu.memory_space<hbm>>
    tpu.enqueue_indirect_dma source(%dma_start3A_1088 : memref<1000000x32xf32, #tpu.memory_space<hbm>>) target(%dma_start3A_1082 : memref<256x32xf32, #tpu.memory_space<vmem>>) offsets(%dma_start3A_1085 : memref<256xi32, #tpu.memory_space<vmem>>) semaphore(%arg18 : memref<!tpu.dma_semaphore, #tpu.memory_space<semaphore_mem>>)
    %dma_wait3A_1089 = arith.constant 39 : i32
    %dma_wait3A_1090 = arith.constant 768 : i32
    %dma_wait3A_1091 = arith.constant 0 : i32
    %dma_wait3A_1092 = tpu.memref_slice %arg6[%dma_wait3A_1090, %dma_wait3A_1091] : memref<3072x32xf32, #tpu.memory_space<vmem>> -> memref<256x32xf32, #tpu.memory_space<vmem>>
    %dma_wait3A_1093 = arith.constant 0 : i32
    %dma_wait3A_1094 = tpu.memref_slice %arg5[%dma_wait3A_1089, %dma_wait3A_1093] : memref<52x256xi32, #tpu.memory_space<vmem>> -> memref<1x256xi32, #tpu.memory_space<vmem>>
    %dma_wait3A_1095 = tpu.memref_squeeze %dma_wait3A_1094 : memref<1x256xi32, #tpu.memory_space<vmem>> -> memref<256xi32, #tpu.memory_space<vmem>>
    %dma_wait3A_1096 = arith.constant 0 : i32
    %dma_wait3A_1097 = arith.constant 0 : i32
    %dma_wait3A_1098 = tpu.memref_slice %arg3[%dma_wait3A_1096, %dma_wait3A_1097] : memref<1000000x32xf32, #tpu.memory_space<hbm>> -> memref<1000000x32xf32, #tpu.memory_space<hbm>>
    tpu.wait_indirect_dma semaphore(%arg10 : memref<!tpu.dma_semaphore, #tpu.memory_space<semaphore_mem>>) src(%dma_wait3A_1098 : memref<1000000x32xf32, #tpu.memory_space<hbm>>) dst(%dma_wait3A_1092 : memref<256x32xf32, #tpu.memory_space<vmem>>)
    %add3A_1099 = arith.constant 9216 : i32
    %add3A_1100 = arith.addi %mul3A_4, %add3A_1099 : i32
    %dma_start3A_1101 = arith.constant 0 : i32
    %dma_start3A_1102 = arith.constant 0 : i32
    %dma_start3A_1103 = tpu.memref_slice %arg6[%dma_start3A_1101, %dma_start3A_1102] : memref<3072x32xf32, #tpu.memory_space<vmem>> -> memref<1024x32xf32, #tpu.memory_space<vmem>>
    %dma_start3A_1104 = arith.constant 0 : i32
    %dma_start3A_1105 = tpu.memref_slice %arg4[%add3A_1100, %dma_start3A_1104] : memref<425984x32xf32, #tpu.memory_space<hbm>> -> memref<1024x32xf32, #tpu.memory_space<hbm>>
    %dma_start3A_1106 = arith.constant 0 : i32
    %dma_start3A_1107 = tpu.memref_slice %arg4[%add3A_1100, %dma_start3A_1106] : memref<425984x32xf32, #tpu.memory_space<hbm>> -> memref<1024x32xf32, #tpu.memory_space<hbm>>
    %dma_start3A_1108 = arith.constant 0 : i32
    %dma_start3A_1109 = arith.constant 0 : i32
    %dma_start3A_1110 = tpu.memref_slice %arg6[%dma_start3A_1108, %dma_start3A_1109] : memref<3072x32xf32, #tpu.memory_space<vmem>> -> memref<1024x32xf32, #tpu.memory_space<vmem>>
    tpu.enqueue_dma source(%dma_start3A_1110 : memref<1024x32xf32, #tpu.memory_space<vmem>>) target(%dma_start3A_1107 : memref<1024x32xf32, #tpu.memory_space<hbm>>) target_semaphore(%arg19 : memref<!tpu.dma_semaphore, #tpu.memory_space<semaphore_mem>>)
    %add3A_1111 = arith.constant 9216 : i32
    %add3A_1112 = arith.addi %mul3A_4, %add3A_1111 : i32
    %dma_wait3A_1113 = arith.constant 0 : i32
    %dma_wait3A_1114 = arith.constant 0 : i32
    %dma_wait3A_1115 = tpu.memref_slice %arg6[%dma_wait3A_1113, %dma_wait3A_1114] : memref<3072x32xf32, #tpu.memory_space<vmem>> -> memref<1024x32xf32, #tpu.memory_space<vmem>>
    %dma_wait3A_1116 = arith.constant 0 : i32
    %dma_wait3A_1117 = tpu.memref_slice %arg4[%add3A_1112, %dma_wait3A_1116] : memref<425984x32xf32, #tpu.memory_space<hbm>> -> memref<1024x32xf32, #tpu.memory_space<hbm>>
    %dma_wait3A_1118 = arith.constant 0 : i32
    %dma_wait3A_1119 = tpu.memref_slice %arg4[%add3A_1112, %dma_wait3A_1118] : memref<425984x32xf32, #tpu.memory_space<hbm>> -> memref<1024x32xf32, #tpu.memory_space<hbm>>
    %dma_wait3A_1120 = arith.constant 0 : i32
    %dma_wait3A_1121 = arith.constant 0 : i32
    %dma_wait3A_1122 = tpu.memref_slice %arg6[%dma_wait3A_1120, %dma_wait3A_1121] : memref<3072x32xf32, #tpu.memory_space<vmem>> -> memref<1024x32xf32, #tpu.memory_space<vmem>>
    tpu.wait_dma2 semaphore(%arg19 : memref<!tpu.dma_semaphore, #tpu.memory_space<semaphore_mem>>) src(%dma_wait3A_1122 : memref<1024x32xf32, #tpu.memory_space<vmem>>) dst(%dma_wait3A_1119 : memref<1024x32xf32, #tpu.memory_space<hbm>>)
    %dma_start3A_1123 = arith.constant 48 : i32
    %dma_start3A_1124 = arith.constant 0 : i32
    %dma_start3A_1125 = arith.constant 0 : i32
    %dma_start3A_1126 = tpu.memref_slice %arg6[%dma_start3A_1124, %dma_start3A_1125] : memref<3072x32xf32, #tpu.memory_space<vmem>> -> memref<256x32xf32, #tpu.memory_space<vmem>>
    %dma_start3A_1127 = arith.constant 0 : i32
    %dma_start3A_1128 = tpu.memref_slice %arg5[%dma_start3A_1123, %dma_start3A_1127] : memref<52x256xi32, #tpu.memory_space<vmem>> -> memref<1x256xi32, #tpu.memory_space<vmem>>
    %dma_start3A_1129 = tpu.memref_squeeze %dma_start3A_1128 : memref<1x256xi32, #tpu.memory_space<vmem>> -> memref<256xi32, #tpu.memory_space<vmem>>
    %dma_start3A_1130 = arith.constant 0 : i32
    %dma_start3A_1131 = arith.constant 0 : i32
    %dma_start3A_1132 = tpu.memref_slice %arg3[%dma_start3A_1130, %dma_start3A_1131] : memref<1000000x32xf32, #tpu.memory_space<hbm>> -> memref<1000000x32xf32, #tpu.memory_space<hbm>>
    tpu.enqueue_indirect_dma source(%dma_start3A_1132 : memref<1000000x32xf32, #tpu.memory_space<hbm>>) target(%dma_start3A_1126 : memref<256x32xf32, #tpu.memory_space<vmem>>) offsets(%dma_start3A_1129 : memref<256xi32, #tpu.memory_space<vmem>>) semaphore(%arg7 : memref<!tpu.dma_semaphore, #tpu.memory_space<semaphore_mem>>)
    %dma_wait3A_1133 = arith.constant 40 : i32
    %dma_wait3A_1134 = arith.constant 1024 : i32
    %dma_wait3A_1135 = arith.constant 0 : i32
    %dma_wait3A_1136 = tpu.memref_slice %arg6[%dma_wait3A_1134, %dma_wait3A_1135] : memref<3072x32xf32, #tpu.memory_space<vmem>> -> memref<256x32xf32, #tpu.memory_space<vmem>>
    %dma_wait3A_1137 = arith.constant 0 : i32
    %dma_wait3A_1138 = tpu.memref_slice %arg5[%dma_wait3A_1133, %dma_wait3A_1137] : memref<52x256xi32, #tpu.memory_space<vmem>> -> memref<1x256xi32, #tpu.memory_space<vmem>>
    %dma_wait3A_1139 = tpu.memref_squeeze %dma_wait3A_1138 : memref<1x256xi32, #tpu.memory_space<vmem>> -> memref<256xi32, #tpu.memory_space<vmem>>
    %dma_wait3A_1140 = arith.constant 0 : i32
    %dma_wait3A_1141 = arith.constant 0 : i32
    %dma_wait3A_1142 = tpu.memref_slice %arg3[%dma_wait3A_1140, %dma_wait3A_1141] : memref<1000000x32xf32, #tpu.memory_space<hbm>> -> memref<1000000x32xf32, #tpu.memory_space<hbm>>
    tpu.wait_indirect_dma semaphore(%arg11 : memref<!tpu.dma_semaphore, #tpu.memory_space<semaphore_mem>>) src(%dma_wait3A_1142 : memref<1000000x32xf32, #tpu.memory_space<hbm>>) dst(%dma_wait3A_1136 : memref<256x32xf32, #tpu.memory_space<vmem>>)
    %dma_start3A_1143 = arith.constant 49 : i32
    %dma_start3A_1144 = arith.constant 256 : i32
    %dma_start3A_1145 = arith.constant 0 : i32
    %dma_start3A_1146 = tpu.memref_slice %arg6[%dma_start3A_1144, %dma_start3A_1145] : memref<3072x32xf32, #tpu.memory_space<vmem>> -> memref<256x32xf32, #tpu.memory_space<vmem>>
    %dma_start3A_1147 = arith.constant 0 : i32
    %dma_start3A_1148 = tpu.memref_slice %arg5[%dma_start3A_1143, %dma_start3A_1147] : memref<52x256xi32, #tpu.memory_space<vmem>> -> memref<1x256xi32, #tpu.memory_space<vmem>>
    %dma_start3A_1149 = tpu.memref_squeeze %dma_start3A_1148 : memref<1x256xi32, #tpu.memory_space<vmem>> -> memref<256xi32, #tpu.memory_space<vmem>>
    %dma_start3A_1150 = arith.constant 0 : i32
    %dma_start3A_1151 = arith.constant 0 : i32
    %dma_start3A_1152 = tpu.memref_slice %arg3[%dma_start3A_1150, %dma_start3A_1151] : memref<1000000x32xf32, #tpu.memory_space<hbm>> -> memref<1000000x32xf32, #tpu.memory_space<hbm>>
    tpu.enqueue_indirect_dma source(%dma_start3A_1152 : memref<1000000x32xf32, #tpu.memory_space<hbm>>) target(%dma_start3A_1146 : memref<256x32xf32, #tpu.memory_space<vmem>>) offsets(%dma_start3A_1149 : memref<256xi32, #tpu.memory_space<vmem>>) semaphore(%arg8 : memref<!tpu.dma_semaphore, #tpu.memory_space<semaphore_mem>>)
    %dma_wait3A_1153 = arith.constant 41 : i32
    %dma_wait3A_1154 = arith.constant 1280 : i32
    %dma_wait3A_1155 = arith.constant 0 : i32
    %dma_wait3A_1156 = tpu.memref_slice %arg6[%dma_wait3A_1154, %dma_wait3A_1155] : memref<3072x32xf32, #tpu.memory_space<vmem>> -> memref<256x32xf32, #tpu.memory_space<vmem>>
    %dma_wait3A_1157 = arith.constant 0 : i32
    %dma_wait3A_1158 = tpu.memref_slice %arg5[%dma_wait3A_1153, %dma_wait3A_1157] : memref<52x256xi32, #tpu.memory_space<vmem>> -> memref<1x256xi32, #tpu.memory_space<vmem>>
    %dma_wait3A_1159 = tpu.memref_squeeze %dma_wait3A_1158 : memref<1x256xi32, #tpu.memory_space<vmem>> -> memref<256xi32, #tpu.memory_space<vmem>>
    %dma_wait3A_1160 = arith.constant 0 : i32
    %dma_wait3A_1161 = arith.constant 0 : i32
    %dma_wait3A_1162 = tpu.memref_slice %arg3[%dma_wait3A_1160, %dma_wait3A_1161] : memref<1000000x32xf32, #tpu.memory_space<hbm>> -> memref<1000000x32xf32, #tpu.memory_space<hbm>>
    tpu.wait_indirect_dma semaphore(%arg12 : memref<!tpu.dma_semaphore, #tpu.memory_space<semaphore_mem>>) src(%dma_wait3A_1162 : memref<1000000x32xf32, #tpu.memory_space<hbm>>) dst(%dma_wait3A_1156 : memref<256x32xf32, #tpu.memory_space<vmem>>)
    %dma_start3A_1163 = arith.constant 50 : i32
    %dma_start3A_1164 = arith.constant 512 : i32
    %dma_start3A_1165 = arith.constant 0 : i32
    %dma_start3A_1166 = tpu.memref_slice %arg6[%dma_start3A_1164, %dma_start3A_1165] : memref<3072x32xf32, #tpu.memory_space<vmem>> -> memref<256x32xf32, #tpu.memory_space<vmem>>
    %dma_start3A_1167 = arith.constant 0 : i32
    %dma_start3A_1168 = tpu.memref_slice %arg5[%dma_start3A_1163, %dma_start3A_1167] : memref<52x256xi32, #tpu.memory_space<vmem>> -> memref<1x256xi32, #tpu.memory_space<vmem>>
    %dma_start3A_1169 = tpu.memref_squeeze %dma_start3A_1168 : memref<1x256xi32, #tpu.memory_space<vmem>> -> memref<256xi32, #tpu.memory_space<vmem>>
    %dma_start3A_1170 = arith.constant 0 : i32
    %dma_start3A_1171 = arith.constant 0 : i32
    %dma_start3A_1172 = tpu.memref_slice %arg3[%dma_start3A_1170, %dma_start3A_1171] : memref<1000000x32xf32, #tpu.memory_space<hbm>> -> memref<1000000x32xf32, #tpu.memory_space<hbm>>
    tpu.enqueue_indirect_dma source(%dma_start3A_1172 : memref<1000000x32xf32, #tpu.memory_space<hbm>>) target(%dma_start3A_1166 : memref<256x32xf32, #tpu.memory_space<vmem>>) offsets(%dma_start3A_1169 : memref<256xi32, #tpu.memory_space<vmem>>) semaphore(%arg9 : memref<!tpu.dma_semaphore, #tpu.memory_space<semaphore_mem>>)
    %dma_wait3A_1173 = arith.constant 42 : i32
    %dma_wait3A_1174 = arith.constant 1536 : i32
    %dma_wait3A_1175 = arith.constant 0 : i32
    %dma_wait3A_1176 = tpu.memref_slice %arg6[%dma_wait3A_1174, %dma_wait3A_1175] : memref<3072x32xf32, #tpu.memory_space<vmem>> -> memref<256x32xf32, #tpu.memory_space<vmem>>
    %dma_wait3A_1177 = arith.constant 0 : i32
    %dma_wait3A_1178 = tpu.memref_slice %arg5[%dma_wait3A_1173, %dma_wait3A_1177] : memref<52x256xi32, #tpu.memory_space<vmem>> -> memref<1x256xi32, #tpu.memory_space<vmem>>
    %dma_wait3A_1179 = tpu.memref_squeeze %dma_wait3A_1178 : memref<1x256xi32, #tpu.memory_space<vmem>> -> memref<256xi32, #tpu.memory_space<vmem>>
    %dma_wait3A_1180 = arith.constant 0 : i32
    %dma_wait3A_1181 = arith.constant 0 : i32
    %dma_wait3A_1182 = tpu.memref_slice %arg3[%dma_wait3A_1180, %dma_wait3A_1181] : memref<1000000x32xf32, #tpu.memory_space<hbm>> -> memref<1000000x32xf32, #tpu.memory_space<hbm>>
    tpu.wait_indirect_dma semaphore(%arg13 : memref<!tpu.dma_semaphore, #tpu.memory_space<semaphore_mem>>) src(%dma_wait3A_1182 : memref<1000000x32xf32, #tpu.memory_space<hbm>>) dst(%dma_wait3A_1176 : memref<256x32xf32, #tpu.memory_space<vmem>>)
    %dma_start3A_1183 = arith.constant 51 : i32
    %dma_start3A_1184 = arith.constant 768 : i32
    %dma_start3A_1185 = arith.constant 0 : i32
    %dma_start3A_1186 = tpu.memref_slice %arg6[%dma_start3A_1184, %dma_start3A_1185] : memref<3072x32xf32, #tpu.memory_space<vmem>> -> memref<256x32xf32, #tpu.memory_space<vmem>>
    %dma_start3A_1187 = arith.constant 0 : i32
    %dma_start3A_1188 = tpu.memref_slice %arg5[%dma_start3A_1183, %dma_start3A_1187] : memref<52x256xi32, #tpu.memory_space<vmem>> -> memref<1x256xi32, #tpu.memory_space<vmem>>
    %dma_start3A_1189 = tpu.memref_squeeze %dma_start3A_1188 : memref<1x256xi32, #tpu.memory_space<vmem>> -> memref<256xi32, #tpu.memory_space<vmem>>
    %dma_start3A_1190 = arith.constant 0 : i32
    %dma_start3A_1191 = arith.constant 0 : i32
    %dma_start3A_1192 = tpu.memref_slice %arg3[%dma_start3A_1190, %dma_start3A_1191] : memref<1000000x32xf32, #tpu.memory_space<hbm>> -> memref<1000000x32xf32, #tpu.memory_space<hbm>>
    tpu.enqueue_indirect_dma source(%dma_start3A_1192 : memref<1000000x32xf32, #tpu.memory_space<hbm>>) target(%dma_start3A_1186 : memref<256x32xf32, #tpu.memory_space<vmem>>) offsets(%dma_start3A_1189 : memref<256xi32, #tpu.memory_space<vmem>>) semaphore(%arg10 : memref<!tpu.dma_semaphore, #tpu.memory_space<semaphore_mem>>)
    %dma_wait3A_1193 = arith.constant 43 : i32
    %dma_wait3A_1194 = arith.constant 1792 : i32
    %dma_wait3A_1195 = arith.constant 0 : i32
    %dma_wait3A_1196 = tpu.memref_slice %arg6[%dma_wait3A_1194, %dma_wait3A_1195] : memref<3072x32xf32, #tpu.memory_space<vmem>> -> memref<256x32xf32, #tpu.memory_space<vmem>>
    %dma_wait3A_1197 = arith.constant 0 : i32
    %dma_wait3A_1198 = tpu.memref_slice %arg5[%dma_wait3A_1193, %dma_wait3A_1197] : memref<52x256xi32, #tpu.memory_space<vmem>> -> memref<1x256xi32, #tpu.memory_space<vmem>>
    %dma_wait3A_1199 = tpu.memref_squeeze %dma_wait3A_1198 : memref<1x256xi32, #tpu.memory_space<vmem>> -> memref<256xi32, #tpu.memory_space<vmem>>
    %dma_wait3A_1200 = arith.constant 0 : i32
    %dma_wait3A_1201 = arith.constant 0 : i32
    %dma_wait3A_1202 = tpu.memref_slice %arg3[%dma_wait3A_1200, %dma_wait3A_1201] : memref<1000000x32xf32, #tpu.memory_space<hbm>> -> memref<1000000x32xf32, #tpu.memory_space<hbm>>
    tpu.wait_indirect_dma semaphore(%arg14 : memref<!tpu.dma_semaphore, #tpu.memory_space<semaphore_mem>>) src(%dma_wait3A_1202 : memref<1000000x32xf32, #tpu.memory_space<hbm>>) dst(%dma_wait3A_1196 : memref<256x32xf32, #tpu.memory_space<vmem>>)
    %add3A_1203 = arith.constant 10240 : i32
    %add3A_1204 = arith.addi %mul3A_4, %add3A_1203 : i32
    %dma_start3A_1205 = arith.constant 1024 : i32
    %dma_start3A_1206 = arith.constant 0 : i32
    %dma_start3A_1207 = tpu.memref_slice %arg6[%dma_start3A_1205, %dma_start3A_1206] : memref<3072x32xf32, #tpu.memory_space<vmem>> -> memref<1024x32xf32, #tpu.memory_space<vmem>>
    %dma_start3A_1208 = arith.constant 0 : i32
    %dma_start3A_1209 = tpu.memref_slice %arg4[%add3A_1204, %dma_start3A_1208] : memref<425984x32xf32, #tpu.memory_space<hbm>> -> memref<1024x32xf32, #tpu.memory_space<hbm>>
    %dma_start3A_1210 = arith.constant 0 : i32
    %dma_start3A_1211 = tpu.memref_slice %arg4[%add3A_1204, %dma_start3A_1210] : memref<425984x32xf32, #tpu.memory_space<hbm>> -> memref<1024x32xf32, #tpu.memory_space<hbm>>
    %dma_start3A_1212 = arith.constant 1024 : i32
    %dma_start3A_1213 = arith.constant 0 : i32
    %dma_start3A_1214 = tpu.memref_slice %arg6[%dma_start3A_1212, %dma_start3A_1213] : memref<3072x32xf32, #tpu.memory_space<vmem>> -> memref<1024x32xf32, #tpu.memory_space<vmem>>
    tpu.enqueue_dma source(%dma_start3A_1214 : memref<1024x32xf32, #tpu.memory_space<vmem>>) target(%dma_start3A_1211 : memref<1024x32xf32, #tpu.memory_space<hbm>>) target_semaphore(%arg20 : memref<!tpu.dma_semaphore, #tpu.memory_space<semaphore_mem>>)
    %dma_wait3A_1215 = arith.constant 44 : i32
    %dma_wait3A_1216 = arith.constant 2048 : i32
    %dma_wait3A_1217 = arith.constant 0 : i32
    %dma_wait3A_1218 = tpu.memref_slice %arg6[%dma_wait3A_1216, %dma_wait3A_1217] : memref<3072x32xf32, #tpu.memory_space<vmem>> -> memref<256x32xf32, #tpu.memory_space<vmem>>
    %dma_wait3A_1219 = arith.constant 0 : i32
    %dma_wait3A_1220 = tpu.memref_slice %arg5[%dma_wait3A_1215, %dma_wait3A_1219] : memref<52x256xi32, #tpu.memory_space<vmem>> -> memref<1x256xi32, #tpu.memory_space<vmem>>
    %dma_wait3A_1221 = tpu.memref_squeeze %dma_wait3A_1220 : memref<1x256xi32, #tpu.memory_space<vmem>> -> memref<256xi32, #tpu.memory_space<vmem>>
    %dma_wait3A_1222 = arith.constant 0 : i32
    %dma_wait3A_1223 = arith.constant 0 : i32
    %dma_wait3A_1224 = tpu.memref_slice %arg3[%dma_wait3A_1222, %dma_wait3A_1223] : memref<1000000x32xf32, #tpu.memory_space<hbm>> -> memref<1000000x32xf32, #tpu.memory_space<hbm>>
    tpu.wait_indirect_dma semaphore(%arg15 : memref<!tpu.dma_semaphore, #tpu.memory_space<semaphore_mem>>) src(%dma_wait3A_1224 : memref<1000000x32xf32, #tpu.memory_space<hbm>>) dst(%dma_wait3A_1218 : memref<256x32xf32, #tpu.memory_space<vmem>>)
    %dma_wait3A_1225 = arith.constant 45 : i32
    %dma_wait3A_1226 = arith.constant 2304 : i32
    %dma_wait3A_1227 = arith.constant 0 : i32
    %dma_wait3A_1228 = tpu.memref_slice %arg6[%dma_wait3A_1226, %dma_wait3A_1227] : memref<3072x32xf32, #tpu.memory_space<vmem>> -> memref<256x32xf32, #tpu.memory_space<vmem>>
    %dma_wait3A_1229 = arith.constant 0 : i32
    %dma_wait3A_1230 = tpu.memref_slice %arg5[%dma_wait3A_1225, %dma_wait3A_1229] : memref<52x256xi32, #tpu.memory_space<vmem>> -> memref<1x256xi32, #tpu.memory_space<vmem>>
    %dma_wait3A_1231 = tpu.memref_squeeze %dma_wait3A_1230 : memref<1x256xi32, #tpu.memory_space<vmem>> -> memref<256xi32, #tpu.memory_space<vmem>>
    %dma_wait3A_1232 = arith.constant 0 : i32
    %dma_wait3A_1233 = arith.constant 0 : i32
    %dma_wait3A_1234 = tpu.memref_slice %arg3[%dma_wait3A_1232, %dma_wait3A_1233] : memref<1000000x32xf32, #tpu.memory_space<hbm>> -> memref<1000000x32xf32, #tpu.memory_space<hbm>>
    tpu.wait_indirect_dma semaphore(%arg16 : memref<!tpu.dma_semaphore, #tpu.memory_space<semaphore_mem>>) src(%dma_wait3A_1234 : memref<1000000x32xf32, #tpu.memory_space<hbm>>) dst(%dma_wait3A_1228 : memref<256x32xf32, #tpu.memory_space<vmem>>)
    %dma_wait3A_1235 = arith.constant 46 : i32
    %dma_wait3A_1236 = arith.constant 2560 : i32
    %dma_wait3A_1237 = arith.constant 0 : i32
    %dma_wait3A_1238 = tpu.memref_slice %arg6[%dma_wait3A_1236, %dma_wait3A_1237] : memref<3072x32xf32, #tpu.memory_space<vmem>> -> memref<256x32xf32, #tpu.memory_space<vmem>>
    %dma_wait3A_1239 = arith.constant 0 : i32
    %dma_wait3A_1240 = tpu.memref_slice %arg5[%dma_wait3A_1235, %dma_wait3A_1239] : memref<52x256xi32, #tpu.memory_space<vmem>> -> memref<1x256xi32, #tpu.memory_space<vmem>>
    %dma_wait3A_1241 = tpu.memref_squeeze %dma_wait3A_1240 : memref<1x256xi32, #tpu.memory_space<vmem>> -> memref<256xi32, #tpu.memory_space<vmem>>
    %dma_wait3A_1242 = arith.constant 0 : i32
    %dma_wait3A_1243 = arith.constant 0 : i32
    %dma_wait3A_1244 = tpu.memref_slice %arg3[%dma_wait3A_1242, %dma_wait3A_1243] : memref<1000000x32xf32, #tpu.memory_space<hbm>> -> memref<1000000x32xf32, #tpu.memory_space<hbm>>
    tpu.wait_indirect_dma semaphore(%arg17 : memref<!tpu.dma_semaphore, #tpu.memory_space<semaphore_mem>>) src(%dma_wait3A_1244 : memref<1000000x32xf32, #tpu.memory_space<hbm>>) dst(%dma_wait3A_1238 : memref<256x32xf32, #tpu.memory_space<vmem>>)
    %dma_wait3A_1245 = arith.constant 47 : i32
    %dma_wait3A_1246 = arith.constant 2816 : i32
    %dma_wait3A_1247 = arith.constant 0 : i32
    %dma_wait3A_1248 = tpu.memref_slice %arg6[%dma_wait3A_1246, %dma_wait3A_1247] : memref<3072x32xf32, #tpu.memory_space<vmem>> -> memref<256x32xf32, #tpu.memory_space<vmem>>
    %dma_wait3A_1249 = arith.constant 0 : i32
    %dma_wait3A_1250 = tpu.memref_slice %arg5[%dma_wait3A_1245, %dma_wait3A_1249] : memref<52x256xi32, #tpu.memory_space<vmem>> -> memref<1x256xi32, #tpu.memory_space<vmem>>
    %dma_wait3A_1251 = tpu.memref_squeeze %dma_wait3A_1250 : memref<1x256xi32, #tpu.memory_space<vmem>> -> memref<256xi32, #tpu.memory_space<vmem>>
    %dma_wait3A_1252 = arith.constant 0 : i32
    %dma_wait3A_1253 = arith.constant 0 : i32
    %dma_wait3A_1254 = tpu.memref_slice %arg3[%dma_wait3A_1252, %dma_wait3A_1253] : memref<1000000x32xf32, #tpu.memory_space<hbm>> -> memref<1000000x32xf32, #tpu.memory_space<hbm>>
    tpu.wait_indirect_dma semaphore(%arg18 : memref<!tpu.dma_semaphore, #tpu.memory_space<semaphore_mem>>) src(%dma_wait3A_1254 : memref<1000000x32xf32, #tpu.memory_space<hbm>>) dst(%dma_wait3A_1248 : memref<256x32xf32, #tpu.memory_space<vmem>>)
    %add3A_1255 = arith.constant 11264 : i32
    %add3A_1256 = arith.addi %mul3A_4, %add3A_1255 : i32
    %dma_start3A_1257 = arith.constant 2048 : i32
    %dma_start3A_1258 = arith.constant 0 : i32
    %dma_start3A_1259 = tpu.memref_slice %arg6[%dma_start3A_1257, %dma_start3A_1258] : memref<3072x32xf32, #tpu.memory_space<vmem>> -> memref<1024x32xf32, #tpu.memory_space<vmem>>
    %dma_start3A_1260 = arith.constant 0 : i32
    %dma_start3A_1261 = tpu.memref_slice %arg4[%add3A_1256, %dma_start3A_1260] : memref<425984x32xf32, #tpu.memory_space<hbm>> -> memref<1024x32xf32, #tpu.memory_space<hbm>>
    %dma_start3A_1262 = arith.constant 0 : i32
    %dma_start3A_1263 = tpu.memref_slice %arg4[%add3A_1256, %dma_start3A_1262] : memref<425984x32xf32, #tpu.memory_space<hbm>> -> memref<1024x32xf32, #tpu.memory_space<hbm>>
    %dma_start3A_1264 = arith.constant 2048 : i32
    %dma_start3A_1265 = arith.constant 0 : i32
    %dma_start3A_1266 = tpu.memref_slice %arg6[%dma_start3A_1264, %dma_start3A_1265] : memref<3072x32xf32, #tpu.memory_space<vmem>> -> memref<1024x32xf32, #tpu.memory_space<vmem>>
    tpu.enqueue_dma source(%dma_start3A_1266 : memref<1024x32xf32, #tpu.memory_space<vmem>>) target(%dma_start3A_1263 : memref<1024x32xf32, #tpu.memory_space<hbm>>) target_semaphore(%arg21 : memref<!tpu.dma_semaphore, #tpu.memory_space<semaphore_mem>>)
    %dma_wait3A_1267 = arith.constant 48 : i32
    %dma_wait3A_1268 = arith.constant 0 : i32
    %dma_wait3A_1269 = arith.constant 0 : i32
    %dma_wait3A_1270 = tpu.memref_slice %arg6[%dma_wait3A_1268, %dma_wait3A_1269] : memref<3072x32xf32, #tpu.memory_space<vmem>> -> memref<256x32xf32, #tpu.memory_space<vmem>>
    %dma_wait3A_1271 = arith.constant 0 : i32
    %dma_wait3A_1272 = tpu.memref_slice %arg5[%dma_wait3A_1267, %dma_wait3A_1271] : memref<52x256xi32, #tpu.memory_space<vmem>> -> memref<1x256xi32, #tpu.memory_space<vmem>>
    %dma_wait3A_1273 = tpu.memref_squeeze %dma_wait3A_1272 : memref<1x256xi32, #tpu.memory_space<vmem>> -> memref<256xi32, #tpu.memory_space<vmem>>
    %dma_wait3A_1274 = arith.constant 0 : i32
    %dma_wait3A_1275 = arith.constant 0 : i32
    %dma_wait3A_1276 = tpu.memref_slice %arg3[%dma_wait3A_1274, %dma_wait3A_1275] : memref<1000000x32xf32, #tpu.memory_space<hbm>> -> memref<1000000x32xf32, #tpu.memory_space<hbm>>
    tpu.wait_indirect_dma semaphore(%arg7 : memref<!tpu.dma_semaphore, #tpu.memory_space<semaphore_mem>>) src(%dma_wait3A_1276 : memref<1000000x32xf32, #tpu.memory_space<hbm>>) dst(%dma_wait3A_1270 : memref<256x32xf32, #tpu.memory_space<vmem>>)
    %dma_wait3A_1277 = arith.constant 49 : i32
    %dma_wait3A_1278 = arith.constant 256 : i32
    %dma_wait3A_1279 = arith.constant 0 : i32
    %dma_wait3A_1280 = tpu.memref_slice %arg6[%dma_wait3A_1278, %dma_wait3A_1279] : memref<3072x32xf32, #tpu.memory_space<vmem>> -> memref<256x32xf32, #tpu.memory_space<vmem>>
    %dma_wait3A_1281 = arith.constant 0 : i32
    %dma_wait3A_1282 = tpu.memref_slice %arg5[%dma_wait3A_1277, %dma_wait3A_1281] : memref<52x256xi32, #tpu.memory_space<vmem>> -> memref<1x256xi32, #tpu.memory_space<vmem>>
    %dma_wait3A_1283 = tpu.memref_squeeze %dma_wait3A_1282 : memref<1x256xi32, #tpu.memory_space<vmem>> -> memref<256xi32, #tpu.memory_space<vmem>>
    %dma_wait3A_1284 = arith.constant 0 : i32
    %dma_wait3A_1285 = arith.constant 0 : i32
    %dma_wait3A_1286 = tpu.memref_slice %arg3[%dma_wait3A_1284, %dma_wait3A_1285] : memref<1000000x32xf32, #tpu.memory_space<hbm>> -> memref<1000000x32xf32, #tpu.memory_space<hbm>>
    tpu.wait_indirect_dma semaphore(%arg8 : memref<!tpu.dma_semaphore, #tpu.memory_space<semaphore_mem>>) src(%dma_wait3A_1286 : memref<1000000x32xf32, #tpu.memory_space<hbm>>) dst(%dma_wait3A_1280 : memref<256x32xf32, #tpu.memory_space<vmem>>)
    %dma_wait3A_1287 = arith.constant 50 : i32
    %dma_wait3A_1288 = arith.constant 512 : i32
    %dma_wait3A_1289 = arith.constant 0 : i32
    %dma_wait3A_1290 = tpu.memref_slice %arg6[%dma_wait3A_1288, %dma_wait3A_1289] : memref<3072x32xf32, #tpu.memory_space<vmem>> -> memref<256x32xf32, #tpu.memory_space<vmem>>
    %dma_wait3A_1291 = arith.constant 0 : i32
    %dma_wait3A_1292 = tpu.memref_slice %arg5[%dma_wait3A_1287, %dma_wait3A_1291] : memref<52x256xi32, #tpu.memory_space<vmem>> -> memref<1x256xi32, #tpu.memory_space<vmem>>
    %dma_wait3A_1293 = tpu.memref_squeeze %dma_wait3A_1292 : memref<1x256xi32, #tpu.memory_space<vmem>> -> memref<256xi32, #tpu.memory_space<vmem>>
    %dma_wait3A_1294 = arith.constant 0 : i32
    %dma_wait3A_1295 = arith.constant 0 : i32
    %dma_wait3A_1296 = tpu.memref_slice %arg3[%dma_wait3A_1294, %dma_wait3A_1295] : memref<1000000x32xf32, #tpu.memory_space<hbm>> -> memref<1000000x32xf32, #tpu.memory_space<hbm>>
    tpu.wait_indirect_dma semaphore(%arg9 : memref<!tpu.dma_semaphore, #tpu.memory_space<semaphore_mem>>) src(%dma_wait3A_1296 : memref<1000000x32xf32, #tpu.memory_space<hbm>>) dst(%dma_wait3A_1290 : memref<256x32xf32, #tpu.memory_space<vmem>>)
    %dma_wait3A_1297 = arith.constant 51 : i32
    %dma_wait3A_1298 = arith.constant 768 : i32
    %dma_wait3A_1299 = arith.constant 0 : i32
    %dma_wait3A_1300 = tpu.memref_slice %arg6[%dma_wait3A_1298, %dma_wait3A_1299] : memref<3072x32xf32, #tpu.memory_space<vmem>> -> memref<256x32xf32, #tpu.memory_space<vmem>>
    %dma_wait3A_1301 = arith.constant 0 : i32
    %dma_wait3A_1302 = tpu.memref_slice %arg5[%dma_wait3A_1297, %dma_wait3A_1301] : memref<52x256xi32, #tpu.memory_space<vmem>> -> memref<1x256xi32, #tpu.memory_space<vmem>>
    %dma_wait3A_1303 = tpu.memref_squeeze %dma_wait3A_1302 : memref<1x256xi32, #tpu.memory_space<vmem>> -> memref<256xi32, #tpu.memory_space<vmem>>
    %dma_wait3A_1304 = arith.constant 0 : i32
    %dma_wait3A_1305 = arith.constant 0 : i32
    %dma_wait3A_1306 = tpu.memref_slice %arg3[%dma_wait3A_1304, %dma_wait3A_1305] : memref<1000000x32xf32, #tpu.memory_space<hbm>> -> memref<1000000x32xf32, #tpu.memory_space<hbm>>
    tpu.wait_indirect_dma semaphore(%arg10 : memref<!tpu.dma_semaphore, #tpu.memory_space<semaphore_mem>>) src(%dma_wait3A_1306 : memref<1000000x32xf32, #tpu.memory_space<hbm>>) dst(%dma_wait3A_1300 : memref<256x32xf32, #tpu.memory_space<vmem>>)
    %add3A_1307 = arith.constant 12288 : i32
    %add3A_1308 = arith.addi %mul3A_4, %add3A_1307 : i32
    %dma_start3A_1309 = arith.constant 0 : i32
    %dma_start3A_1310 = arith.constant 0 : i32
    %dma_start3A_1311 = tpu.memref_slice %arg6[%dma_start3A_1309, %dma_start3A_1310] : memref<3072x32xf32, #tpu.memory_space<vmem>> -> memref<1024x32xf32, #tpu.memory_space<vmem>>
    %dma_start3A_1312 = arith.constant 0 : i32
    %dma_start3A_1313 = tpu.memref_slice %arg4[%add3A_1308, %dma_start3A_1312] : memref<425984x32xf32, #tpu.memory_space<hbm>> -> memref<1024x32xf32, #tpu.memory_space<hbm>>
    %dma_start3A_1314 = arith.constant 0 : i32
    %dma_start3A_1315 = tpu.memref_slice %arg4[%add3A_1308, %dma_start3A_1314] : memref<425984x32xf32, #tpu.memory_space<hbm>> -> memref<1024x32xf32, #tpu.memory_space<hbm>>
    %dma_start3A_1316 = arith.constant 0 : i32
    %dma_start3A_1317 = arith.constant 0 : i32
    %dma_start3A_1318 = tpu.memref_slice %arg6[%dma_start3A_1316, %dma_start3A_1317] : memref<3072x32xf32, #tpu.memory_space<vmem>> -> memref<1024x32xf32, #tpu.memory_space<vmem>>
    tpu.enqueue_dma source(%dma_start3A_1318 : memref<1024x32xf32, #tpu.memory_space<vmem>>) target(%dma_start3A_1315 : memref<1024x32xf32, #tpu.memory_space<hbm>>) target_semaphore(%arg19 : memref<!tpu.dma_semaphore, #tpu.memory_space<semaphore_mem>>)
    %add3A_1319 = arith.constant 10240 : i32
    %add3A_1320 = arith.addi %mul3A_4, %add3A_1319 : i32
    %dma_wait3A_1321 = arith.constant 1024 : i32
    %dma_wait3A_1322 = arith.constant 0 : i32
    %dma_wait3A_1323 = tpu.memref_slice %arg6[%dma_wait3A_1321, %dma_wait3A_1322] : memref<3072x32xf32, #tpu.memory_space<vmem>> -> memref<1024x32xf32, #tpu.memory_space<vmem>>
    %dma_wait3A_1324 = arith.constant 0 : i32
    %dma_wait3A_1325 = tpu.memref_slice %arg4[%add3A_1320, %dma_wait3A_1324] : memref<425984x32xf32, #tpu.memory_space<hbm>> -> memref<1024x32xf32, #tpu.memory_space<hbm>>
    %dma_wait3A_1326 = arith.constant 0 : i32
    %dma_wait3A_1327 = tpu.memref_slice %arg4[%add3A_1320, %dma_wait3A_1326] : memref<425984x32xf32, #tpu.memory_space<hbm>> -> memref<1024x32xf32, #tpu.memory_space<hbm>>
    %dma_wait3A_1328 = arith.constant 1024 : i32
    %dma_wait3A_1329 = arith.constant 0 : i32
    %dma_wait3A_1330 = tpu.memref_slice %arg6[%dma_wait3A_1328, %dma_wait3A_1329] : memref<3072x32xf32, #tpu.memory_space<vmem>> -> memref<1024x32xf32, #tpu.memory_space<vmem>>
    tpu.wait_dma2 semaphore(%arg20 : memref<!tpu.dma_semaphore, #tpu.memory_space<semaphore_mem>>) src(%dma_wait3A_1330 : memref<1024x32xf32, #tpu.memory_space<vmem>>) dst(%dma_wait3A_1327 : memref<1024x32xf32, #tpu.memory_space<hbm>>)
    %add3A_1331 = arith.constant 11264 : i32
    %add3A_1332 = arith.addi %mul3A_4, %add3A_1331 : i32
    %dma_wait3A_1333 = arith.constant 2048 : i32
    %dma_wait3A_1334 = arith.constant 0 : i32
    %dma_wait3A_1335 = tpu.memref_slice %arg6[%dma_wait3A_1333, %dma_wait3A_1334] : memref<3072x32xf32, #tpu.memory_space<vmem>> -> memref<1024x32xf32, #tpu.memory_space<vmem>>
    %dma_wait3A_1336 = arith.constant 0 : i32
    %dma_wait3A_1337 = tpu.memref_slice %arg4[%add3A_1332, %dma_wait3A_1336] : memref<425984x32xf32, #tpu.memory_space<hbm>> -> memref<1024x32xf32, #tpu.memory_space<hbm>>
    %dma_wait3A_1338 = arith.constant 0 : i32
    %dma_wait3A_1339 = tpu.memref_slice %arg4[%add3A_1332, %dma_wait3A_1338] : memref<425984x32xf32, #tpu.memory_space<hbm>> -> memref<1024x32xf32, #tpu.memory_space<hbm>>
    %dma_wait3A_1340 = arith.constant 2048 : i32
    %dma_wait3A_1341 = arith.constant 0 : i32
    %dma_wait3A_1342 = tpu.memref_slice %arg6[%dma_wait3A_1340, %dma_wait3A_1341] : memref<3072x32xf32, #tpu.memory_space<vmem>> -> memref<1024x32xf32, #tpu.memory_space<vmem>>
    tpu.wait_dma2 semaphore(%arg21 : memref<!tpu.dma_semaphore, #tpu.memory_space<semaphore_mem>>) src(%dma_wait3A_1342 : memref<1024x32xf32, #tpu.memory_space<vmem>>) dst(%dma_wait3A_1339 : memref<1024x32xf32, #tpu.memory_space<hbm>>)
    %add3A_1343 = arith.constant 12288 : i32
    %add3A_1344 = arith.addi %mul3A_4, %add3A_1343 : i32
    %dma_wait3A_1345 = arith.constant 0 : i32
    %dma_wait3A_1346 = arith.constant 0 : i32
    %dma_wait3A_1347 = tpu.memref_slice %arg6[%dma_wait3A_1345, %dma_wait3A_1346] : memref<3072x32xf32, #tpu.memory_space<vmem>> -> memref<1024x32xf32, #tpu.memory_space<vmem>>
    %dma_wait3A_1348 = arith.constant 0 : i32
    %dma_wait3A_1349 = tpu.memref_slice %arg4[%add3A_1344, %dma_wait3A_1348] : memref<425984x32xf32, #tpu.memory_space<hbm>> -> memref<1024x32xf32, #tpu.memory_space<hbm>>
    %dma_wait3A_1350 = arith.constant 0 : i32
    %dma_wait3A_1351 = tpu.memref_slice %arg4[%add3A_1344, %dma_wait3A_1350] : memref<425984x32xf32, #tpu.memory_space<hbm>> -> memref<1024x32xf32, #tpu.memory_space<hbm>>
    %dma_wait3A_1352 = arith.constant 0 : i32
    %dma_wait3A_1353 = arith.constant 0 : i32
    %dma_wait3A_1354 = tpu.memref_slice %arg6[%dma_wait3A_1352, %dma_wait3A_1353] : memref<3072x32xf32, #tpu.memory_space<vmem>> -> memref<1024x32xf32, #tpu.memory_space<vmem>>
    tpu.wait_dma2 semaphore(%arg19 : memref<!tpu.dma_semaphore, #tpu.memory_space<semaphore_mem>>) src(%dma_wait3A_1354 : memref<1024x32xf32, #tpu.memory_space<vmem>>) dst(%dma_wait3A_1351 : memref<1024x32xf32, #tpu.memory_space<hbm>>)
    return
  }
}

</mosaic_0001>

<sc_bundles>
// kernel: _sc_gather.3.cloned.1.call-start
scs
__scs_entry_jumppad:
0x0: {  	(pc) =	sbr.rel $0x88, $3  }
0x1: {  	(tag) =	ssettag $0x0;
	lr =	simm.s32 $0x1  }
0x2: {  	[smem:$0x3F9F] =	sst lr;
	_ =	strace $0xD0000000  }
0x3: {  	_ = 	snop  }
0x4: {  	_ = 	snop  }
0x5: {  	_ = 	snop  }
0x6: {  	_ = 	snop  }
0x7: {  	_ = 	snop  }
__scs_overlays_trampoline_lowered:
0x8: {  	[smem:$0x3FAE] =	sst s0  }
0x9: {  	[smem:$0x3FAF] =	sst s1  }
0xa: {  	[smem:$0x3FB0] =	sst s2  }
0xb: {  	[smem:$0x3FB1] =	sst s3  }
0xc: {  	[smem:$0x3FB2] =	sst s4  }
0xd: {  	[smem:$0x3FB3] =	sst s5  }
0xe: {  	[smem:$0x3FB4] =	sst s6  }
0xf: {  	[smem:$0x3FB5] =	sst s7  }
0x10: {  	[smem:$0x3FB6] =	sst s8  }
0x11: {  	[smem:$0x3FB7] =	sst s9;
	s0 =	simm.s32 @!p0 $0x0  }
0x12: {  	s1 =	sld [smem:$0x3F9D];
	s0 =	simm.s32 @p0 $0x1  }
0x13: {  	[smem:$0x3FB8] =	sst s0;
	s0 =	simm.s32 @!p1 $0x0  }
0x14: {  	s2 =	sld [smem:$0x3F9C];
	s0 =	simm.s32 @p1 $0x1  }
0x15: {  	[smem:$0x3FB9] =	sst s0;
	s0 =	simm.s32 @!p2 $0x0  }
0x16: {  	s3 =	sld [smem:$0x3FDB];
	s0 =	simm.s32 @p2 $0x1  }
0x17: {  	s4 =	simm.s32 $0x1BF5;
	[smem:$0x3FBB] =	sst s0  }
0x18: {  	s0 =	sld [smem:$0x3F9E];
	_ =	swait.ge [sflag:s4], $0x0  }
0x19: {  	s7 =	sld [smem:$0x3F9F]  }
0x1a: {  	s8 =	sadd.s32 $0xFFFFE003, lr  }
0x1b: {  	s9 =	sadd.s32 $0xFFFFFEF7, lr;
	s5 =	simm.s32 $0xFFFFFFFF;
	p2 =	slt.u32 s8, $0xFFFFF086  }
0x1c: {  	p1 =	slt.u32 s9, $0xF7A;
	s5 =	simm.s32 @!p2 $0x0  }
0x1d: {  	s5 =	simm.s32 @p1 $0x1;
	p0 =	seq.s32 s7, s2  }
0x1e: {  	s7 =	smul.u32 @!p0 $0xF7A, s2;
	p2 =	seq.s32 @!p0 s5, $0x0  }
0x1f: {  	s9 =	smul.u32 $0xF7A, s1;
	s8 =	simm.s32 @!p0 $0x1BF5;
	p2 =	por !p2, p0  }
0x20: {  	[sflag:s8] =	ssyncset.s32 @!p0 $0xFFFFF086;
	s6 =	sadd.s32 @!p0 s3, s7;
	s7 =	simm.s32 @!p0 $0x108  }
0x21: {  	s3 =	sadd.s32 s3, s9;
	s6 =	sadd.s32 @!p0 $0x88, s6;
	s7 =	simm.s32 @p2 $0x1082  }
0x22: {  	[simem:s7], [sflag:s8] =	dma.local @!p0 [hbm:s6], $0xF7A  }
0x23: {  	s9 =	sor.u32 $0xD0000000, s2;
	s6 =	simm.s32 $0x108;
	_ =	swait.ge @!p0 [sflag:s8], $0x0  }
0x24: {  	s3 =	sadd.s32 $0x88, s3;
	s6 =	simm.s32 @!p1 $0x1082;
	[sflag:s4] =	ssyncset.s32 $0xFFFFF086  }
0x25: {  	[simem:s6], [sflag:s4] =	dma.local [hbm:s3], $0xF7A  }
0x26: {  	[smem:$0x3F9F] =	sst s1;
	(tag) =	ssettag s2;
	_ =	strace s9  }
0x27: {  	s1 =	sld [smem:$0x3FAF]  }
0x28: {  	s2 =	sld [smem:$0x3FB0]  }
0x29: {  	s4 =	sld [smem:$0x3FB2]  }
0x2a: {  	p0 =	seq.s32 s5, $0x0;
	s5 =	sld [smem:$0x3FB3]  }
0x2b: {  	s6 =	sld [smem:$0x3FB4]  }
0x2c: {  	s7 =	sld [smem:$0x3FB5]  }
0x2d: {  	s3 =	simm.s32 $0x108;
	s8 =	sld [smem:$0x3FB6]  }
0x2e: {  	s3 =	simm.s32 @!p0 $0x1082;
	s9 =	sld [smem:$0x3FB7]  }
0x2f: {  	lr =	sadd.s32 s0, s3;
	s0 =	sld [smem:$0x3FAE]  }
0x30: {  	s3 =	sld [smem:$0x3FB1]  }
0x31: {  	[smem:$0x3FBA] =	sst s10  }
0x32: {  	s10 =	sld [smem:$0x3FB8];
	_ =	sdelay $0x3  }
0x33: {  	p0 =	seq.s32 s10, $0x1;
	s10 =	sld [smem:$0x3FBA];
	_ =	sdelay $0x3  }
0x34: {  	[smem:$0x3FBA] =	sst s10  }
0x35: {  	s10 =	sld [smem:$0x3FB9];
	_ =	sdelay $0x3  }
0x36: {  	p1 =	seq.s32 s10, $0x1;
	s10 =	sld [smem:$0x3FBA];
	_ =	sdelay $0x3  }
0x37: {  	[smem:$0x3FBA] =	sst s10  }
0x38: {  	s10 =	sld [smem:$0x3FBB]  }
0x39: {  	_ = 	snop;
	(pc) =	sbr.ind lr, $3  }
0x3a: {  	_ = 	snop  }
0x3b: {  	_ = 	snop  }
0x3c: {  	p2 =	seq.s32 s10, $0x1;
	s10 =	sld [smem:$0x3FBA]  }
0x3d: {  	_ =	shalt  }
0x3e: {  	_ =	shalt  }
0x3f: {  	_ =	shalt  }
0x40: {  	_ =	shalt  }
0x41: {  	_ =	shalt  }
0x42: {  	_ =	shalt  }
0x43: {  	_ =	shalt  }
0x44: {  	_ =	shalt  }
0x45: {  	_ =	shalt  }
0x46: {  	_ =	shalt  }
0x47: {  	_ =	shalt  }
0x48: {  	_ =	shalt  }
0x49: {  	_ =	shalt  }
0x4a: {  	_ =	shalt  }
0x4b: {  	_ =	shalt  }
0x4c: {  	_ =	shalt  }
0x4d: {  	_ =	shalt  }
0x4e: {  	_ =	shalt  }
0x4f: {  	_ =	shalt  }
0x50: {  	_ =	shalt  }
0x51: {  	_ =	shalt  }
0x52: {  	_ =	shalt  }
0x53: {  	_ =	shalt  }
0x54: {  	_ =	shalt  }
0x55: {  	_ =	shalt  }
0x56: {  	_ =	shalt  }
0x57: {  	_ =	shalt  }
0x58: {  	_ =	shalt  }
0x59: {  	_ =	shalt  }
0x5a: {  	_ =	shalt  }
0x5b: {  	_ =	shalt  }
0x5c: {  	_ =	shalt  }
0x5d: {  	_ =	shalt  }
0x5e: {  	_ =	shalt  }
0x5f: {  	_ =	shalt  }
0x60: {  	_ =	shalt  }
0x61: {  	_ =	shalt  }
0x62: {  	_ =	shalt  }
0x63: {  	_ =	shalt  }
0x64: {  	_ =	shalt  }
0x65: {  	_ =	shalt  }
0x66: {  	_ =	shalt  }
0x67: {  	_ =	shalt  }
0x68: {  	_ =	shalt  }
0x69: {  	_ =	shalt  }
0x6a: {  	_ =	shalt  }
0x6b: {  	_ =	shalt  }
0x6c: {  	_ =	shalt  }
0x6d: {  	_ =	shalt  }
0x6e: {  	_ =	shalt  }
0x6f: {  	_ =	shalt  }
0x70: {  	_ =	shalt  }
0x71: {  	_ =	shalt  }
0x72: {  	_ =	shalt  }
0x73: {  	_ =	shalt  }
0x74: {  	_ =	shalt  }
0x75: {  	_ =	shalt  }
0x76: {  	_ =	shalt  }
0x77: {  	_ =	shalt  }
0x78: {  	_ =	shalt  }
0x79: {  	_ =	shalt  }
0x7a: {  	_ =	shalt  }
0x7b: {  	_ =	shalt  }
0x7c: {  	_ =	shalt  }
0x7d: {  	_ =	shalt  }
0x7e: {  	_ =	shalt  }
0x7f: {  	_ =	shalt  }
0x80: {  	_ =	shalt  }
0x81: {  	_ =	shalt  }
0x82: {  	_ =	shalt  }
0x83: {  	_ =	shalt  }
0x84: {  	_ =	shalt  }
0x85: {  	_ =	shalt  }
0x86: {  	_ =	shalt  }
0x87: {  	_ =	shalt  }
.Lfunc_end0:
.L_simem_size_0:
called_computation.1_lowered:
.L_overlay_start_0:
0x88: {  	s2 =	sld [smem:$0x3FD9]  }
0x89: {  	s3 =	sld [smem:$0x3FFE];
	_ =	sdelay $0x1  }
0x8a: {  	s1 =	srdreg.scid  }
0x8b: {  	s0 =	sand.u32 $0x1, s1  }
0x8c: {  	s17 =	sshll.u32 s0, $0xA;
	s2 =	sadd.s32 s3, s2  }
0x8d: {  	s2 =	sadd.s32 s2, s17  }
0x8e: {  	[smem:$0x3FC6] =	sst s2  }
0x8f: {  	_ = 	snop  }
0x90: {  	s2 =	sld [smem:$0x3FD0];
	(tm) =	ssettm $0x1  }
0x91: {  	s18 =	sld [smem:$0x3FFB];
	_ =	sdelay $0x3  }
0x92: {  	_ =	strace s18  }
0x93: {  	s3 =	sld [smem:$0x3FFC];
	_ =	sdelay $0x3  }
0x94: {  	_ =	strace s3  }
0x95: {  	s3 =	sld [smem:$0x3FFD];
	_ =	sdelay $0x3  }
0x96: {  	_ =	strace s3  }
0x97: {  	_ =	strace $0x8FFFFFFF  }
0x98: {  	s19 =	sld [smem:$0x3FDB];
	_ =	sdelay $0x1  }
0x99: {  	s4 =	simm.s32 $_scs_section_size  }
0x9a: {  	s5 =	simm.s32 $_size__tile_overlayer_lowered;
	s6 =	simm.s32 $_tile_overlayer_lowered  }
0x9b: {  	s22 =	simm.s32 $0x1BFF;
	s21 =	sshll.u32 s6, $0x1;
	s3 =	sadd.s32 s4, s19  }
0x9c: {  	s7 =	simm.s32 $0x0;
	s20 =	sshll.u32 s5, $0x1;
	s5 =	sadd.s32 s21, s3  }
0x9d: {  	[timem:s7], [sflag:s22] =	dma.local [hbm:s5], s20  }
0x9e: {  	_ =	swait.ge [sflag:s22], s20  }
0x9f: {  	s4 =	ssub.s32 $0x0, s20;
	[sflag:s22] =	ssyncset.done $0x0  }
0xa0: {  	[sflag:s22] =	ssyncadd.s32 s4;
	_ =	sdelay $0x1  }
0xa1: {  	s23 =	simm.s32 $0x1B8B  }
0xa2: {  	_ =	swait.ge [sflag:s23], $0x1  }
0xa3: {  	[sflag:s23] =	ssyncset.done $0x0  }
0xa4: {  	s25 =	simm.s32 $0x1B8E;
	s24 =	sld [smem:$0x3FFE];
	[sflag:s23] =	ssyncadd.s32 $0xFFFFFFFF  }
0xa5: {  	s26 =	simm.s32 $execute0_lowered;
	[smem:$0x3FD2] =	sst s25  }
0xa6: {  	s5 =	sshll.u32 s26, $0x1;
	_ =	strace $0x80000046;
	[dreg:$0x1] =	wrdreg $0xFFFFFFFF  }
0xa7: {  	s28 =	simm.s32 $_size_execute0_lowered;
	s3 =	sadd.s32 s3, s5;
	[dreg:$0x0] =	wrdreg $0x0  }
0xa8: {  	s5 =	sshll.u32 s28, $0x1;
	[dreg:$0x2] =	wrdreg s3  }
0xa9: {  	[dreg:$0x3] =	wrdreg s5  }
0xaa: {  	[dreg:$0x4] =	wrdreg $0xC0  }
0xab: {  	_ =	task [dreg:s7], $0x5FFFF  }
0xac: {  	[dreg:$0x1] =	wrdreg $0xFFFFFFFF  }
0xad: {  	[dreg:$0x0] =	wrdreg $0x60  }
0xae: {  	[dreg:$0x2] =	wrdreg s24  }
0xaf: {  	[dreg:$0x3] =	wrdreg s2  }
0xb0: {  	[dreg:$0x4] =	wrdreg $0x9  }
0xb1: {  	_ =	task.clear_ibuf [dreg:s7], $0x5FFFF;
	_ =	strace $0x90000046  }
0xb2: {  	s29 =	simm.s32 $0x9;
	_ =	strace $0x80000048  }
0xb3: {  	_ =	swait.ge [sflag:s29], $0x1  }
0xb4: {  	[sflag:s29] =	ssyncadd.s32 $0xFFFFFFFF  }
0xb5: {  	_ =	strace $0x90000048  }
0xb6: {  	_ =	sfence  }
0xb7: {  	s30 =	sld [smem:$0x0];
	_ =	sdelay $0x2  }
0xb8: {  	s31 =	sshll.u32 s1, $0xD;
	s1 =	sshrl.u32 s1, $0x2  }
0xb9: {  	s3 =	sand.u32 $0x4000, s31;
	s1 =	sadd.s32 s1, s30  }
0xba: {  	s0 =	sor.u32 s3, s0;
	s1 =	sshll.u32 s1, $0x11  }
0xbb: {  	s0 =	sor.u32 s1, s0  }
0xbc: {  	s0 =	sadd.s32 $0x8F2B, s0  }
0xbd: {  	[sflag:s0] =	ssyncadd.remote.s32 $0x1  }
0xbe: {  	_ =	sfence.sel $0xFFFF  }
0xbf: {  	[dreg:$0x0] =	wrdreg $0xFFFFFFFF;
	(pc) =	sbr.abs _section_cstart, $3  }
0xc0: {  	[dreg:$0x1] =	wrdreg $0xFFFFFFFF  }
0xc1: {  	_ =	task.clear_ibuf [dreg:s7], $0x2FFFF;
	_ =	strace $0x9FFFFFFF  }
0xc2: {  	(tm) =	ssettm $0x7FFFFFFF  }
0xc3: {  	_ =	shalt  }
tec
execute0_lowered:
.L_overlay_start_1:
0x0: {  	(tag) =	ssettag $0x1  }
0x1: {  	s0 =	srdreg.scid;
	s1 =	stileid.u32  }
0x2: {  	s4 =	rddreg [dreg:$0x1];
	s0 =	sand.u32 $0x1, s0;
	s2 =	sshll.u32 s1, $0x1  }
0x3: {  	s1 =	rddreg [dreg:$0x0];
	s3 =	sor.u32 s0, s2;
	s2 =	simm.s32 $0x0  }
0x4: {  	s7 =	simm.s32 $0x300;
	[smem:$0x7FF] =	sst s2  }
0x5: {  	s8 =	simm.s32 $0x400;
	_ =	strace $0x80000047;
	[dreg:$0x12] =	wrdreg s7  }
0x6: {  	s9 =	simm.s32 $0x500;
	[dreg:$0x13] =	wrdreg s8  }
0x7: {  	s10 =	simm.s32 $0x600;
	[dreg:$0x14] =	wrdreg s9  }
0x8: {  	s11 =	simm.s32 $0x700;
	[dreg:$0x15] =	wrdreg s10  }
0x9: {  	s12 =	simm.s32 $0x800;
	[dreg:$0x16] =	wrdreg s11  }
0xa: {  	s13 =	simm.s32 $0x900;
	[dreg:$0x17] =	wrdreg s12  }
0xb: {  	s14 =	simm.s32 $0xA00;
	[dreg:$0x18] =	wrdreg s13  }
0xc: {  	s15 =	simm.s32 $0xB00;
	[dreg:$0x19] =	wrdreg s14  }
0xd: {  	s16 =	simm.s32 $0xC00;
	[dreg:$0x1a] =	wrdreg s15  }
0xe: {  	s17 =	simm.s32 $0xD00;
	[dreg:$0x1b] =	wrdreg s16  }
0xf: {  	[dreg:$0x1c] =	wrdreg s17;
	s7 =	simm.s32 $0x1C00  }
0x10: {  	s8 =	simm.s32 $0x1D00;
	[smem:$0x7E6] =	sst s7  }
0x11: {  	s10 =	simm.s32 $0x1E00;
	[smem:$0x7E7] =	sst s8  }
0x12: {  	s11 =	simm.s32 $0x1F00;
	[smem:$0x7E8] =	sst s10  }
0x13: {  	s12 =	simm.s32 $0x2000;
	[smem:$0x7E9] =	sst s11  }
0x14: {  	s13 =	simm.s32 $0x2100;
	[smem:$0x7EA] =	sst s12  }
0x15: {  	s5 =	smul.u32 $0x680, s3;
	s14 =	simm.s32 $0x2200;
	[smem:$0x7EB] =	sst s13  }
0x16: {  	s6 =	smul.u32 $0x68000, s3;
	s15 =	simm.s32 $0x2300;
	[smem:$0x7EC] =	sst s14  }
0x17: {  	s3 =	smul.u32 $0xD000, s3;
	s16 =	simm.s32 $0x2400;
	[smem:$0x7ED] =	sst s15  }
0x18: {  	s17 =	simm.s32 $0x2500;
	[smem:$0x7EE] =	sst s16  }
0x19: {  	s3 =	sadd.s32 s4, s3;
	[smem:$0x7EF] =	sst s17  }
0x1a: {  	s7 =	simm.s32 $0x2A00;
	[dreg:$0x4] =	wrdreg s3  }
0x1b: {  	s8 =	simm.s32 $0x2B00;
	[smem:$0x7F4] =	sst s7  }
0x1c: {  	s5 =	sadd.s32 s5, s1;
	s16 =	simm.s32 $0x3200;
	[smem:$0x7F5] =	sst s8  }
0x1d: {  	s6 =	sshrl.u32 s6, $0x3;
	s5 =	sadd.s32 $0xA00, s5;
	[smem:$0x7FC] =	sst s16  }
0x1e: {  	s4 =	sadd.s32 s4, s6;
	s6 =	simm.s32 $0x200;
	[dreg:$0x3] =	wrdreg s5  }
0x1f: {  	s18 =	sadd.s32 $0x1000, s4;
	[dreg:$0x11] =	wrdreg s6  }
0x20: {  	s19 =	sadd.s32 $0x2000, s4;
	[dreg:$0x5] =	wrdreg s18  }
0x21: {  	s20 =	sadd.s32 $0x3000, s4;
	[dreg:$0x6] =	wrdreg s19  }
0x22: {  	s21 =	sadd.s32 $0x4000, s4;
	[dreg:$0x7] =	wrdreg s20  }
0x23: {  	s22 =	sadd.s32 $0x5000, s4;
	[dreg:$0x8] =	wrdreg s21  }
0x24: {  	s23 =	sadd.s32 $0x6000, s4;
	[dreg:$0x9] =	wrdreg s22  }
0x25: {  	s24 =	sadd.s32 $0x7000, s4;
	[dreg:$0xa] =	wrdreg s23  }
0x26: {  	s25 =	sadd.s32 $0x8000, s4;
	[dreg:$0xb] =	wrdreg s24  }
0x27: {  	s26 =	sadd.s32 $0x9000, s4;
	[dreg:$0xc] =	wrdreg s25  }
0x28: {  	s29 =	sadd.s32 $0xA000, s4;
	[dreg:$0xd] =	wrdreg s26  }
0x29: {  	s30 =	sadd.s32 $0xB000, s4;
	[dreg:$0xe] =	wrdreg s29  }
0x2a: {  	s5 =	sadd.s32 $0xC000, s4;
	[dreg:$0xf] =	wrdreg s30  }
0x2b: {  	s4 =	simm.s32 $0x1900;
	[dreg:$0x10] =	wrdreg s5  }
0x2c: {  	s6 =	simm.s32 $0x1B00;
	[smem:$0x7E3] =	sst s4  }
0x2d: {  	s18 =	simm.s32 $0xE00;
	[smem:$0x7E5] =	sst s6  }
0x2e: {  	s31 =	simm.s32 $0x13400;
	s19 =	simm.s32 $0xF00;
	[dreg:$0x1d] =	wrdreg s18  }
0x2f: {  	p0 =	por $0x0, $0x0;
	s20 =	simm.s32 $0x1000;
	[dreg:$0x1e] =	wrdreg s19  }
0x30: {  	s0 =	ssub.s32 $0x2, s0;
	s21 =	simm.s32 $0x1100;
	[dreg:$0x1f] =	wrdreg s20  }
0x31: {  	s9 =	sshrl.u32 s0, $0x1;
	s22 =	simm.s32 $0x1200;
	[smem:$0x7DB] =	sst s21  }
0x32: {  	s0 =	ssub.s32 s0, s9;
	s23 =	simm.s32 $0x1300;
	[smem:$0x7DC] =	sst s22  }
0x33: {  	s11 =	simm.s32 $0x5400;
	s24 =	simm.s32 $0x1400;
	[smem:$0x7DD] =	sst s23  }
0x34: {  	s9 =	simm.s32 $0xB400;
	s25 =	simm.s32 $0x1500;
	[smem:$0x7DE] =	sst s24  }
0x35: {  	s10 =	simm.s32 $0x2;
	s26 =	simm.s32 $0x1600;
	[smem:$0x7DF] =	sst s25  }
0x36: {  	s13 =	simm.s32 $0x3;
	s29 =	simm.s32 $0x1700;
	[smem:$0x7E0] =	sst s26  }
0x37: {  	s15 =	simm.s32 $0x4;
	s30 =	simm.s32 $0x1800;
	[smem:$0x7E1] =	sst s29  }
0x38: {  	s17 =	simm.s32 $0xF;
	s5 =	simm.s32 $0x1A00;
	[smem:$0x7E2] =	sst s30  }
0x39: {  	s0 =	smax.u32 s0, $0x1;
	[smem:$0x7E4] =	sst s5;
	s18 =	simm.s32 $0x2600  }
0x3a: {  	s3 =	simm.s32 $0x3400;
	s19 =	simm.s32 $0x2700;
	[smem:$0x7F0] =	sst s18  }
0x3b: {  	s8 =	simm.s32 $0xD;
	s20 =	simm.s32 $0x2800;
	[smem:$0x7F1] =	sst s19  }
0x3c: {  	s16 =	simm.s32 $0xE;
	s21 =	simm.s32 $0x2900;
	[smem:$0x7F2] =	sst s20  }
0x3d: {  	p1 =	sne.s32 s0, $0x1;
	s22 =	simm.s32 $0x2C00;
	[smem:$0x7F3] =	sst s21  }
0x3e: {  	s28 =	sadd.s32 $0xFFFFFFFF, s0;
	s23 =	simm.s32 $0x2D00;
	[smem:$0x7F6] =	sst s22  }
0x3f: {  	s4 =	sadd.s32 $0xF42E00, s1;
	s24 =	simm.s32 $0x2E00;
	[smem:$0x7F7] =	sst s23  }
0x40: {  	s6 =	simm.s32 $0x1;
	s25 =	simm.s32 $0x2F00;
	[smem:$0x7F8] =	sst s24  }
0x41: {  	s5 =	simm.s32 $0x100;
	s26 =	simm.s32 $0x3000;
	[smem:$0x7F9] =	sst s25  }
.Ltmp0:
0x42: {  	s29 =	simm.s32 $0x3100;
	[smem:$0x7FA] =	sst s26;
	(pc) =	sbr.rel @!p1 .LBB2_4-.Ltmp0, $4  }
0x43: {  	s30 =	simm.s32 $0x3300;
	[smem:$0x7FB] =	sst s29;
	s25 =	simm.s32 $0x5  }
0x44: {  	[smem:$0x7FD] =	sst s30;
	s24 =	simm.s32 $0x6;
	s23 =	simm.s32 $0x7  }
0x45: {  	s22 =	simm.s32 $0x8;
	s21 =	simm.s32 $0x9;
	s20 =	simm.s32 $0xA  }
0x46: {  	s19 =	simm.s32 $0xB;
	s18 =	simm.s32 $0xC;
	s26 =	rddreg [dreg:$0x3]  }
0x47: {  	[tilespmem:s2], [sflag:$0x10] =	stream.linear.gather [hbm4b:s26+s2], $0x3400, $0x38;
	[tilespmem:$0x1B400] =	vst v63  }
0x48: {  	[smem:$0x7DA] =	sst s28;
	s0 =	simm.s32 $0x10  }
0x49: {  	_ =	swait.ge [sflag:s0], $0x3400  }
0x4a: {  	[sflag:s0] =	ssyncset.done $0x0  }
0x4b: {  	[sflag:s0] =	ssyncadd.s32 $0xFFFFCC00  }
0x4c: {  	[tilespmem:s3], [sflag:$0x1] =	stream.indirect.gather [hbm4b:s4+s5], $0x20, s2, s5, $0xb8;
	[tilespmem:$0x1B400] =	vst v63  }
0x4d: {  	_ = 	snop  }
0x4e: {  	[tilespmem:s11], [sflag:$0x2] =	stream.indirect.gather [hbm4b:s4+s5], $0x20, s5, s5, $0xb8;
	[tilespmem:$0x1B400] =	vst v63  }
0x4f: {  	s12 =	simm.s32 $0x7400;
	s0 =	rddreg [dreg:$0x11]  }
0x50: {  	[tilespmem:s12], [sflag:$0x3] =	stream.indirect.gather [hbm4b:s4+s5], $0x20, s0, s5, $0xb8;
	[tilespmem:$0x1B400] =	vst v63  }
0x51: {  	s7 =	simm.s32 $0x9400;
	s1 =	rddreg [dreg:$0x12]  }
0x52: {  	[tilespmem:s7], [sflag:$0x4] =	stream.indirect.gather [hbm4b:s4+s5], $0x20, s1, s5, $0xb8;
	[tilespmem:$0x1B400] =	vst v63  }
0x53: {  	s11 =	rddreg [dreg:$0x13]  }
0x54: {  	[tilespmem:s9], [sflag:$0x5] =	stream.indirect.gather [hbm4b:s4+s5], $0x20, s11, s5, $0xb8;
	[tilespmem:$0x1B400] =	vst v63  }
0x55: {  	s14 =	rddreg [dreg:$0x14];
	s1 =	simm.s32 $0xD400  }
0x56: {  	[tilespmem:s1], [sflag:$0x6] =	stream.indirect.gather [hbm4b:s4+s5], $0x20, s14, s5, $0xb8;
	[tilespmem:$0x1B400] =	vst v63  }
0x57: {  	s29 =	rddreg [dreg:$0x15];
	s11 =	simm.s32 $0xF400  }
0x58: {  	[tilespmem:s11], [sflag:$0x7] =	stream.indirect.gather [hbm4b:s4+s5], $0x20, s29, s5, $0xb8;
	[tilespmem:$0x1B400] =	vst v63  }
0x59: {  	s30 =	rddreg [dreg:$0x16];
	s29 =	simm.s32 $0x11400  }
0x5a: {  	[tilespmem:s29], [sflag:$0x8] =	stream.indirect.gather [hbm4b:s4+s5], $0x20, s30, s5, $0xb8;
	[tilespmem:$0x1B400] =	vst v63  }
0x5b: {  	s14 =	rddreg [dreg:$0x17]  }
0x5c: {  	[tilespmem:s31], [sflag:$0x9] =	stream.indirect.gather [hbm4b:s4+s5], $0x20, s14, s5, $0xb8;
	[tilespmem:$0x1B400] =	vst v63  }
0x5d: {  	_ =	swait.ge [sflag:s6], $0x2000  }
0x5e: {  	[sflag:s6] =	ssyncset.done $0x0  }
0x5f: {  	s26 =	simm.s32 $0x15400;
	s30 =	rddreg [dreg:$0x18];
	[sflag:s6] =	ssyncadd.s32 $0xFFFFE000  }
0x60: {  	[tilespmem:s26], [sflag:$0xA] =	stream.indirect.gather [hbm4b:s4+s5], $0x20, s30, s5, $0xb8;
	[tilespmem:$0x1B400] =	vst v63  }
0x61: {  	_ =	swait.ge [sflag:s10], $0x2000  }
0x62: {  	[sflag:s10] =	ssyncset.done $0x0  }
0x63: {  	s30 =	simm.s32 $0x17400;
	s14 =	rddreg [dreg:$0x19];
	[sflag:s10] =	ssyncadd.s32 $0xFFFFE000  }
0x64: {  	[tilespmem:s30], [sflag:$0xB] =	stream.indirect.gather [hbm4b:s4+s5], $0x20, s14, s5, $0xb8;
	[tilespmem:$0x1B400] =	vst v63  }
0x65: {  	_ =	swait.ge [sflag:s13], $0x2000  }
0x66: {  	[sflag:s13] =	ssyncset.done $0x0  }
0x67: {  	s14 =	simm.s32 $0x19400;
	s0 =	rddreg [dreg:$0x1a];
	[sflag:s13] =	ssyncadd.s32 $0xFFFFE000  }
0x68: {  	[tilespmem:s14], [sflag:$0xC] =	stream.indirect.gather [hbm4b:s4+s5], $0x20, s0, s5, $0xb8;
	[tilespmem:$0x1B400] =	vst v63  }
0x69: {  	_ =	swait.ge [sflag:s15], $0x2000  }
0x6a: {  	[sflag:s15] =	ssyncset.done $0x0  }
0x6b: {  	s0 =	rddreg [dreg:$0x4];
	[sflag:s15] =	ssyncadd.s32 $0xFFFFE000  }
0x6c: {  	[hbm4b:s0+s2] =	stream.linear.scatter [tilespmem:s3], [sflag:$0xD], $0x8000, $0x38;
	[tilespmem:$0x1B400] =	vst v63  }
0x6d: {  	_ =	swait.ge [sflag:s8], $0x8000  }
0x6e: {  	[sflag:s8] =	ssyncset.done $0x0  }
0x6f: {  	s0 =	rddreg [dreg:$0x1b];
	[sflag:s8] =	ssyncadd.s32 $0xFFFF8000  }
0x70: {  	[tilespmem:s3], [sflag:$0x1] =	stream.indirect.gather [hbm4b:s4+s5], $0x20, s0, s5, $0xb8;
	[tilespmem:$0x1B400] =	vst v63  }
0x71: {  	_ =	swait.ge [sflag:s25], $0x2000  }
0x72: {  	[sflag:s25] =	ssyncset.done $0x0  }
0x73: {  	s28 =	simm.s32 $0x5400;
	s0 =	rddreg [dreg:$0x1c];
	[sflag:s25] =	ssyncadd.s32 $0xFFFFE000  }
0x74: {  	[tilespmem:s28], [sflag:$0x2] =	stream.indirect.gather [hbm4b:s4+s5], $0x20, s0, s5, $0xb8;
	[tilespmem:$0x1B400] =	vst v63  }
0x75: {  	_ =	swait.ge [sflag:s24], $0x2000  }
0x76: {  	[sflag:s24] =	ssyncset.done $0x0  }
0x77: {  	s0 =	rddreg [dreg:$0x1d];
	[sflag:s24] =	ssyncadd.s32 $0xFFFFE000  }
0x78: {  	[tilespmem:s12], [sflag:$0x3] =	stream.indirect.gather [hbm4b:s4+s5], $0x20, s0, s5, $0xb8;
	[tilespmem:$0x1B400] =	vst v63  }
0x79: {  	_ =	swait.ge [sflag:s23], $0x2000  }
0x7a: {  	[sflag:s23] =	ssyncset.done $0x0  }
0x7b: {  	s0 =	rddreg [dreg:$0x1e];
	[sflag:s23] =	ssyncadd.s32 $0xFFFFE000  }
0x7c: {  	[tilespmem:s7], [sflag:$0x4] =	stream.indirect.gather [hbm4b:s4+s5], $0x20, s0, s5, $0xb8;
	[tilespmem:$0x1B400] =	vst v63  }
0x7d: {  	_ =	swait.ge [sflag:s22], $0x2000  }
0x7e: {  	[sflag:s22] =	ssyncset.done $0x0  }
0x7f: {  	s0 =	rddreg [dreg:$0x5];
	[sflag:s22] =	ssyncadd.s32 $0xFFFFE000  }
0x80: {  	[hbm4b:s0+s2] =	stream.linear.scatter [tilespmem:s9], [sflag:$0xE], $0x8000, $0x38;
	[tilespmem:$0x1B400] =	vst v63  }
0x81: {  	_ =	swait.ge [sflag:s16], $0x8000  }
0x82: {  	[sflag:s16] =	ssyncset.done $0x0  }
0x83: {  	s0 =	rddreg [dreg:$0x1f];
	[sflag:s16] =	ssyncadd.s32 $0xFFFF8000  }
0x84: {  	[tilespmem:s9], [sflag:$0x5] =	stream.indirect.gather [hbm4b:s4+s5], $0x20, s0, s5, $0xb8;
	[tilespmem:$0x1B400] =	vst v63  }
0x85: {  	_ =	swait.ge [sflag:s21], $0x2000  }
0x86: {  	s0 =	sld [smem:$0x7DB]  }
0x87: {  	[sflag:s21] =	ssyncset.done $0x0  }
0x88: {  	[sflag:s21] =	ssyncadd.s32 $0xFFFFE000  }
0x89: {  	[tilespmem:s1], [sflag:$0x6] =	stream.indirect.gather [hbm4b:s4+s5], $0x20, s0, s5, $0xb8;
	[tilespmem:$0x1B400] =	vst v63  }
0x8a: {  	_ =	swait.ge [sflag:s20], $0x2000  }
0x8b: {  	s0 =	sld [smem:$0x7DC]  }
0x8c: {  	[sflag:s20] =	ssyncset.done $0x0  }
0x8d: {  	[sflag:s20] =	ssyncadd.s32 $0xFFFFE000  }
0x8e: {  	[tilespmem:s11], [sflag:$0x7] =	stream.indirect.gather [hbm4b:s4+s5], $0x20, s0, s5, $0xb8;
	[tilespmem:$0x1B400] =	vst v63  }
0x8f: {  	_ =	swait.ge [sflag:s19], $0x2000  }
0x90: {  	s0 =	sld [smem:$0x7DD]  }
0x91: {  	[sflag:s19] =	ssyncset.done $0x0  }
0x92: {  	[sflag:s19] =	ssyncadd.s32 $0xFFFFE000  }
0x93: {  	[tilespmem:s29], [sflag:$0x8] =	stream.indirect.gather [hbm4b:s4+s5], $0x20, s0, s5, $0xb8;
	[tilespmem:$0x1B400] =	vst v63  }
0x94: {  	_ =	swait.ge [sflag:s18], $0x2000  }
0x95: {  	[sflag:s18] =	ssyncset.done $0x0  }
0x96: {  	s0 =	rddreg [dreg:$0x6];
	[sflag:s18] =	ssyncadd.s32 $0xFFFFE000  }
0x97: {  	[hbm4b:s0+s2] =	stream.linear.scatter [tilespmem:s31], [sflag:$0xF], $0x8000, $0x38;
	[tilespmem:$0x1B400] =	vst v63  }
0x98: {  	_ =	swait.ge [sflag:s17], $0x8000  }
0x99: {  	s0 =	sld [smem:$0x7DE]  }
0x9a: {  	[sflag:s17] =	ssyncset.done $0x0  }
0x9b: {  	[sflag:s17] =	ssyncadd.s32 $0xFFFF8000  }
0x9c: {  	[tilespmem:s31], [sflag:$0x9] =	stream.indirect.gather [hbm4b:s4+s5], $0x20, s0, s5, $0xb8;
	[tilespmem:$0x1B400] =	vst v63  }
0x9d: {  	_ =	swait.ge [sflag:s6], $0x2000  }
0x9e: {  	s0 =	sld [smem:$0x7DF]  }
0x9f: {  	[sflag:s6] =	ssyncset.done $0x0  }
0xa0: {  	[sflag:s6] =	ssyncadd.s32 $0xFFFFE000  }
0xa1: {  	[tilespmem:s26], [sflag:$0xA] =	stream.indirect.gather [hbm4b:s4+s5], $0x20, s0, s5, $0xb8;
	[tilespmem:$0x1B400] =	vst v63  }
0xa2: {  	_ =	swait.ge [sflag:s10], $0x2000  }
0xa3: {  	s0 =	sld [smem:$0x7E0]  }
0xa4: {  	[sflag:s10] =	ssyncset.done $0x0  }
0xa5: {  	[sflag:s10] =	ssyncadd.s32 $0xFFFFE000  }
0xa6: {  	[tilespmem:s30], [sflag:$0xB] =	stream.indirect.gather [hbm4b:s4+s5], $0x20, s0, s5, $0xb8;
	[tilespmem:$0x1B400] =	vst v63  }
0xa7: {  	_ =	swait.ge [sflag:s13], $0x2000  }
0xa8: {  	s0 =	sld [smem:$0x7E1]  }
0xa9: {  	[sflag:s13] =	ssyncset.done $0x0  }
0xaa: {  	[sflag:s13] =	ssyncadd.s32 $0xFFFFE000  }
0xab: {  	[tilespmem:s14], [sflag:$0xC] =	stream.indirect.gather [hbm4b:s4+s5], $0x20, s0, s5, $0xb8;
	[tilespmem:$0x1B400] =	vst v63  }
0xac: {  	_ =	swait.ge [sflag:s15], $0x2000  }
0xad: {  	[sflag:s15] =	ssyncset.done $0x0  }
0xae: {  	s0 =	rddreg [dreg:$0x7];
	[sflag:s15] =	ssyncadd.s32 $0xFFFFE000  }
0xaf: {  	[hbm4b:s0+s2] =	stream.linear.scatter [tilespmem:s3], [sflag:$0xD], $0x8000, $0x38;
	[tilespmem:$0x1B400] =	vst v63  }
0xb0: {  	_ =	swait.ge [sflag:s8], $0x8000  }
0xb1: {  	s0 =	sld [smem:$0x7E2]  }
0xb2: {  	[sflag:s8] =	ssyncset.done $0x0  }
0xb3: {  	[sflag:s8] =	ssyncadd.s32 $0xFFFF8000  }
0xb4: {  	[tilespmem:s3], [sflag:$0x1] =	stream.indirect.gather [hbm4b:s4+s5], $0x20, s0, s5, $0xb8;
	[tilespmem:$0x1B400] =	vst v63  }
0xb5: {  	_ =	swait.ge [sflag:s25], $0x2000  }
0xb6: {  	s0 =	sld [smem:$0x7E3]  }
0xb7: {  	[sflag:s25] =	ssyncset.done $0x0  }
0xb8: {  	[sflag:s25] =	ssyncadd.s32 $0xFFFFE000  }
0xb9: {  	[tilespmem:s28], [sflag:$0x2] =	stream.indirect.gather [hbm4b:s4+s5], $0x20, s0, s5, $0xb8;
	[tilespmem:$0x1B400] =	vst v63  }
0xba: {  	_ =	swait.ge [sflag:s24], $0x2000  }
0xbb: {  	s0 =	sld [smem:$0x7E4]  }
0xbc: {  	[sflag:s24] =	ssyncset.done $0x0  }
0xbd: {  	[sflag:s24] =	ssyncadd.s32 $0xFFFFE000  }
0xbe: {  	[tilespmem:s12], [sflag:$0x3] =	stream.indirect.gather [hbm4b:s4+s5], $0x20, s0, s5, $0xb8;
	[tilespmem:$0x1B400] =	vst v63  }
0xbf: {  	_ =	swait.ge [sflag:s23], $0x2000  }
0xc0: {  	s0 =	sld [smem:$0x7E5]  }
0xc1: {  	[sflag:s23] =	ssyncset.done $0x0  }
0xc2: {  	[sflag:s23] =	ssyncadd.s32 $0xFFFFE000  }
0xc3: {  	[tilespmem:s7], [sflag:$0x4] =	stream.indirect.gather [hbm4b:s4+s5], $0x20, s0, s5, $0xb8;
	[tilespmem:$0x1B400] =	vst v63  }
0xc4: {  	_ =	swait.ge [sflag:s22], $0x2000  }
0xc5: {  	[sflag:s22] =	ssyncset.done $0x0  }
0xc6: {  	s0 =	rddreg [dreg:$0x8];
	[sflag:s22] =	ssyncadd.s32 $0xFFFFE000  }
0xc7: {  	[hbm4b:s0+s2] =	stream.linear.scatter [tilespmem:s9], [sflag:$0xE], $0x8000, $0x38;
	[tilespmem:$0x1B400] =	vst v63  }
0xc8: {  	_ =	swait.ge [sflag:s16], $0x8000  }
0xc9: {  	s0 =	sld [smem:$0x7E6]  }
0xca: {  	[sflag:s16] =	ssyncset.done $0x0  }
0xcb: {  	[sflag:s16] =	ssyncadd.s32 $0xFFFF8000  }
0xcc: {  	[tilespmem:s9], [sflag:$0x5] =	stream.indirect.gather [hbm4b:s4+s5], $0x20, s0, s5, $0xb8;
	[tilespmem:$0x1B400] =	vst v63  }
0xcd: {  	_ =	swait.ge [sflag:s21], $0x2000  }
0xce: {  	s0 =	sld [smem:$0x7E7]  }
0xcf: {  	[sflag:s21] =	ssyncset.done $0x0  }
0xd0: {  	[sflag:s21] =	ssyncadd.s32 $0xFFFFE000  }
0xd1: {  	[tilespmem:s1], [sflag:$0x6] =	stream.indirect.gather [hbm4b:s4+s5], $0x20, s0, s5, $0xb8;
	[tilespmem:$0x1B400] =	vst v63  }
0xd2: {  	_ =	swait.ge [sflag:s20], $0x2000  }
0xd3: {  	s0 =	sld [smem:$0x7E8]  }
0xd4: {  	[sflag:s20] =	ssyncset.done $0x0  }
0xd5: {  	[sflag:s20] =	ssyncadd.s32 $0xFFFFE000  }
0xd6: {  	[tilespmem:s11], [sflag:$0x7] =	stream.indirect.gather [hbm4b:s4+s5], $0x20, s0, s5, $0xb8;
	[tilespmem:$0x1B400] =	vst v63  }
0xd7: {  	_ =	swait.ge [sflag:s19], $0x2000  }
0xd8: {  	s0 =	sld [smem:$0x7E9]  }
0xd9: {  	[sflag:s19] =	ssyncset.done $0x0  }
0xda: {  	[sflag:s19] =	ssyncadd.s32 $0xFFFFE000  }
0xdb: {  	[tilespmem:s29], [sflag:$0x8] =	stream.indirect.gather [hbm4b:s4+s5], $0x20, s0, s5, $0xb8;
	[tilespmem:$0x1B400] =	vst v63  }
0xdc: {  	_ =	swait.ge [sflag:s18], $0x2000  }
0xdd: {  	[sflag:s18] =	ssyncset.done $0x0  }
0xde: {  	s0 =	rddreg [dreg:$0x9];
	[sflag:s18] =	ssyncadd.s32 $0xFFFFE000  }
0xdf: {  	[hbm4b:s0+s2] =	stream.linear.scatter [tilespmem:s31], [sflag:$0xF], $0x8000, $0x38;
	[tilespmem:$0x1B400] =	vst v63  }
0xe0: {  	_ =	swait.ge [sflag:s17], $0x8000  }
0xe1: {  	s0 =	sld [smem:$0x7EA]  }
0xe2: {  	[sflag:s17] =	ssyncset.done $0x0  }
0xe3: {  	[sflag:s17] =	ssyncadd.s32 $0xFFFF8000  }
0xe4: {  	[tilespmem:s31], [sflag:$0x9] =	stream.indirect.gather [hbm4b:s4+s5], $0x20, s0, s5, $0xb8;
	[tilespmem:$0x1B400] =	vst v63  }
0xe5: {  	_ =	swait.ge [sflag:s6], $0x2000  }
0xe6: {  	s0 =	sld [smem:$0x7EB]  }
0xe7: {  	[sflag:s6] =	ssyncset.done $0x0  }
0xe8: {  	[sflag:s6] =	ssyncadd.s32 $0xFFFFE000  }
0xe9: {  	[tilespmem:s26], [sflag:$0xA] =	stream.indirect.gather [hbm4b:s4+s5], $0x20, s0, s5, $0xb8;
	[tilespmem:$0x1B400] =	vst v63  }
0xea: {  	_ =	swait.ge [sflag:s10], $0x2000  }
0xeb: {  	s0 =	sld [smem:$0x7EC]  }
0xec: {  	[sflag:s10] =	ssyncset.done $0x0  }
0xed: {  	[sflag:s10] =	ssyncadd.s32 $0xFFFFE000  }
0xee: {  	[tilespmem:s30], [sflag:$0xB] =	stream.indirect.gather [hbm4b:s4+s5], $0x20, s0, s5, $0xb8;
	[tilespmem:$0x1B400] =	vst v63  }
0xef: {  	_ =	swait.ge [sflag:s13], $0x2000  }
0xf0: {  	s0 =	sld [smem:$0x7ED]  }
0xf1: {  	[sflag:s13] =	ssyncset.done $0x0  }
0xf2: {  	[sflag:s13] =	ssyncadd.s32 $0xFFFFE000  }
0xf3: {  	[tilespmem:s14], [sflag:$0xC] =	stream.indirect.gather [hbm4b:s4+s5], $0x20, s0, s5, $0xb8;
	[tilespmem:$0x1B400] =	vst v63  }
0xf4: {  	_ =	swait.ge [sflag:s15], $0x2000  }
0xf5: {  	[sflag:s15] =	ssyncset.done $0x0  }
0xf6: {  	s0 =	rddreg [dreg:$0xa];
	[sflag:s15] =	ssyncadd.s32 $0xFFFFE000  }
0xf7: {  	[hbm4b:s0+s2] =	stream.linear.scatter [tilespmem:s3], [sflag:$0xD], $0x8000, $0x38;
	[tilespmem:$0x1B400] =	vst v63  }
0xf8: {  	_ =	swait.ge [sflag:s8], $0x8000  }
0xf9: {  	s0 =	sld [smem:$0x7EE]  }
0xfa: {  	[sflag:s8] =	ssyncset.done $0x0  }
0xfb: {  	[sflag:s8] =	ssyncadd.s32 $0xFFFF8000  }
0xfc: {  	[tilespmem:s3], [sflag:$0x1] =	stream.indirect.gather [hbm4b:s4+s5], $0x20, s0, s5, $0xb8;
	[tilespmem:$0x1B400] =	vst v63  }
0xfd: {  	_ =	swait.ge [sflag:s25], $0x2000  }
0xfe: {  	s0 =	sld [smem:$0x7EF]  }
0xff: {  	[sflag:s25] =	ssyncset.done $0x0  }
0x100: {  	[sflag:s25] =	ssyncadd.s32 $0xFFFFE000  }
0x101: {  	[tilespmem:s28], [sflag:$0x2] =	stream.indirect.gather [hbm4b:s4+s5], $0x20, s0, s5, $0xb8;
	[tilespmem:$0x1B400] =	vst v63  }
0x102: {  	_ =	swait.ge [sflag:s24], $0x2000  }
0x103: {  	s0 =	sld [smem:$0x7F0]  }
0x104: {  	[sflag:s24] =	ssyncset.done $0x0  }
0x105: {  	[sflag:s24] =	ssyncadd.s32 $0xFFFFE000  }
0x106: {  	[tilespmem:s12], [sflag:$0x3] =	stream.indirect.gather [hbm4b:s4+s5], $0x20, s0, s5, $0xb8;
	[tilespmem:$0x1B400] =	vst v63  }
0x107: {  	_ =	swait.ge [sflag:s23], $0x2000  }
0x108: {  	s0 =	sld [smem:$0x7F1]  }
0x109: {  	[sflag:s23] =	ssyncset.done $0x0  }
0x10a: {  	[sflag:s23] =	ssyncadd.s32 $0xFFFFE000  }
0x10b: {  	[tilespmem:s7], [sflag:$0x4] =	stream.indirect.gather [hbm4b:s4+s5], $0x20, s0, s5, $0xb8;
	[tilespmem:$0x1B400] =	vst v63  }
0x10c: {  	_ =	swait.ge [sflag:s22], $0x2000  }
0x10d: {  	[sflag:s22] =	ssyncset.done $0x0  }
0x10e: {  	s0 =	rddreg [dreg:$0xb];
	[sflag:s22] =	ssyncadd.s32 $0xFFFFE000  }
0x10f: {  	[hbm4b:s0+s2] =	stream.linear.scatter [tilespmem:s9], [sflag:$0xE], $0x8000, $0x38;
	[tilespmem:$0x1B400] =	vst v63  }
0x110: {  	_ =	swait.ge [sflag:s16], $0x8000  }
0x111: {  	s0 =	sld [smem:$0x7F2]  }
0x112: {  	[sflag:s16] =	ssyncset.done $0x0  }
0x113: {  	[sflag:s16] =	ssyncadd.s32 $0xFFFF8000  }
0x114: {  	[tilespmem:s9], [sflag:$0x5] =	stream.indirect.gather [hbm4b:s4+s5], $0x20, s0, s5, $0xb8;
	[tilespmem:$0x1B400] =	vst v63  }
0x115: {  	_ =	swait.ge [sflag:s21], $0x2000  }
0x116: {  	s0 =	sld [smem:$0x7F3]  }
0x117: {  	[sflag:s21] =	ssyncset.done $0x0  }
0x118: {  	[sflag:s21] =	ssyncadd.s32 $0xFFFFE000  }
0x119: {  	[tilespmem:s1], [sflag:$0x6] =	stream.indirect.gather [hbm4b:s4+s5], $0x20, s0, s5, $0xb8;
	[tilespmem:$0x1B400] =	vst v63  }
0x11a: {  	_ =	swait.ge [sflag:s20], $0x2000  }
0x11b: {  	s1 =	sld [smem:$0x7F4]  }
0x11c: {  	[sflag:s20] =	ssyncset.done $0x0  }
0x11d: {  	[sflag:s20] =	ssyncadd.s32 $0xFFFFE000  }
0x11e: {  	[tilespmem:s11], [sflag:$0x7] =	stream.indirect.gather [hbm4b:s4+s5], $0x20, s1, s5, $0xb8;
	[tilespmem:$0x1B400] =	vst v63  }
0x11f: {  	_ =	swait.ge [sflag:s19], $0x2000  }
0x120: {  	s1 =	sld [smem:$0x7F5]  }
0x121: {  	[sflag:s19] =	ssyncset.done $0x0  }
0x122: {  	[sflag:s19] =	ssyncadd.s32 $0xFFFFE000  }
0x123: {  	[tilespmem:s29], [sflag:$0x8] =	stream.indirect.gather [hbm4b:s4+s5], $0x20, s1, s5, $0xb8;
	[tilespmem:$0x1B400] =	vst v63  }
0x124: {  	_ =	swait.ge [sflag:s18], $0x2000  }
0x125: {  	[sflag:s18] =	ssyncset.done $0x0  }
0x126: {  	s11 =	rddreg [dreg:$0xc];
	[sflag:s18] =	ssyncadd.s32 $0xFFFFE000  }
0x127: {  	[hbm4b:s11+s2] =	stream.linear.scatter [tilespmem:s31], [sflag:$0xF], $0x8000, $0x38;
	[tilespmem:$0x1B400] =	vst v63  }
0x128: {  	_ =	swait.ge [sflag:s17], $0x8000  }
0x129: {  	s29 =	sld [smem:$0x7F6]  }
0x12a: {  	[sflag:s17] =	ssyncset.done $0x0  }
0x12b: {  	[sflag:s17] =	ssyncadd.s32 $0xFFFF8000  }
0x12c: {  	[tilespmem:s31], [sflag:$0x9] =	stream.indirect.gather [hbm4b:s4+s5], $0x20, s29, s5, $0xb8;
	[tilespmem:$0x1B400] =	vst v63  }
0x12d: {  	_ =	swait.ge [sflag:s6], $0x2000  }
0x12e: {  	s1 =	sld [smem:$0x7F7]  }
0x12f: {  	[sflag:s6] =	ssyncset.done $0x0  }
0x130: {  	[sflag:s6] =	ssyncadd.s32 $0xFFFFE000  }
0x131: {  	[tilespmem:s26], [sflag:$0xA] =	stream.indirect.gather [hbm4b:s4+s5], $0x20, s1, s5, $0xb8;
	[tilespmem:$0x1B400] =	vst v63  }
0x132: {  	_ =	swait.ge [sflag:s10], $0x2000  }
0x133: {  	s11 =	sld [smem:$0x7F8]  }
0x134: {  	[sflag:s10] =	ssyncset.done $0x0  }
0x135: {  	[sflag:s10] =	ssyncadd.s32 $0xFFFFE000  }
0x136: {  	[tilespmem:s30], [sflag:$0xB] =	stream.indirect.gather [hbm4b:s4+s5], $0x20, s11, s5, $0xb8;
	[tilespmem:$0x1B400] =	vst v63  }
0x137: {  	_ =	swait.ge [sflag:s13], $0x2000  }
0x138: {  	s26 =	sld [smem:$0x7F9]  }
0x139: {  	[sflag:s13] =	ssyncset.done $0x0  }
0x13a: {  	[sflag:s13] =	ssyncadd.s32 $0xFFFFE000  }
0x13b: {  	[tilespmem:s14], [sflag:$0xC] =	stream.indirect.gather [hbm4b:s4+s5], $0x20, s26, s5, $0xb8;
	[tilespmem:$0x1B400] =	vst v63  }
0x13c: {  	_ =	swait.ge [sflag:s15], $0x2000  }
0x13d: {  	[sflag:s15] =	ssyncset.done $0x0  }
0x13e: {  	s29 =	rddreg [dreg:$0xd];
	[sflag:s15] =	ssyncadd.s32 $0xFFFFE000  }
0x13f: {  	[hbm4b:s29+s2] =	stream.linear.scatter [tilespmem:s3], [sflag:$0xD], $0x8000, $0x38;
	[tilespmem:$0x1B400] =	vst v63  }
0x140: {  	_ =	swait.ge [sflag:s8], $0x8000  }
0x141: {  	s30 =	sld [smem:$0x7FA]  }
0x142: {  	[sflag:s8] =	ssyncset.done $0x0  }
0x143: {  	[sflag:s8] =	ssyncadd.s32 $0xFFFF8000  }
0x144: {  	[tilespmem:s3], [sflag:$0x1] =	stream.indirect.gather [hbm4b:s4+s5], $0x20, s30, s5, $0xb8;
	[tilespmem:$0x1B400] =	vst v63  }
0x145: {  	_ =	swait.ge [sflag:s25], $0x2000  }
0x146: {  	s1 =	sld [smem:$0x7FB]  }
0x147: {  	[sflag:s25] =	ssyncset.done $0x0  }
0x148: {  	[sflag:s25] =	ssyncadd.s32 $0xFFFFE000  }
0x149: {  	[tilespmem:s28], [sflag:$0x2] =	stream.indirect.gather [hbm4b:s4+s5], $0x20, s1, s5, $0xb8;
	[tilespmem:$0x1B400] =	vst v63  }
0x14a: {  	_ =	swait.ge [sflag:s24], $0x2000  }
0x14b: {  	s11 =	sld [smem:$0x7FC]  }
0x14c: {  	[sflag:s24] =	ssyncset.done $0x0  }
0x14d: {  	[sflag:s24] =	ssyncadd.s32 $0xFFFFE000  }
0x14e: {  	[tilespmem:s12], [sflag:$0x3] =	stream.indirect.gather [hbm4b:s4+s5], $0x20, s11, s5, $0xb8;
	[tilespmem:$0x1B400] =	vst v63  }
0x14f: {  	_ =	swait.ge [sflag:s23], $0x2000  }
0x150: {  	s12 =	sld [smem:$0x7FD]  }
0x151: {  	[sflag:s23] =	ssyncset.done $0x0  }
0x152: {  	[sflag:s23] =	ssyncadd.s32 $0xFFFFE000  }
0x153: {  	[tilespmem:s7], [sflag:$0x4] =	stream.indirect.gather [hbm4b:s4+s5], $0x20, s12, s5, $0xb8;
	[tilespmem:$0x1B400] =	vst v63  }
0x154: {  	_ =	swait.ge [sflag:s22], $0x2000  }
0x155: {  	[sflag:s22] =	ssyncset.done $0x0  }
0x156: {  	s14 =	rddreg [dreg:$0xe];
	[sflag:s22] =	ssyncadd.s32 $0xFFFFE000  }
0x157: {  	[hbm4b:s14+s2] =	stream.linear.scatter [tilespmem:s9], [sflag:$0xE], $0x8000, $0x38;
	[tilespmem:$0x1B400] =	vst v63  }
0x158: {  	_ =	swait.ge [sflag:s21], $0x2000  }
0x159: {  	[sflag:s21] =	ssyncset.done $0x0  }
0x15a: {  	[sflag:s21] =	ssyncadd.s32 $0xFFFFE000  }
0x15b: {  	_ =	swait.ge [sflag:s20], $0x2000  }
0x15c: {  	[sflag:s20] =	ssyncset.done $0x0  }
0x15d: {  	[sflag:s20] =	ssyncadd.s32 $0xFFFFE000  }
0x15e: {  	_ =	swait.ge [sflag:s19], $0x2000  }
0x15f: {  	[sflag:s19] =	ssyncset.done $0x0  }
0x160: {  	[sflag:s19] =	ssyncadd.s32 $0xFFFFE000  }
0x161: {  	_ =	swait.ge [sflag:s18], $0x2000  }
0x162: {  	[sflag:s18] =	ssyncset.done $0x0  }
0x163: {  	s26 =	rddreg [dreg:$0xf];
	[sflag:s18] =	ssyncadd.s32 $0xFFFFE000  }
0x164: {  	[hbm4b:s26+s2] =	stream.linear.scatter [tilespmem:s31], [sflag:$0xF], $0x8000, $0x38;
	[tilespmem:$0x1B400] =	vst v63  }
0x165: {  	_ =	swait.ge [sflag:s6], $0x2000  }
0x166: {  	[sflag:s6] =	ssyncset.done $0x0  }
0x167: {  	[sflag:s6] =	ssyncadd.s32 $0xFFFFE000  }
0x168: {  	_ =	swait.ge [sflag:s10], $0x2000  }
0x169: {  	[sflag:s10] =	ssyncset.done $0x0  }
0x16a: {  	[sflag:s10] =	ssyncadd.s32 $0xFFFFE000  }
0x16b: {  	_ =	swait.ge [sflag:s13], $0x2000  }
0x16c: {  	[sflag:s13] =	ssyncset.done $0x0  }
0x16d: {  	[sflag:s13] =	ssyncadd.s32 $0xFFFFE000  }
0x16e: {  	_ =	swait.ge [sflag:s15], $0x2000  }
0x16f: {  	[sflag:s15] =	ssyncset.done $0x0  }
0x170: {  	s29 =	rddreg [dreg:$0x10];
	[sflag:s15] =	ssyncadd.s32 $0xFFFFE000  }
0x171: {  	[hbm4b:s29+s2] =	stream.linear.scatter [tilespmem:s3], [sflag:$0xD], $0x8000, $0x38;
	[tilespmem:$0x1B400] =	vst v63  }
0x172: {  	_ =	swait.ge [sflag:s16], $0x8000  }
0x173: {  	[sflag:s16] =	ssyncset.done $0x0  }
0x174: {  	[sflag:s16] =	ssyncadd.s32 $0xFFFF8000  }
0x175: {  	_ =	swait.ge [sflag:s17], $0x8000  }
0x176: {  	s30 =	sld [smem:$0x7DA];
	_ =	sdelay $0x2  }
0x177: {  	p1 =	sne.s32 s30, $0x1  }
.Ltmp1:
0x178: {  	_ = 	snop;
	(pc) =	sbr.rel @!p1 .LBB2_4-.Ltmp1, $4  }
0x179: {  	[sflag:s17] =	ssyncset.done $0x0  }
0x17a: {  	[sflag:s17] =	ssyncadd.s32 $0xFFFF8000  }
0x17b: {  	p0 =	por $0x1, $0x1;
	s28 =	simm.s32 $0x5400;
	_ =	swait.ge [sflag:s8], $0x8000  }
0x17c: {  	s0 =	sadd.s32 $0xFFFFFFFF, s30;
	s26 =	rddreg [dreg:$0x3];
	[sflag:s8] =	ssyncset.done $0x0  }
0x17d: {  	s12 =	simm.s32 $0x7400;
	s11 =	simm.s32 $0xF400  }
0x17e: {  	s29 =	simm.s32 $0x11400;
	s30 =	simm.s32 $0x15400;
	s14 =	simm.s32 $0x19400  }
.LBB2_3:
0x17f: {  	[sflag:s8] =	ssyncadd.s32 $0xFFFF8000;
	s22 =	simm.s32 $0x10  }
0x180: {  	[tilespmem:s2], [sflag:$0x10] =	stream.linear.gather [hbm4b:s26+s2], $0x3400, $0x38;
	[tilespmem:$0x1B400] =	vst v63  }
0x181: {  	_ =	swait.ge [sflag:s22], $0x3400  }
0x182: {  	[sflag:s22] =	ssyncset.done $0x0  }
0x183: {  	[sflag:s22] =	ssyncadd.s32 $0xFFFFCC00  }
0x184: {  	[tilespmem:s3], [sflag:$0x1] =	stream.indirect.gather [hbm4b:s4+s5], $0x20, s2, s5, $0xb8;
	[tilespmem:$0x1B400] =	vst v63  }
0x185: {  	_ = 	snop  }
0x186: {  	[tilespmem:s28], [sflag:$0x2] =	stream.indirect.gather [hbm4b:s4+s5], $0x20, s5, s5, $0xb8;
	[tilespmem:$0x1B400] =	vst v63  }
0x187: {  	s23 =	rddreg [dreg:$0x11]  }
0x188: {  	[tilespmem:s12], [sflag:$0x3] =	stream.indirect.gather [hbm4b:s4+s5], $0x20, s23, s5, $0xb8;
	[tilespmem:$0x1B400] =	vst v63  }
0x189: {  	s1 =	simm.s32 $0x9400;
	s28 =	rddreg [dreg:$0x12]  }
0x18a: {  	[tilespmem:s1], [sflag:$0x4] =	stream.indirect.gather [hbm4b:s4+s5], $0x20, s28, s5, $0xb8;
	[tilespmem:$0x1B400] =	vst v63  }
0x18b: {  	s24 =	rddreg [dreg:$0x13]  }
0x18c: {  	[tilespmem:s9], [sflag:$0x5] =	stream.indirect.gather [hbm4b:s4+s5], $0x20, s24, s5, $0xb8;
	[tilespmem:$0x1B400] =	vst v63  }
0x18d: {  	s28 =	rddreg [dreg:$0x14];
	s1 =	simm.s32 $0xD400  }
0x18e: {  	[tilespmem:s1], [sflag:$0x6] =	stream.indirect.gather [hbm4b:s4+s5], $0x20, s28, s5, $0xb8;
	[tilespmem:$0x1B400] =	vst v63  }
0x18f: {  	s25 =	rddreg [dreg:$0x15]  }
0x190: {  	[tilespmem:s11], [sflag:$0x7] =	stream.indirect.gather [hbm4b:s4+s5], $0x20, s25, s5, $0xb8;
	[tilespmem:$0x1B400] =	vst v63  }
0x191: {  	s28 =	rddreg [dreg:$0x16]  }
0x192: {  	[tilespmem:s29], [sflag:$0x8] =	stream.indirect.gather [hbm4b:s4+s5], $0x20, s28, s5, $0xb8;
	[tilespmem:$0x1B400] =	vst v63  }
0x193: {  	s2 =	rddreg [dreg:$0x17]  }
0x194: {  	[tilespmem:s31], [sflag:$0x9] =	stream.indirect.gather [hbm4b:s4+s5], $0x20, s2, s5, $0xb8;
	[tilespmem:$0x1B400] =	vst v63  }
0x195: {  	_ =	swait.ge [sflag:s6], $0x2000  }
0x196: {  	[sflag:s6] =	ssyncset.done $0x0  }
0x197: {  	s3 =	rddreg [dreg:$0x18];
	[sflag:s6] =	ssyncadd.s32 $0xFFFFE000  }
0x198: {  	[tilespmem:s30], [sflag:$0xA] =	stream.indirect.gather [hbm4b:s4+s5], $0x20, s3, s5, $0xb8;
	[tilespmem:$0x1B400] =	vst v63  }
0x199: {  	_ =	swait.ge [sflag:s10], $0x2000  }
0x19a: {  	[sflag:s10] =	ssyncset.done $0x0  }
0x19b: {  	s31 =	simm.s32 $0x17400;
	s26 =	rddreg [dreg:$0x19];
	[sflag:s10] =	ssyncadd.s32 $0xFFFFE000  }
0x19c: {  	[tilespmem:s31], [sflag:$0xB] =	stream.indirect.gather [hbm4b:s4+s5], $0x20, s26, s5, $0xb8;
	[tilespmem:$0x1B400] =	vst v63  }
0x19d: {  	_ =	swait.ge [sflag:s13], $0x2000  }
0x19e: {  	[sflag:s13] =	ssyncset.done $0x0  }
0x19f: {  	s26 =	rddreg [dreg:$0x1a];
	[sflag:s13] =	ssyncadd.s32 $0xFFFFE000  }
0x1a0: {  	[tilespmem:s14], [sflag:$0xC] =	stream.indirect.gather [hbm4b:s4+s5], $0x20, s26, s5, $0xb8;
	[tilespmem:$0x1B400] =	vst v63  }
0x1a1: {  	_ =	swait.ge [sflag:s15], $0x2000  }
0x1a2: {  	s7 =	simm.s32 $0x0;
	[sflag:s15] =	ssyncset.done $0x0  }
0x1a3: {  	s16 =	simm.s32 $0x3400;
	s26 =	rddreg [dreg:$0x4];
	[sflag:s15] =	ssyncadd.s32 $0xFFFFE000  }
0x1a4: {  	[hbm4b:s26+s7] =	stream.linear.scatter [tilespmem:s16], [sflag:$0xD], $0x8000, $0x38;
	[tilespmem:$0x1B400] =	vst v63  }
0x1a5: {  	_ =	swait.ge [sflag:s8], $0x8000  }
0x1a6: {  	[sflag:s8] =	ssyncset.done $0x0  }
0x1a7: {  	s2 =	simm.s32 $0x5;
	s7 =	rddreg [dreg:$0x1b];
	[sflag:s8] =	ssyncadd.s32 $0xFFFF8000  }
0x1a8: {  	[tilespmem:s16], [sflag:$0x1] =	stream.indirect.gather [hbm4b:s4+s5], $0x20, s7, s5, $0xb8;
	[tilespmem:$0x1B400] =	vst v63  }
0x1a9: {  	_ =	swait.ge [sflag:s2], $0x2000  }
0x1aa: {  	s25 =	simm.s32 $0x6;
	[sflag:s2] =	ssyncset.done $0x0  }
0x1ab: {  	s28 =	simm.s32 $0x5400;
	s7 =	rddreg [dreg:$0x1c];
	[sflag:s2] =	ssyncadd.s32 $0xFFFFE000  }
0x1ac: {  	[tilespmem:s28], [sflag:$0x2] =	stream.indirect.gather [hbm4b:s4+s5], $0x20, s7, s5, $0xb8;
	[tilespmem:$0x1B400] =	vst v63  }
0x1ad: {  	_ =	swait.ge [sflag:s25], $0x2000  }
0x1ae: {  	[sflag:s25] =	ssyncset.done $0x0  }
0x1af: {  	s24 =	simm.s32 $0x7;
	s7 =	rddreg [dreg:$0x1d];
	[sflag:s25] =	ssyncadd.s32 $0xFFFFE000  }
0x1b0: {  	[tilespmem:s12], [sflag:$0x3] =	stream.indirect.gather [hbm4b:s4+s5], $0x20, s7, s5, $0xb8;
	[tilespmem:$0x1B400] =	vst v63  }
0x1b1: {  	_ =	swait.ge [sflag:s24], $0x2000  }
0x1b2: {  	s23 =	simm.s32 $0x8;
	[sflag:s24] =	ssyncset.done $0x0  }
0x1b3: {  	s7 =	simm.s32 $0x9400;
	s26 =	rddreg [dreg:$0x1e];
	[sflag:s24] =	ssyncadd.s32 $0xFFFFE000  }
0x1b4: {  	[tilespmem:s7], [sflag:$0x4] =	stream.indirect.gather [hbm4b:s4+s5], $0x20, s26, s5, $0xb8;
	[tilespmem:$0x1B400] =	vst v63  }
0x1b5: {  	_ =	swait.ge [sflag:s23], $0x2000  }
0x1b6: {  	s17 =	simm.s32 $0xE;
	s3 =	simm.s32 $0xB400;
	[sflag:s23] =	ssyncset.done $0x0  }
0x1b7: {  	s2 =	simm.s32 $0x0;
	s26 =	rddreg [dreg:$0x5];
	[sflag:s23] =	ssyncadd.s32 $0xFFFFE000  }
0x1b8: {  	[hbm4b:s26+s2] =	stream.linear.scatter [tilespmem:s3], [sflag:$0xE], $0x8000, $0x38;
	[tilespmem:$0x1B400] =	vst v63  }
0x1b9: {  	_ =	swait.ge [sflag:s17], $0x8000  }
0x1ba: {  	[sflag:s17] =	ssyncset.done $0x0  }
0x1bb: {  	s22 =	simm.s32 $0x9;
	s26 =	rddreg [dreg:$0x1f];
	[sflag:s17] =	ssyncadd.s32 $0xFFFF8000  }
0x1bc: {  	[tilespmem:s3], [sflag:$0x5] =	stream.indirect.gather [hbm4b:s4+s5], $0x20, s26, s5, $0xb8;
	[tilespmem:$0x1B400] =	vst v63  }
0x1bd: {  	_ =	swait.ge [sflag:s22], $0x2000  }
0x1be: {  	s26 =	sld [smem:$0x7DB]  }
0x1bf: {  	[sflag:s22] =	ssyncset.done $0x0  }
0x1c0: {  	s21 =	simm.s32 $0xA;
	[sflag:s22] =	ssyncadd.s32 $0xFFFFE000  }
0x1c1: {  	[tilespmem:s1], [sflag:$0x6] =	stream.indirect.gather [hbm4b:s4+s5], $0x20, s26, s5, $0xb8;
	[tilespmem:$0x1B400] =	vst v63  }
0x1c2: {  	_ =	swait.ge [sflag:s21], $0x2000  }
0x1c3: {  	s26 =	sld [smem:$0x7DC]  }
0x1c4: {  	[sflag:s21] =	ssyncset.done $0x0  }
0x1c5: {  	s20 =	simm.s32 $0xB;
	[sflag:s21] =	ssyncadd.s32 $0xFFFFE000  }
0x1c6: {  	[tilespmem:s11], [sflag:$0x7] =	stream.indirect.gather [hbm4b:s4+s5], $0x20, s26, s5, $0xb8;
	[tilespmem:$0x1B400] =	vst v63  }
0x1c7: {  	_ =	swait.ge [sflag:s20], $0x2000  }
0x1c8: {  	s26 =	sld [smem:$0x7DD]  }
0x1c9: {  	[sflag:s20] =	ssyncset.done $0x0  }
0x1ca: {  	s19 =	simm.s32 $0xC;
	[sflag:s20] =	ssyncadd.s32 $0xFFFFE000  }
0x1cb: {  	[tilespmem:s29], [sflag:$0x8] =	stream.indirect.gather [hbm4b:s4+s5], $0x20, s26, s5, $0xb8;
	[tilespmem:$0x1B400] =	vst v63  }
0x1cc: {  	_ =	swait.ge [sflag:s19], $0x2000  }
0x1cd: {  	s18 =	simm.s32 $0xF;
	[sflag:s19] =	ssyncset.done $0x0  }
0x1ce: {  	s9 =	simm.s32 $0x13400;
	s26 =	rddreg [dreg:$0x6];
	[sflag:s19] =	ssyncadd.s32 $0xFFFFE000  }
0x1cf: {  	[hbm4b:s26+s2] =	stream.linear.scatter [tilespmem:s9], [sflag:$0xF], $0x8000, $0x38;
	[tilespmem:$0x1B400] =	vst v63  }
0x1d0: {  	_ =	swait.ge [sflag:s18], $0x8000  }
0x1d1: {  	s26 =	sld [smem:$0x7DE]  }
0x1d2: {  	[sflag:s18] =	ssyncset.done $0x0  }
0x1d3: {  	[sflag:s18] =	ssyncadd.s32 $0xFFFF8000  }
0x1d4: {  	[tilespmem:s9], [sflag:$0x9] =	stream.indirect.gather [hbm4b:s4+s5], $0x20, s26, s5, $0xb8;
	[tilespmem:$0x1B400] =	vst v63  }
0x1d5: {  	_ =	swait.ge [sflag:s6], $0x2000  }
0x1d6: {  	s26 =	sld [smem:$0x7DF]  }
0x1d7: {  	[sflag:s6] =	ssyncset.done $0x0  }
0x1d8: {  	[sflag:s6] =	ssyncadd.s32 $0xFFFFE000  }
0x1d9: {  	[tilespmem:s30], [sflag:$0xA] =	stream.indirect.gather [hbm4b:s4+s5], $0x20, s26, s5, $0xb8;
	[tilespmem:$0x1B400] =	vst v63  }
0x1da: {  	_ =	swait.ge [sflag:s10], $0x2000  }
0x1db: {  	s26 =	sld [smem:$0x7E0]  }
0x1dc: {  	[sflag:s10] =	ssyncset.done $0x0  }
0x1dd: {  	[sflag:s10] =	ssyncadd.s32 $0xFFFFE000  }
0x1de: {  	[tilespmem:s31], [sflag:$0xB] =	stream.indirect.gather [hbm4b:s4+s5], $0x20, s26, s5, $0xb8;
	[tilespmem:$0x1B400] =	vst v63  }
0x1df: {  	_ =	swait.ge [sflag:s13], $0x2000  }
0x1e0: {  	s26 =	sld [smem:$0x7E1]  }
0x1e1: {  	[sflag:s13] =	ssyncset.done $0x0  }
0x1e2: {  	[sflag:s13] =	ssyncadd.s32 $0xFFFFE000  }
0x1e3: {  	[tilespmem:s14], [sflag:$0xC] =	stream.indirect.gather [hbm4b:s4+s5], $0x20, s26, s5, $0xb8;
	[tilespmem:$0x1B400] =	vst v63  }
0x1e4: {  	_ =	swait.ge [sflag:s15], $0x2000  }
0x1e5: {  	[sflag:s15] =	ssyncset.done $0x0  }
0x1e6: {  	s26 =	rddreg [dreg:$0x7];
	[sflag:s15] =	ssyncadd.s32 $0xFFFFE000  }
0x1e7: {  	[hbm4b:s26+s2] =	stream.linear.scatter [tilespmem:s16], [sflag:$0xD], $0x8000, $0x38;
	[tilespmem:$0x1B400] =	vst v63  }
0x1e8: {  	_ =	swait.ge [sflag:s8], $0x8000  }
0x1e9: {  	s26 =	sld [smem:$0x7E2]  }
0x1ea: {  	[sflag:s8] =	ssyncset.done $0x0  }
0x1eb: {  	s25 =	simm.s32 $0x5;
	[sflag:s8] =	ssyncadd.s32 $0xFFFF8000  }
0x1ec: {  	[tilespmem:s16], [sflag:$0x1] =	stream.indirect.gather [hbm4b:s4+s5], $0x20, s26, s5, $0xb8;
	[tilespmem:$0x1B400] =	vst v63  }
0x1ed: {  	_ =	swait.ge [sflag:s25], $0x2000  }
0x1ee: {  	s26 =	sld [smem:$0x7E3]  }
0x1ef: {  	[sflag:s25] =	ssyncset.done $0x0  }
0x1f0: {  	s24 =	simm.s32 $0x6;
	[sflag:s25] =	ssyncadd.s32 $0xFFFFE000  }
0x1f1: {  	[tilespmem:s28], [sflag:$0x2] =	stream.indirect.gather [hbm4b:s4+s5], $0x20, s26, s5, $0xb8;
	[tilespmem:$0x1B400] =	vst v63  }
0x1f2: {  	_ =	swait.ge [sflag:s24], $0x2000  }
0x1f3: {  	s26 =	sld [smem:$0x7E4]  }
0x1f4: {  	[sflag:s24] =	ssyncset.done $0x0  }
0x1f5: {  	s23 =	simm.s32 $0x7;
	[sflag:s24] =	ssyncadd.s32 $0xFFFFE000  }
0x1f6: {  	[tilespmem:s12], [sflag:$0x3] =	stream.indirect.gather [hbm4b:s4+s5], $0x20, s26, s5, $0xb8;
	[tilespmem:$0x1B400] =	vst v63  }
0x1f7: {  	_ =	swait.ge [sflag:s23], $0x2000  }
0x1f8: {  	s26 =	sld [smem:$0x7E5]  }
0x1f9: {  	[sflag:s23] =	ssyncset.done $0x0  }
0x1fa: {  	s22 =	simm.s32 $0x8;
	[sflag:s23] =	ssyncadd.s32 $0xFFFFE000  }
0x1fb: {  	[tilespmem:s7], [sflag:$0x4] =	stream.indirect.gather [hbm4b:s4+s5], $0x20, s26, s5, $0xb8;
	[tilespmem:$0x1B400] =	vst v63  }
0x1fc: {  	_ =	swait.ge [sflag:s22], $0x2000  }
0x1fd: {  	[sflag:s22] =	ssyncset.done $0x0  }
0x1fe: {  	s26 =	rddreg [dreg:$0x8];
	[sflag:s22] =	ssyncadd.s32 $0xFFFFE000  }
0x1ff: {  	[hbm4b:s26+s2] =	stream.linear.scatter [tilespmem:s3], [sflag:$0xE], $0x8000, $0x38;
	[tilespmem:$0x1B400] =	vst v63  }
0x200: {  	_ =	swait.ge [sflag:s17], $0x8000  }
0x201: {  	s26 =	sld [smem:$0x7E6]  }
0x202: {  	[sflag:s17] =	ssyncset.done $0x0  }
0x203: {  	s21 =	simm.s32 $0x9;
	[sflag:s17] =	ssyncadd.s32 $0xFFFF8000  }
0x204: {  	[tilespmem:s3], [sflag:$0x5] =	stream.indirect.gather [hbm4b:s4+s5], $0x20, s26, s5, $0xb8;
	[tilespmem:$0x1B400] =	vst v63  }
0x205: {  	_ =	swait.ge [sflag:s21], $0x2000  }
0x206: {  	s26 =	sld [smem:$0x7E7]  }
0x207: {  	[sflag:s21] =	ssyncset.done $0x0  }
0x208: {  	s20 =	simm.s32 $0xA;
	[sflag:s21] =	ssyncadd.s32 $0xFFFFE000  }
0x209: {  	[tilespmem:s1], [sflag:$0x6] =	stream.indirect.gather [hbm4b:s4+s5], $0x20, s26, s5, $0xb8;
	[tilespmem:$0x1B400] =	vst v63  }
0x20a: {  	_ =	swait.ge [sflag:s20], $0x2000  }
0x20b: {  	s26 =	sld [smem:$0x7E8]  }
0x20c: {  	[sflag:s20] =	ssyncset.done $0x0  }
0x20d: {  	s19 =	simm.s32 $0xB;
	[sflag:s20] =	ssyncadd.s32 $0xFFFFE000  }
0x20e: {  	[tilespmem:s11], [sflag:$0x7] =	stream.indirect.gather [hbm4b:s4+s5], $0x20, s26, s5, $0xb8;
	[tilespmem:$0x1B400] =	vst v63  }
0x20f: {  	_ =	swait.ge [sflag:s19], $0x2000  }
0x210: {  	s26 =	sld [smem:$0x7E9]  }
0x211: {  	[sflag:s19] =	ssyncset.done $0x0  }
0x212: {  	s18 =	simm.s32 $0xC;
	[sflag:s19] =	ssyncadd.s32 $0xFFFFE000  }
0x213: {  	[tilespmem:s29], [sflag:$0x8] =	stream.indirect.gather [hbm4b:s4+s5], $0x20, s26, s5, $0xb8;
	[tilespmem:$0x1B400] =	vst v63  }
0x214: {  	_ =	swait.ge [sflag:s18], $0x2000  }
0x215: {  	[sflag:s18] =	ssyncset.done $0x0  }
0x216: {  	s17 =	simm.s32 $0xF;
	s26 =	rddreg [dreg:$0x9];
	[sflag:s18] =	ssyncadd.s32 $0xFFFFE000  }
0x217: {  	[hbm4b:s26+s2] =	stream.linear.scatter [tilespmem:s9], [sflag:$0xF], $0x8000, $0x38;
	[tilespmem:$0x1B400] =	vst v63  }
0x218: {  	_ =	swait.ge [sflag:s17], $0x8000  }
0x219: {  	s26 =	sld [smem:$0x7EA]  }
0x21a: {  	[sflag:s17] =	ssyncset.done $0x0  }
0x21b: {  	[sflag:s17] =	ssyncadd.s32 $0xFFFF8000  }
0x21c: {  	[tilespmem:s9], [sflag:$0x9] =	stream.indirect.gather [hbm4b:s4+s5], $0x20, s26, s5, $0xb8;
	[tilespmem:$0x1B400] =	vst v63  }
0x21d: {  	_ =	swait.ge [sflag:s6], $0x2000  }
0x21e: {  	s26 =	sld [smem:$0x7EB]  }
0x21f: {  	[sflag:s6] =	ssyncset.done $0x0  }
0x220: {  	[sflag:s6] =	ssyncadd.s32 $0xFFFFE000  }
0x221: {  	[tilespmem:s30], [sflag:$0xA] =	stream.indirect.gather [hbm4b:s4+s5], $0x20, s26, s5, $0xb8;
	[tilespmem:$0x1B400] =	vst v63  }
0x222: {  	_ =	swait.ge [sflag:s10], $0x2000  }
0x223: {  	s26 =	sld [smem:$0x7EC]  }
0x224: {  	[sflag:s10] =	ssyncset.done $0x0  }
0x225: {  	[sflag:s10] =	ssyncadd.s32 $0xFFFFE000  }
0x226: {  	[tilespmem:s31], [sflag:$0xB] =	stream.indirect.gather [hbm4b:s4+s5], $0x20, s26, s5, $0xb8;
	[tilespmem:$0x1B400] =	vst v63  }
0x227: {  	_ =	swait.ge [sflag:s13], $0x2000  }
0x228: {  	s26 =	sld [smem:$0x7ED]  }
0x229: {  	[sflag:s13] =	ssyncset.done $0x0  }
0x22a: {  	[sflag:s13] =	ssyncadd.s32 $0xFFFFE000  }
0x22b: {  	[tilespmem:s14], [sflag:$0xC] =	stream.indirect.gather [hbm4b:s4+s5], $0x20, s26, s5, $0xb8;
	[tilespmem:$0x1B400] =	vst v63  }
0x22c: {  	_ =	swait.ge [sflag:s15], $0x2000  }
0x22d: {  	[sflag:s15] =	ssyncset.done $0x0  }
0x22e: {  	s26 =	rddreg [dreg:$0xa];
	[sflag:s15] =	ssyncadd.s32 $0xFFFFE000  }
0x22f: {  	[hbm4b:s26+s2] =	stream.linear.scatter [tilespmem:s16], [sflag:$0xD], $0x8000, $0x38;
	[tilespmem:$0x1B400] =	vst v63  }
0x230: {  	_ =	swait.ge [sflag:s8], $0x8000  }
0x231: {  	s26 =	sld [smem:$0x7EE]  }
0x232: {  	[sflag:s8] =	ssyncset.done $0x0  }
0x233: {  	[sflag:s8] =	ssyncadd.s32 $0xFFFF8000  }
0x234: {  	[tilespmem:s16], [sflag:$0x1] =	stream.indirect.gather [hbm4b:s4+s5], $0x20, s26, s5, $0xb8;
	[tilespmem:$0x1B400] =	vst v63  }
0x235: {  	_ =	swait.ge [sflag:s25], $0x2000  }
0x236: {  	s26 =	sld [smem:$0x7EF]  }
0x237: {  	[sflag:s25] =	ssyncset.done $0x0  }
0x238: {  	[sflag:s25] =	ssyncadd.s32 $0xFFFFE000  }
0x239: {  	[tilespmem:s28], [sflag:$0x2] =	stream.indirect.gather [hbm4b:s4+s5], $0x20, s26, s5, $0xb8;
	[tilespmem:$0x1B400] =	vst v63  }
0x23a: {  	_ =	swait.ge [sflag:s24], $0x2000  }
0x23b: {  	s26 =	sld [smem:$0x7F0]  }
0x23c: {  	[sflag:s24] =	ssyncset.done $0x0  }
0x23d: {  	[sflag:s24] =	ssyncadd.s32 $0xFFFFE000  }
0x23e: {  	[tilespmem:s12], [sflag:$0x3] =	stream.indirect.gather [hbm4b:s4+s5], $0x20, s26, s5, $0xb8;
	[tilespmem:$0x1B400] =	vst v63  }
0x23f: {  	_ =	swait.ge [sflag:s23], $0x2000  }
0x240: {  	s26 =	sld [smem:$0x7F1]  }
0x241: {  	[sflag:s23] =	ssyncset.done $0x0  }
0x242: {  	s7 =	simm.s32 $0x9400;
	[sflag:s23] =	ssyncadd.s32 $0xFFFFE000  }
0x243: {  	[tilespmem:s7], [sflag:$0x4] =	stream.indirect.gather [hbm4b:s4+s5], $0x20, s26, s5, $0xb8;
	[tilespmem:$0x1B400] =	vst v63  }
0x244: {  	_ =	swait.ge [sflag:s22], $0x2000  }
0x245: {  	[sflag:s22] =	ssyncset.done $0x0  }
0x246: {  	s16 =	simm.s32 $0xE;
	s26 =	rddreg [dreg:$0xb];
	[sflag:s22] =	ssyncadd.s32 $0xFFFFE000  }
0x247: {  	[hbm4b:s26+s2] =	stream.linear.scatter [tilespmem:s3], [sflag:$0xE], $0x8000, $0x38;
	[tilespmem:$0x1B400] =	vst v63  }
0x248: {  	_ =	swait.ge [sflag:s16], $0x8000  }
0x249: {  	s26 =	sld [smem:$0x7F2]  }
0x24a: {  	[sflag:s16] =	ssyncset.done $0x0  }
0x24b: {  	[sflag:s16] =	ssyncadd.s32 $0xFFFF8000  }
0x24c: {  	[tilespmem:s3], [sflag:$0x5] =	stream.indirect.gather [hbm4b:s4+s5], $0x20, s26, s5, $0xb8;
	[tilespmem:$0x1B400] =	vst v63  }
0x24d: {  	_ =	swait.ge [sflag:s21], $0x2000  }
0x24e: {  	s26 =	sld [smem:$0x7F3]  }
0x24f: {  	[sflag:s21] =	ssyncset.done $0x0  }
0x250: {  	[sflag:s21] =	ssyncadd.s32 $0xFFFFE000  }
0x251: {  	[tilespmem:s1], [sflag:$0x6] =	stream.indirect.gather [hbm4b:s4+s5], $0x20, s26, s5, $0xb8;
	[tilespmem:$0x1B400] =	vst v63  }
0x252: {  	_ =	swait.ge [sflag:s20], $0x2000  }
0x253: {  	s1 =	sld [smem:$0x7F4]  }
0x254: {  	[sflag:s20] =	ssyncset.done $0x0  }
0x255: {  	[sflag:s20] =	ssyncadd.s32 $0xFFFFE000  }
0x256: {  	[tilespmem:s11], [sflag:$0x7] =	stream.indirect.gather [hbm4b:s4+s5], $0x20, s1, s5, $0xb8;
	[tilespmem:$0x1B400] =	vst v63  }
0x257: {  	_ =	swait.ge [sflag:s19], $0x2000  }
0x258: {  	s1 =	sld [smem:$0x7F5]  }
0x259: {  	[sflag:s19] =	ssyncset.done $0x0  }
0x25a: {  	[sflag:s19] =	ssyncadd.s32 $0xFFFFE000  }
0x25b: {  	[tilespmem:s29], [sflag:$0x8] =	stream.indirect.gather [hbm4b:s4+s5], $0x20, s1, s5, $0xb8;
	[tilespmem:$0x1B400] =	vst v63  }
0x25c: {  	_ =	swait.ge [sflag:s18], $0x2000  }
0x25d: {  	[sflag:s18] =	ssyncset.done $0x0  }
0x25e: {  	s1 =	rddreg [dreg:$0xc];
	[sflag:s18] =	ssyncadd.s32 $0xFFFFE000  }
0x25f: {  	[hbm4b:s1+s2] =	stream.linear.scatter [tilespmem:s9], [sflag:$0xF], $0x8000, $0x38;
	[tilespmem:$0x1B400] =	vst v63  }
0x260: {  	_ =	swait.ge [sflag:s17], $0x8000  }
0x261: {  	s1 =	sld [smem:$0x7F6]  }
0x262: {  	[sflag:s17] =	ssyncset.done $0x0  }
0x263: {  	[sflag:s17] =	ssyncadd.s32 $0xFFFF8000  }
0x264: {  	[tilespmem:s9], [sflag:$0x9] =	stream.indirect.gather [hbm4b:s4+s5], $0x20, s1, s5, $0xb8;
	[tilespmem:$0x1B400] =	vst v63  }
0x265: {  	_ =	swait.ge [sflag:s6], $0x2000  }
0x266: {  	s1 =	sld [smem:$0x7F7]  }
0x267: {  	[sflag:s6] =	ssyncset.done $0x0  }
0x268: {  	[sflag:s6] =	ssyncadd.s32 $0xFFFFE000  }
0x269: {  	[tilespmem:s30], [sflag:$0xA] =	stream.indirect.gather [hbm4b:s4+s5], $0x20, s1, s5, $0xb8;
	[tilespmem:$0x1B400] =	vst v63  }
0x26a: {  	_ =	swait.ge [sflag:s10], $0x2000  }
0x26b: {  	s1 =	sld [smem:$0x7F8]  }
0x26c: {  	[sflag:s10] =	ssyncset.done $0x0  }
0x26d: {  	[sflag:s10] =	ssyncadd.s32 $0xFFFFE000  }
0x26e: {  	[tilespmem:s31], [sflag:$0xB] =	stream.indirect.gather [hbm4b:s4+s5], $0x20, s1, s5, $0xb8;
	[tilespmem:$0x1B400] =	vst v63  }
0x26f: {  	_ =	swait.ge [sflag:s13], $0x2000  }
0x270: {  	s1 =	sld [smem:$0x7F9]  }
0x271: {  	[sflag:s13] =	ssyncset.done $0x0  }
0x272: {  	[sflag:s13] =	ssyncadd.s32 $0xFFFFE000  }
0x273: {  	[tilespmem:s14], [sflag:$0xC] =	stream.indirect.gather [hbm4b:s4+s5], $0x20, s1, s5, $0xb8;
	[tilespmem:$0x1B400] =	vst v63  }
0x274: {  	_ =	swait.ge [sflag:s15], $0x2000  }
0x275: {  	[sflag:s15] =	ssyncset.done $0x0  }
0x276: {  	s3 =	simm.s32 $0x3400;
	s1 =	rddreg [dreg:$0xd];
	[sflag:s15] =	ssyncadd.s32 $0xFFFFE000  }
0x277: {  	[hbm4b:s1+s2] =	stream.linear.scatter [tilespmem:s3], [sflag:$0xD], $0x8000, $0x38;
	[tilespmem:$0x1B400] =	vst v63  }
0x278: {  	_ =	swait.ge [sflag:s8], $0x8000  }
0x279: {  	s1 =	sld [smem:$0x7FA]  }
0x27a: {  	[sflag:s8] =	ssyncset.done $0x0  }
0x27b: {  	[sflag:s8] =	ssyncadd.s32 $0xFFFF8000  }
0x27c: {  	[tilespmem:s3], [sflag:$0x1] =	stream.indirect.gather [hbm4b:s4+s5], $0x20, s1, s5, $0xb8;
	[tilespmem:$0x1B400] =	vst v63  }
0x27d: {  	_ =	swait.ge [sflag:s25], $0x2000  }
0x27e: {  	s1 =	sld [smem:$0x7FB]  }
0x27f: {  	[sflag:s25] =	ssyncset.done $0x0  }
0x280: {  	[sflag:s25] =	ssyncadd.s32 $0xFFFFE000  }
0x281: {  	[tilespmem:s28], [sflag:$0x2] =	stream.indirect.gather [hbm4b:s4+s5], $0x20, s1, s5, $0xb8;
	[tilespmem:$0x1B400] =	vst v63  }
0x282: {  	_ =	swait.ge [sflag:s24], $0x2000  }
0x283: {  	s1 =	sld [smem:$0x7FC]  }
0x284: {  	[sflag:s24] =	ssyncset.done $0x0  }
0x285: {  	[sflag:s24] =	ssyncadd.s32 $0xFFFFE000  }
0x286: {  	[tilespmem:s12], [sflag:$0x3] =	stream.indirect.gather [hbm4b:s4+s5], $0x20, s1, s5, $0xb8;
	[tilespmem:$0x1B400] =	vst v63  }
0x287: {  	_ =	swait.ge [sflag:s23], $0x2000  }
0x288: {  	s1 =	sld [smem:$0x7FD]  }
0x289: {  	[sflag:s23] =	ssyncset.done $0x0  }
0x28a: {  	[sflag:s23] =	ssyncadd.s32 $0xFFFFE000  }
0x28b: {  	[tilespmem:s7], [sflag:$0x4] =	stream.indirect.gather [hbm4b:s4+s5], $0x20, s1, s5, $0xb8;
	[tilespmem:$0x1B400] =	vst v63  }
0x28c: {  	_ =	swait.ge [sflag:s22], $0x2000  }
0x28d: {  	[sflag:s22] =	ssyncset.done $0x0  }
0x28e: {  	s9 =	simm.s32 $0xB400;
	s7 =	rddreg [dreg:$0xe];
	[sflag:s22] =	ssyncadd.s32 $0xFFFFE000  }
0x28f: {  	[hbm4b:s7+s2] =	stream.linear.scatter [tilespmem:s9], [sflag:$0xE], $0x8000, $0x38;
	[tilespmem:$0x1B400] =	vst v63  }
0x290: {  	_ =	swait.ge [sflag:s21], $0x2000  }
0x291: {  	[sflag:s21] =	ssyncset.done $0x0  }
0x292: {  	[sflag:s21] =	ssyncadd.s32 $0xFFFFE000  }
0x293: {  	_ =	swait.ge [sflag:s20], $0x2000  }
0x294: {  	[sflag:s20] =	ssyncset.done $0x0  }
0x295: {  	[sflag:s20] =	ssyncadd.s32 $0xFFFFE000  }
0x296: {  	_ =	swait.ge [sflag:s19], $0x2000  }
0x297: {  	[sflag:s19] =	ssyncset.done $0x0  }
0x298: {  	[sflag:s19] =	ssyncadd.s32 $0xFFFFE000  }
0x299: {  	_ =	swait.ge [sflag:s18], $0x2000  }
0x29a: {  	[sflag:s18] =	ssyncset.done $0x0  }
0x29b: {  	s31 =	simm.s32 $0x13400;
	s1 =	rddreg [dreg:$0xf];
	[sflag:s18] =	ssyncadd.s32 $0xFFFFE000  }
0x29c: {  	[hbm4b:s1+s2] =	stream.linear.scatter [tilespmem:s31], [sflag:$0xF], $0x8000, $0x38;
	[tilespmem:$0x1B400] =	vst v63  }
0x29d: {  	_ =	swait.ge [sflag:s6], $0x2000  }
0x29e: {  	[sflag:s6] =	ssyncset.done $0x0  }
0x29f: {  	[sflag:s6] =	ssyncadd.s32 $0xFFFFE000  }
0x2a0: {  	_ =	swait.ge [sflag:s10], $0x2000  }
0x2a1: {  	[sflag:s10] =	ssyncset.done $0x0  }
0x2a2: {  	[sflag:s10] =	ssyncadd.s32 $0xFFFFE000  }
0x2a3: {  	_ =	swait.ge [sflag:s13], $0x2000  }
0x2a4: {  	[sflag:s13] =	ssyncset.done $0x0  }
0x2a5: {  	[sflag:s13] =	ssyncadd.s32 $0xFFFFE000  }
0x2a6: {  	_ =	swait.ge [sflag:s15], $0x2000  }
0x2a7: {  	[sflag:s15] =	ssyncset.done $0x0  }
0x2a8: {  	s7 =	rddreg [dreg:$0x10];
	[sflag:s15] =	ssyncadd.s32 $0xFFFFE000  }
0x2a9: {  	[hbm4b:s7+s2] =	stream.linear.scatter [tilespmem:s3], [sflag:$0xD], $0x8000, $0x38;
	[tilespmem:$0x1B400] =	vst v63  }
0x2aa: {  	_ =	swait.ge [sflag:s16], $0x8000  }
0x2ab: {  	[sflag:s16] =	ssyncset.done $0x0  }
0x2ac: {  	p1 =	sne.s32 s0, $0x1;
	[sflag:s16] =	ssyncadd.s32 $0xFFFF8000  }
.Ltmp2:
0x2ad: {  	_ =	swait.ge [sflag:s17], $0x8000;
	(pc) =	sbr.rel @p1 .LBB2_3-.Ltmp2, $4  }
0x2ae: {  	[sflag:s17] =	ssyncset.done $0x0  }
0x2af: {  	[sflag:s17] =	ssyncadd.s32 $0xFFFF8000  }
0x2b0: {  	_ =	swait.ge [sflag:s8], $0x8000  }
0x2b1: {  	s0 =	sadd.s32 $0xFFFFFFFF, s0;
	s26 =	rddreg [dreg:$0x3];
	[sflag:s8] =	ssyncset.done $0x0  }
.LBB2_4:
0x2b2: {  	[sflag:s8] =	ssyncadd.s32 @p0 $0xFFFF8000;
	s0 =	simm.s32 $0x10  }
0x2b3: {  	[tilespmem:s2], [sflag:$0x10] =	stream.linear.gather [hbm4b:s26+s2], $0x3400, $0x38;
	[tilespmem:$0x1B400] =	vst v63  }
0x2b4: {  	_ =	swait.ge [sflag:s0], $0x3400  }
0x2b5: {  	[sflag:s0] =	ssyncset.done $0x0  }
0x2b6: {  	[sflag:s0] =	ssyncadd.s32 $0xFFFFCC00  }
0x2b7: {  	[tilespmem:s3], [sflag:$0x1] =	stream.indirect.gather [hbm4b:s4+s5], $0x20, s2, s5, $0xb8;
	[tilespmem:$0x1B400] =	vst v63  }
0x2b8: {  	s28 =	simm.s32 $0x5400  }
0x2b9: {  	[tilespmem:s28], [sflag:$0x2] =	stream.indirect.gather [hbm4b:s4+s5], $0x20, s5, s5, $0xb8;
	[tilespmem:$0x1B400] =	vst v63  }
0x2ba: {  	s14 =	simm.s32 $0x7400;
	s29 =	rddreg [dreg:$0x11]  }
0x2bb: {  	[tilespmem:s14], [sflag:$0x3] =	stream.indirect.gather [hbm4b:s4+s5], $0x20, s29, s5, $0xb8;
	[tilespmem:$0x1B400] =	vst v63  }
0x2bc: {  	s12 =	simm.s32 $0x9400;
	s30 =	rddreg [dreg:$0x12]  }
0x2bd: {  	[tilespmem:s12], [sflag:$0x4] =	stream.indirect.gather [hbm4b:s4+s5], $0x20, s30, s5, $0xb8;
	[tilespmem:$0x1B400] =	vst v63  }
0x2be: {  	s31 =	rddreg [dreg:$0x13]  }
0x2bf: {  	[tilespmem:s9], [sflag:$0x5] =	stream.indirect.gather [hbm4b:s4+s5], $0x20, s31, s5, $0xb8;
	[tilespmem:$0x1B400] =	vst v63  }
0x2c0: {  	s1 =	rddreg [dreg:$0x14];
	s31 =	simm.s32 $0xD400  }
0x2c1: {  	[tilespmem:s31], [sflag:$0x6] =	stream.indirect.gather [hbm4b:s4+s5], $0x20, s1, s5, $0xb8;
	[tilespmem:$0x1B400] =	vst v63  }
0x2c2: {  	s11 =	simm.s32 $0xF400;
	s7 =	rddreg [dreg:$0x15]  }
0x2c3: {  	[tilespmem:s11], [sflag:$0x7] =	stream.indirect.gather [hbm4b:s4+s5], $0x20, s7, s5, $0xb8;
	[tilespmem:$0x1B400] =	vst v63  }
0x2c4: {  	s29 =	rddreg [dreg:$0x16];
	s1 =	simm.s32 $0x11400  }
0x2c5: {  	[tilespmem:s1], [sflag:$0x8] =	stream.indirect.gather [hbm4b:s4+s5], $0x20, s29, s5, $0xb8;
	[tilespmem:$0x1B400] =	vst v63  }
0x2c6: {  	s30 =	rddreg [dreg:$0x17];
	s7 =	simm.s32 $0x13400  }
0x2c7: {  	[tilespmem:s7], [sflag:$0x9] =	stream.indirect.gather [hbm4b:s4+s5], $0x20, s30, s5, $0xb8;
	[tilespmem:$0x1B400] =	vst v63  }
0x2c8: {  	_ =	swait.ge [sflag:s6], $0x2000  }
0x2c9: {  	[sflag:s6] =	ssyncset.done $0x0  }
0x2ca: {  	s26 =	simm.s32 $0x15400;
	s29 =	rddreg [dreg:$0x18];
	[sflag:s6] =	ssyncadd.s32 $0xFFFFE000  }
0x2cb: {  	[tilespmem:s26], [sflag:$0xA] =	stream.indirect.gather [hbm4b:s4+s5], $0x20, s29, s5, $0xb8;
	[tilespmem:$0x1B400] =	vst v63  }
0x2cc: {  	_ =	swait.ge [sflag:s10], $0x2000  }
0x2cd: {  	[sflag:s10] =	ssyncset.done $0x0  }
0x2ce: {  	s29 =	simm.s32 $0x17400;
	s30 =	rddreg [dreg:$0x19];
	[sflag:s10] =	ssyncadd.s32 $0xFFFFE000  }
0x2cf: {  	[tilespmem:s29], [sflag:$0xB] =	stream.indirect.gather [hbm4b:s4+s5], $0x20, s30, s5, $0xb8;
	[tilespmem:$0x1B400] =	vst v63  }
0x2d0: {  	_ =	swait.ge [sflag:s13], $0x2000  }
0x2d1: {  	[sflag:s13] =	ssyncset.done $0x0  }
0x2d2: {  	s30 =	simm.s32 $0x19400;
	s0 =	rddreg [dreg:$0x1a];
	[sflag:s13] =	ssyncadd.s32 $0xFFFFE000  }
0x2d3: {  	[tilespmem:s30], [sflag:$0xC] =	stream.indirect.gather [hbm4b:s4+s5], $0x20, s0, s5, $0xb8;
	[tilespmem:$0x1B400] =	vst v63  }
0x2d4: {  	_ =	swait.ge [sflag:s15], $0x2000  }
0x2d5: {  	[sflag:s15] =	ssyncset.done $0x0  }
0x2d6: {  	s0 =	rddreg [dreg:$0x4];
	[sflag:s15] =	ssyncadd.s32 $0xFFFFE000  }
0x2d7: {  	[hbm4b:s0+s2] =	stream.linear.scatter [tilespmem:s3], [sflag:$0xD], $0x8000, $0x38;
	[tilespmem:$0x1B400] =	vst v63  }
0x2d8: {  	_ =	swait.ge [sflag:s8], $0x8000  }
0x2d9: {  	[sflag:s8] =	ssyncset.done $0x0  }
0x2da: {  	s0 =	rddreg [dreg:$0x1b];
	[sflag:s8] =	ssyncadd.s32 $0xFFFF8000  }
0x2db: {  	[tilespmem:s3], [sflag:$0x1] =	stream.indirect.gather [hbm4b:s4+s5], $0x20, s0, s5, $0xb8;
	[tilespmem:$0x1B400] =	vst v63  }
0x2dc: {  	_ =	swait.ge [sflag:s25], $0x2000  }
0x2dd: {  	[sflag:s25] =	ssyncset.done $0x0  }
0x2de: {  	s0 =	rddreg [dreg:$0x1c];
	[sflag:s25] =	ssyncadd.s32 $0xFFFFE000  }
0x2df: {  	[tilespmem:s28], [sflag:$0x2] =	stream.indirect.gather [hbm4b:s4+s5], $0x20, s0, s5, $0xb8;
	[tilespmem:$0x1B400] =	vst v63  }
0x2e0: {  	_ =	swait.ge [sflag:s24], $0x2000  }
0x2e1: {  	[sflag:s24] =	ssyncset.done $0x0  }
0x2e2: {  	s0 =	rddreg [dreg:$0x1d];
	[sflag:s24] =	ssyncadd.s32 $0xFFFFE000  }
0x2e3: {  	[tilespmem:s14], [sflag:$0x3] =	stream.indirect.gather [hbm4b:s4+s5], $0x20, s0, s5, $0xb8;
	[tilespmem:$0x1B400] =	vst v63  }
0x2e4: {  	_ =	swait.ge [sflag:s23], $0x2000  }
0x2e5: {  	[sflag:s23] =	ssyncset.done $0x0  }
0x2e6: {  	s0 =	rddreg [dreg:$0x1e];
	[sflag:s23] =	ssyncadd.s32 $0xFFFFE000  }
0x2e7: {  	[tilespmem:s12], [sflag:$0x4] =	stream.indirect.gather [hbm4b:s4+s5], $0x20, s0, s5, $0xb8;
	[tilespmem:$0x1B400] =	vst v63  }
0x2e8: {  	_ =	swait.ge [sflag:s22], $0x2000  }
0x2e9: {  	[sflag:s22] =	ssyncset.done $0x0  }
0x2ea: {  	s0 =	rddreg [dreg:$0x5];
	[sflag:s22] =	ssyncadd.s32 $0xFFFFE000  }
0x2eb: {  	[hbm4b:s0+s2] =	stream.linear.scatter [tilespmem:s9], [sflag:$0xE], $0x8000, $0x38;
	[tilespmem:$0x1B400] =	vst v63  }
0x2ec: {  	_ =	swait.ge [sflag:s16], $0x8000  }
0x2ed: {  	[sflag:s16] =	ssyncset.done $0x0  }
0x2ee: {  	s0 =	rddreg [dreg:$0x1f];
	[sflag:s16] =	ssyncadd.s32 $0xFFFF8000  }
0x2ef: {  	[tilespmem:s9], [sflag:$0x5] =	stream.indirect.gather [hbm4b:s4+s5], $0x20, s0, s5, $0xb8;
	[tilespmem:$0x1B400] =	vst v63  }
0x2f0: {  	_ =	swait.ge [sflag:s21], $0x2000  }
0x2f1: {  	s0 =	sld [smem:$0x7DB]  }
0x2f2: {  	[sflag:s21] =	ssyncset.done $0x0  }
0x2f3: {  	[sflag:s21] =	ssyncadd.s32 $0xFFFFE000  }
0x2f4: {  	[tilespmem:s31], [sflag:$0x6] =	stream.indirect.gather [hbm4b:s4+s5], $0x20, s0, s5, $0xb8;
	[tilespmem:$0x1B400] =	vst v63  }
0x2f5: {  	_ =	swait.ge [sflag:s20], $0x2000  }
0x2f6: {  	s0 =	sld [smem:$0x7DC]  }
0x2f7: {  	[sflag:s20] =	ssyncset.done $0x0  }
0x2f8: {  	[sflag:s20] =	ssyncadd.s32 $0xFFFFE000  }
0x2f9: {  	[tilespmem:s11], [sflag:$0x7] =	stream.indirect.gather [hbm4b:s4+s5], $0x20, s0, s5, $0xb8;
	[tilespmem:$0x1B400] =	vst v63  }
0x2fa: {  	_ =	swait.ge [sflag:s19], $0x2000  }
0x2fb: {  	s0 =	sld [smem:$0x7DD]  }
0x2fc: {  	[sflag:s19] =	ssyncset.done $0x0  }
0x2fd: {  	[sflag:s19] =	ssyncadd.s32 $0xFFFFE000  }
0x2fe: {  	[tilespmem:s1], [sflag:$0x8] =	stream.indirect.gather [hbm4b:s4+s5], $0x20, s0, s5, $0xb8;
	[tilespmem:$0x1B400] =	vst v63  }
0x2ff: {  	_ =	swait.ge [sflag:s18], $0x2000  }
0x300: {  	[sflag:s18] =	ssyncset.done $0x0  }
0x301: {  	s0 =	rddreg [dreg:$0x6];
	[sflag:s18] =	ssyncadd.s32 $0xFFFFE000  }
0x302: {  	[hbm4b:s0+s2] =	stream.linear.scatter [tilespmem:s7], [sflag:$0xF], $0x8000, $0x38;
	[tilespmem:$0x1B400] =	vst v63  }
0x303: {  	_ =	swait.ge [sflag:s17], $0x8000  }
0x304: {  	s0 =	sld [smem:$0x7DE]  }
0x305: {  	[sflag:s17] =	ssyncset.done $0x0  }
0x306: {  	[sflag:s17] =	ssyncadd.s32 $0xFFFF8000  }
0x307: {  	[tilespmem:s7], [sflag:$0x9] =	stream.indirect.gather [hbm4b:s4+s5], $0x20, s0, s5, $0xb8;
	[tilespmem:$0x1B400] =	vst v63  }
0x308: {  	_ =	swait.ge [sflag:s6], $0x2000  }
0x309: {  	s0 =	sld [smem:$0x7DF]  }
0x30a: {  	[sflag:s6] =	ssyncset.done $0x0  }
0x30b: {  	[sflag:s6] =	ssyncadd.s32 $0xFFFFE000  }
0x30c: {  	[tilespmem:s26], [sflag:$0xA] =	stream.indirect.gather [hbm4b:s4+s5], $0x20, s0, s5, $0xb8;
	[tilespmem:$0x1B400] =	vst v63  }
0x30d: {  	_ =	swait.ge [sflag:s10], $0x2000  }
0x30e: {  	s0 =	sld [smem:$0x7E0]  }
0x30f: {  	[sflag:s10] =	ssyncset.done $0x0  }
0x310: {  	[sflag:s10] =	ssyncadd.s32 $0xFFFFE000  }
0x311: {  	[tilespmem:s29], [sflag:$0xB] =	stream.indirect.gather [hbm4b:s4+s5], $0x20, s0, s5, $0xb8;
	[tilespmem:$0x1B400] =	vst v63  }
0x312: {  	_ =	swait.ge [sflag:s13], $0x2000  }
0x313: {  	s0 =	sld [smem:$0x7E1]  }
0x314: {  	[sflag:s13] =	ssyncset.done $0x0  }
0x315: {  	[sflag:s13] =	ssyncadd.s32 $0xFFFFE000  }
0x316: {  	[tilespmem:s30], [sflag:$0xC] =	stream.indirect.gather [hbm4b:s4+s5], $0x20, s0, s5, $0xb8;
	[tilespmem:$0x1B400] =	vst v63  }
0x317: {  	_ =	swait.ge [sflag:s15], $0x2000  }
0x318: {  	[sflag:s15] =	ssyncset.done $0x0  }
0x319: {  	s0 =	rddreg [dreg:$0x7];
	[sflag:s15] =	ssyncadd.s32 $0xFFFFE000  }
0x31a: {  	[hbm4b:s0+s2] =	stream.linear.scatter [tilespmem:s3], [sflag:$0xD], $0x8000, $0x38;
	[tilespmem:$0x1B400] =	vst v63  }
0x31b: {  	_ =	swait.ge [sflag:s8], $0x8000  }
0x31c: {  	s0 =	sld [smem:$0x7E2]  }
0x31d: {  	[sflag:s8] =	ssyncset.done $0x0  }
0x31e: {  	[sflag:s8] =	ssyncadd.s32 $0xFFFF8000  }
0x31f: {  	[tilespmem:s3], [sflag:$0x1] =	stream.indirect.gather [hbm4b:s4+s5], $0x20, s0, s5, $0xb8;
	[tilespmem:$0x1B400] =	vst v63  }
0x320: {  	_ =	swait.ge [sflag:s25], $0x2000  }
0x321: {  	s0 =	sld [smem:$0x7E3]  }
0x322: {  	[sflag:s25] =	ssyncset.done $0x0  }
0x323: {  	[sflag:s25] =	ssyncadd.s32 $0xFFFFE000  }
0x324: {  	[tilespmem:s28], [sflag:$0x2] =	stream.indirect.gather [hbm4b:s4+s5], $0x20, s0, s5, $0xb8;
	[tilespmem:$0x1B400] =	vst v63  }
0x325: {  	_ =	swait.ge [sflag:s24], $0x2000  }
0x326: {  	s0 =	sld [smem:$0x7E4]  }
0x327: {  	[sflag:s24] =	ssyncset.done $0x0  }
0x328: {  	[sflag:s24] =	ssyncadd.s32 $0xFFFFE000  }
0x329: {  	[tilespmem:s14], [sflag:$0x3] =	stream.indirect.gather [hbm4b:s4+s5], $0x20, s0, s5, $0xb8;
	[tilespmem:$0x1B400] =	vst v63  }
0x32a: {  	_ =	swait.ge [sflag:s23], $0x2000  }
0x32b: {  	s0 =	sld [smem:$0x7E5]  }
0x32c: {  	[sflag:s23] =	ssyncset.done $0x0  }
0x32d: {  	[sflag:s23] =	ssyncadd.s32 $0xFFFFE000  }
0x32e: {  	[tilespmem:s12], [sflag:$0x4] =	stream.indirect.gather [hbm4b:s4+s5], $0x20, s0, s5, $0xb8;
	[tilespmem:$0x1B400] =	vst v63  }
0x32f: {  	_ =	swait.ge [sflag:s22], $0x2000  }
0x330: {  	[sflag:s22] =	ssyncset.done $0x0  }
0x331: {  	s0 =	rddreg [dreg:$0x8];
	[sflag:s22] =	ssyncadd.s32 $0xFFFFE000  }
0x332: {  	[hbm4b:s0+s2] =	stream.linear.scatter [tilespmem:s9], [sflag:$0xE], $0x8000, $0x38;
	[tilespmem:$0x1B400] =	vst v63  }
0x333: {  	_ =	swait.ge [sflag:s16], $0x8000  }
0x334: {  	s0 =	sld [smem:$0x7E6]  }
0x335: {  	[sflag:s16] =	ssyncset.done $0x0  }
0x336: {  	[sflag:s16] =	ssyncadd.s32 $0xFFFF8000  }
0x337: {  	[tilespmem:s9], [sflag:$0x5] =	stream.indirect.gather [hbm4b:s4+s5], $0x20, s0, s5, $0xb8;
	[tilespmem:$0x1B400] =	vst v63  }
0x338: {  	_ =	swait.ge [sflag:s21], $0x2000  }
0x339: {  	s0 =	sld [smem:$0x7E7]  }
0x33a: {  	[sflag:s21] =	ssyncset.done $0x0  }
0x33b: {  	[sflag:s21] =	ssyncadd.s32 $0xFFFFE000  }
0x33c: {  	[tilespmem:s31], [sflag:$0x6] =	stream.indirect.gather [hbm4b:s4+s5], $0x20, s0, s5, $0xb8;
	[tilespmem:$0x1B400] =	vst v63  }
0x33d: {  	_ =	swait.ge [sflag:s20], $0x2000  }
0x33e: {  	s0 =	sld [smem:$0x7E8]  }
0x33f: {  	[sflag:s20] =	ssyncset.done $0x0  }
0x340: {  	[sflag:s20] =	ssyncadd.s32 $0xFFFFE000  }
0x341: {  	[tilespmem:s11], [sflag:$0x7] =	stream.indirect.gather [hbm4b:s4+s5], $0x20, s0, s5, $0xb8;
	[tilespmem:$0x1B400] =	vst v63  }
0x342: {  	_ =	swait.ge [sflag:s19], $0x2000  }
0x343: {  	s0 =	sld [smem:$0x7E9]  }
0x344: {  	[sflag:s19] =	ssyncset.done $0x0  }
0x345: {  	[sflag:s19] =	ssyncadd.s32 $0xFFFFE000  }
0x346: {  	[tilespmem:s1], [sflag:$0x8] =	stream.indirect.gather [hbm4b:s4+s5], $0x20, s0, s5, $0xb8;
	[tilespmem:$0x1B400] =	vst v63  }
0x347: {  	_ =	swait.ge [sflag:s18], $0x2000  }
0x348: {  	[sflag:s18] =	ssyncset.done $0x0  }
0x349: {  	s0 =	rddreg [dreg:$0x9];
	[sflag:s18] =	ssyncadd.s32 $0xFFFFE000  }
0x34a: {  	[hbm4b:s0+s2] =	stream.linear.scatter [tilespmem:s7], [sflag:$0xF], $0x8000, $0x38;
	[tilespmem:$0x1B400] =	vst v63  }
0x34b: {  	_ =	swait.ge [sflag:s17], $0x8000  }
0x34c: {  	s0 =	sld [smem:$0x7EA]  }
0x34d: {  	[sflag:s17] =	ssyncset.done $0x0  }
0x34e: {  	[sflag:s17] =	ssyncadd.s32 $0xFFFF8000  }
0x34f: {  	[tilespmem:s7], [sflag:$0x9] =	stream.indirect.gather [hbm4b:s4+s5], $0x20, s0, s5, $0xb8;
	[tilespmem:$0x1B400] =	vst v63  }
0x350: {  	_ =	swait.ge [sflag:s6], $0x2000  }
0x351: {  	s0 =	sld [smem:$0x7EB]  }
0x352: {  	[sflag:s6] =	ssyncset.done $0x0  }
0x353: {  	[sflag:s6] =	ssyncadd.s32 $0xFFFFE000  }
0x354: {  	[tilespmem:s26], [sflag:$0xA] =	stream.indirect.gather [hbm4b:s4+s5], $0x20, s0, s5, $0xb8;
	[tilespmem:$0x1B400] =	vst v63  }
0x355: {  	_ =	swait.ge [sflag:s10], $0x2000  }
0x356: {  	s0 =	sld [smem:$0x7EC]  }
0x357: {  	[sflag:s10] =	ssyncset.done $0x0  }
0x358: {  	[sflag:s10] =	ssyncadd.s32 $0xFFFFE000  }
0x359: {  	[tilespmem:s29], [sflag:$0xB] =	stream.indirect.gather [hbm4b:s4+s5], $0x20, s0, s5, $0xb8;
	[tilespmem:$0x1B400] =	vst v63  }
0x35a: {  	_ =	swait.ge [sflag:s13], $0x2000  }
0x35b: {  	s0 =	sld [smem:$0x7ED]  }
0x35c: {  	[sflag:s13] =	ssyncset.done $0x0  }
0x35d: {  	[sflag:s13] =	ssyncadd.s32 $0xFFFFE000  }
0x35e: {  	[tilespmem:s30], [sflag:$0xC] =	stream.indirect.gather [hbm4b:s4+s5], $0x20, s0, s5, $0xb8;
	[tilespmem:$0x1B400] =	vst v63  }
0x35f: {  	_ =	swait.ge [sflag:s15], $0x2000  }
0x360: {  	[sflag:s15] =	ssyncset.done $0x0  }
0x361: {  	s0 =	rddreg [dreg:$0xa];
	[sflag:s15] =	ssyncadd.s32 $0xFFFFE000  }
0x362: {  	[hbm4b:s0+s2] =	stream.linear.scatter [tilespmem:s3], [sflag:$0xD], $0x8000, $0x38;
	[tilespmem:$0x1B400] =	vst v63  }
0x363: {  	_ =	swait.ge [sflag:s8], $0x8000  }
0x364: {  	s0 =	sld [smem:$0x7EE]  }
0x365: {  	[sflag:s8] =	ssyncset.done $0x0  }
0x366: {  	[sflag:s8] =	ssyncadd.s32 $0xFFFF8000  }
0x367: {  	[tilespmem:s3], [sflag:$0x1] =	stream.indirect.gather [hbm4b:s4+s5], $0x20, s0, s5, $0xb8;
	[tilespmem:$0x1B400] =	vst v63  }
0x368: {  	_ =	swait.ge [sflag:s25], $0x2000  }
0x369: {  	s0 =	sld [smem:$0x7EF]  }
0x36a: {  	[sflag:s25] =	ssyncset.done $0x0  }
0x36b: {  	[sflag:s25] =	ssyncadd.s32 $0xFFFFE000  }
0x36c: {  	[tilespmem:s28], [sflag:$0x2] =	stream.indirect.gather [hbm4b:s4+s5], $0x20, s0, s5, $0xb8;
	[tilespmem:$0x1B400] =	vst v63  }
0x36d: {  	_ =	swait.ge [sflag:s24], $0x2000  }
0x36e: {  	s0 =	sld [smem:$0x7F0]  }
0x36f: {  	[sflag:s24] =	ssyncset.done $0x0  }
0x370: {  	[sflag:s24] =	ssyncadd.s32 $0xFFFFE000  }
0x371: {  	[tilespmem:s14], [sflag:$0x3] =	stream.indirect.gather [hbm4b:s4+s5], $0x20, s0, s5, $0xb8;
	[tilespmem:$0x1B400] =	vst v63  }
0x372: {  	_ =	swait.ge [sflag:s23], $0x2000  }
0x373: {  	s0 =	sld [smem:$0x7F1]  }
0x374: {  	[sflag:s23] =	ssyncset.done $0x0  }
0x375: {  	[sflag:s23] =	ssyncadd.s32 $0xFFFFE000  }
0x376: {  	[tilespmem:s12], [sflag:$0x4] =	stream.indirect.gather [hbm4b:s4+s5], $0x20, s0, s5, $0xb8;
	[tilespmem:$0x1B400] =	vst v63  }
0x377: {  	_ =	swait.ge [sflag:s22], $0x2000  }
0x378: {  	[sflag:s22] =	ssyncset.done $0x0  }
0x379: {  	s0 =	rddreg [dreg:$0xb];
	[sflag:s22] =	ssyncadd.s32 $0xFFFFE000  }
0x37a: {  	[hbm4b:s0+s2] =	stream.linear.scatter [tilespmem:s9], [sflag:$0xE], $0x8000, $0x38;
	[tilespmem:$0x1B400] =	vst v63  }
0x37b: {  	_ =	swait.ge [sflag:s16], $0x8000  }
0x37c: {  	s0 =	sld [smem:$0x7F2]  }
0x37d: {  	[sflag:s16] =	ssyncset.done $0x0  }
0x37e: {  	[sflag:s16] =	ssyncadd.s32 $0xFFFF8000  }
0x37f: {  	[tilespmem:s9], [sflag:$0x5] =	stream.indirect.gather [hbm4b:s4+s5], $0x20, s0, s5, $0xb8;
	[tilespmem:$0x1B400] =	vst v63  }
0x380: {  	_ =	swait.ge [sflag:s21], $0x2000  }
0x381: {  	s0 =	sld [smem:$0x7F3]  }
0x382: {  	[sflag:s21] =	ssyncset.done $0x0  }
0x383: {  	[sflag:s21] =	ssyncadd.s32 $0xFFFFE000  }
0x384: {  	[tilespmem:s31], [sflag:$0x6] =	stream.indirect.gather [hbm4b:s4+s5], $0x20, s0, s5, $0xb8;
	[tilespmem:$0x1B400] =	vst v63  }
0x385: {  	_ =	swait.ge [sflag:s20], $0x2000  }
0x386: {  	s31 =	sld [smem:$0x7F4]  }
0x387: {  	[sflag:s20] =	ssyncset.done $0x0  }
0x388: {  	[sflag:s20] =	ssyncadd.s32 $0xFFFFE000  }
0x389: {  	[tilespmem:s11], [sflag:$0x7] =	stream.indirect.gather [hbm4b:s4+s5], $0x20, s31, s5, $0xb8;
	[tilespmem:$0x1B400] =	vst v63  }
0x38a: {  	_ =	swait.ge [sflag:s19], $0x2000  }
0x38b: {  	s11 =	sld [smem:$0x7F5]  }
0x38c: {  	[sflag:s19] =	ssyncset.done $0x0  }
0x38d: {  	[sflag:s19] =	ssyncadd.s32 $0xFFFFE000  }
0x38e: {  	[tilespmem:s1], [sflag:$0x8] =	stream.indirect.gather [hbm4b:s4+s5], $0x20, s11, s5, $0xb8;
	[tilespmem:$0x1B400] =	vst v63  }
0x38f: {  	_ =	swait.ge [sflag:s18], $0x2000  }
0x390: {  	[sflag:s18] =	ssyncset.done $0x0  }
0x391: {  	s31 =	rddreg [dreg:$0xc];
	[sflag:s18] =	ssyncadd.s32 $0xFFFFE000  }
0x392: {  	[hbm4b:s31+s2] =	stream.linear.scatter [tilespmem:s7], [sflag:$0xF], $0x8000, $0x38;
	[tilespmem:$0x1B400] =	vst v63  }
0x393: {  	_ =	swait.ge [sflag:s17], $0x8000  }
0x394: {  	s1 =	sld [smem:$0x7F6]  }
0x395: {  	[sflag:s17] =	ssyncset.done $0x0  }
0x396: {  	[sflag:s17] =	ssyncadd.s32 $0xFFFF8000  }
0x397: {  	[tilespmem:s7], [sflag:$0x9] =	stream.indirect.gather [hbm4b:s4+s5], $0x20, s1, s5, $0xb8;
	[tilespmem:$0x1B400] =	vst v63  }
0x398: {  	_ =	swait.ge [sflag:s6], $0x2000  }
0x399: {  	s11 =	sld [smem:$0x7F7]  }
0x39a: {  	[sflag:s6] =	ssyncset.done $0x0  }
0x39b: {  	[sflag:s6] =	ssyncadd.s32 $0xFFFFE000  }
0x39c: {  	[tilespmem:s26], [sflag:$0xA] =	stream.indirect.gather [hbm4b:s4+s5], $0x20, s11, s5, $0xb8;
	[tilespmem:$0x1B400] =	vst v63  }
0x39d: {  	_ =	swait.ge [sflag:s10], $0x2000  }
0x39e: {  	s26 =	sld [smem:$0x7F8]  }
0x39f: {  	[sflag:s10] =	ssyncset.done $0x0  }
0x3a0: {  	[sflag:s10] =	ssyncadd.s32 $0xFFFFE000  }
0x3a1: {  	[tilespmem:s29], [sflag:$0xB] =	stream.indirect.gather [hbm4b:s4+s5], $0x20, s26, s5, $0xb8;
	[tilespmem:$0x1B400] =	vst v63  }
0x3a2: {  	_ =	swait.ge [sflag:s13], $0x2000  }
0x3a3: {  	s29 =	sld [smem:$0x7F9]  }
0x3a4: {  	[sflag:s13] =	ssyncset.done $0x0  }
0x3a5: {  	[sflag:s13] =	ssyncadd.s32 $0xFFFFE000  }
0x3a6: {  	[tilespmem:s30], [sflag:$0xC] =	stream.indirect.gather [hbm4b:s4+s5], $0x20, s29, s5, $0xb8;
	[tilespmem:$0x1B400] =	vst v63  }
0x3a7: {  	_ =	swait.ge [sflag:s15], $0x2000  }
0x3a8: {  	[sflag:s15] =	ssyncset.done $0x0  }
0x3a9: {  	s31 =	rddreg [dreg:$0xd];
	[sflag:s15] =	ssyncadd.s32 $0xFFFFE000  }
0x3aa: {  	[hbm4b:s31+s2] =	stream.linear.scatter [tilespmem:s3], [sflag:$0xD], $0x8000, $0x38;
	[tilespmem:$0x1B400] =	vst v63  }
0x3ab: {  	_ =	swait.ge [sflag:s8], $0x8000  }
0x3ac: {  	s1 =	sld [smem:$0x7FA]  }
0x3ad: {  	[sflag:s8] =	ssyncset.done $0x0  }
0x3ae: {  	[sflag:s8] =	ssyncadd.s32 $0xFFFF8000  }
0x3af: {  	[tilespmem:s3], [sflag:$0x1] =	stream.indirect.gather [hbm4b:s4+s5], $0x20, s1, s5, $0xb8;
	[tilespmem:$0x1B400] =	vst v63  }
0x3b0: {  	_ =	swait.ge [sflag:s25], $0x2000  }
0x3b1: {  	s11 =	sld [smem:$0x7FB]  }
0x3b2: {  	[sflag:s25] =	ssyncset.done $0x0  }
0x3b3: {  	[sflag:s25] =	ssyncadd.s32 $0xFFFFE000  }
0x3b4: {  	[tilespmem:s28], [sflag:$0x2] =	stream.indirect.gather [hbm4b:s4+s5], $0x20, s11, s5, $0xb8;
	[tilespmem:$0x1B400] =	vst v63  }
0x3b5: {  	_ =	swait.ge [sflag:s24], $0x2000  }
0x3b6: {  	s25 =	sld [smem:$0x7FC]  }
0x3b7: {  	[sflag:s24] =	ssyncset.done $0x0  }
0x3b8: {  	[sflag:s24] =	ssyncadd.s32 $0xFFFFE000  }
0x3b9: {  	[tilespmem:s14], [sflag:$0x3] =	stream.indirect.gather [hbm4b:s4+s5], $0x20, s25, s5, $0xb8;
	[tilespmem:$0x1B400] =	vst v63  }
0x3ba: {  	_ =	swait.ge [sflag:s23], $0x2000  }
0x3bb: {  	s26 =	sld [smem:$0x7FD]  }
0x3bc: {  	[sflag:s23] =	ssyncset.done $0x0  }
0x3bd: {  	[sflag:s23] =	ssyncadd.s32 $0xFFFFE000  }
0x3be: {  	[tilespmem:s12], [sflag:$0x4] =	stream.indirect.gather [hbm4b:s4+s5], $0x20, s26, s5, $0xb8;
	[tilespmem:$0x1B400] =	vst v63  }
0x3bf: {  	_ =	swait.ge [sflag:s22], $0x2000  }
0x3c0: {  	[sflag:s22] =	ssyncset.done $0x0  }
0x3c1: {  	s28 =	rddreg [dreg:$0xe];
	[sflag:s22] =	ssyncadd.s32 $0xFFFFE000  }
0x3c2: {  	[hbm4b:s28+s2] =	stream.linear.scatter [tilespmem:s9], [sflag:$0xE], $0x8000, $0x38;
	[tilespmem:$0x1B400] =	vst v63  }
0x3c3: {  	_ =	swait.ge [sflag:s21], $0x2000  }
0x3c4: {  	[sflag:s21] =	ssyncset.done $0x0  }
0x3c5: {  	[sflag:s21] =	ssyncadd.s32 $0xFFFFE000  }
0x3c6: {  	_ =	swait.ge [sflag:s20], $0x2000  }
0x3c7: {  	[sflag:s20] =	ssyncset.done $0x0  }
0x3c8: {  	[sflag:s20] =	ssyncadd.s32 $0xFFFFE000  }
0x3c9: {  	_ =	swait.ge [sflag:s19], $0x2000  }
0x3ca: {  	[sflag:s19] =	ssyncset.done $0x0  }
0x3cb: {  	[sflag:s19] =	ssyncadd.s32 $0xFFFFE000  }
0x3cc: {  	_ =	swait.ge [sflag:s18], $0x2000  }
0x3cd: {  	[sflag:s18] =	ssyncset.done $0x0  }
0x3ce: {  	s29 =	rddreg [dreg:$0xf];
	[sflag:s18] =	ssyncadd.s32 $0xFFFFE000  }
0x3cf: {  	[hbm4b:s29+s2] =	stream.linear.scatter [tilespmem:s7], [sflag:$0xF], $0x8000, $0x38;
	[tilespmem:$0x1B400] =	vst v63  }
0x3d0: {  	_ =	swait.ge [sflag:s6], $0x2000  }
0x3d1: {  	[sflag:s6] =	ssyncset.done $0x0  }
0x3d2: {  	[sflag:s6] =	ssyncadd.s32 $0xFFFFE000  }
0x3d3: {  	_ =	swait.ge [sflag:s10], $0x2000  }
0x3d4: {  	[sflag:s10] =	ssyncset.done $0x0  }
0x3d5: {  	[sflag:s10] =	ssyncadd.s32 $0xFFFFE000  }
0x3d6: {  	_ =	swait.ge [sflag:s13], $0x2000  }
0x3d7: {  	[sflag:s13] =	ssyncset.done $0x0  }
0x3d8: {  	[sflag:s13] =	ssyncadd.s32 $0xFFFFE000  }
0x3d9: {  	_ =	swait.ge [sflag:s15], $0x2000  }
0x3da: {  	[sflag:s15] =	ssyncset.done $0x0  }
0x3db: {  	s30 =	rddreg [dreg:$0x10];
	[sflag:s15] =	ssyncadd.s32 $0xFFFFE000  }
0x3dc: {  	[hbm4b:s30+s2] =	stream.linear.scatter [tilespmem:s3], [sflag:$0xD], $0x8000, $0x38;
	[tilespmem:$0x1B400] =	vst v63  }
0x3dd: {  	_ =	swait.ge [sflag:s16], $0x8000  }
0x3de: {  	[sflag:s16] =	ssyncset.done $0x0  }
0x3df: {  	[sflag:s16] =	ssyncadd.s32 $0xFFFF8000  }
0x3e0: {  	_ =	swait.ge [sflag:s17], $0x8000  }
0x3e1: {  	[sflag:s17] =	ssyncset.done $0x0  }
0x3e2: {  	[sflag:s17] =	ssyncadd.s32 $0xFFFF8000  }
0x3e3: {  	_ =	swait.ge [sflag:s8], $0x8000  }
0x3e4: {  	[sflag:s8] =	ssyncset.done $0x0  }
0x3e5: {  	[sflag:s8] =	ssyncadd.s32 $0xFFFF8000  }
0x3e6: {  	_ =	sfence.sel $0x180000  }
0x3e7: {  	[bflag:$0x0] =	sbarrier.arrive $0xFFFF  }
0x3e8: {  	_ =	strace $0x90000047  }
0x3e9: {  	s31 =	stileid.u32;
	[bflag:$0x2] =	sbarrier.arrive $0xFFFF  }
0x3ea: {  	p0 =	sne.s32 s31, $0x0;
	s0 =	rddreg [dreg:$0x2]  }
0x3eb: {  	s0 =	sadd.s32 @!p0 $0x100000, s0  }
0x3ec: {  	[sflag:s0] =	ssyncadd.tile.s32 @!p0 $0x1;
	_ =	shalt  }
.Lfunc_end2:
_tile_overlayer_lowered:
.L_overlay_start_2:
0x3ed: {  	(tag) =	ssettag $0x2  }
0x3ee: {  	s0 =	rddreg [dreg:$0x0];
	s2 =	stileid.u32  }
0x3ef: {  	s1 =	rddreg [dreg:$0x1];
	p0 =	sne.s32 s2, $0x0  }
0x3f0: {  	s3 =	rddreg [dreg:$0x2];
	[bflag:$0x3] =	sbarrier.arrive $0xFFFF;
	s2 =	simm.s32 @!p0 $0x1C10  }
0x3f1: {  	[timem:s3], [sflag:s2] =	dma.local @!p0 [hbm:s0], s1  }
0x3f2: {  	s0 =	simm.s32 @!p0 $0x10  }
0x3f3: {  	_ =	swait.ge @!p0 [sflag:s0], s1  }
0x3f4: {  	s1 =	ssub.s32 @!p0 $0x0, s1;
	[sflag:s0] =	ssyncset.done @!p0 $0x0  }
0x3f5: {  	[sflag:s0] =	ssyncadd.s32 @!p0 s1  }
0x3f6: {  	[bflag:$0x3] =	sbarrier.arrive $0xFFFF  }
0x3f7: {  	_ =	shalt  }

// kernel: sparse-core-data-format-call.cloned.1.call-start
scs
called_computation_lowered:
.L_overlay_start_0:
0x0: {  	s2 =	sld [smem:$0x3FD9]  }
0x1: {  	s3 =	sld [smem:$0x3FFE];
	_ =	sdelay $0x1  }
0x2: {  	s1 =	srdreg.scid  }
0x3: {  	s0 =	sand.u32 $0x1, s1  }
0x4: {  	s18 =	sshll.u32 s0, $0xA;
	s2 =	sadd.s32 s3, s2  }
0x5: {  	s2 =	sadd.s32 s2, s18  }
0x6: {  	[smem:$0x3FC6] =	sst s2  }
0x7: {  	_ = 	snop  }
0x8: {  	s2 =	sld [smem:$0x3FD0];
	(tm) =	ssettm $0x1  }
0x9: {  	s19 =	sld [smem:$0x3FFB];
	_ =	sdelay $0x3  }
0xa: {  	_ =	strace s19  }
0xb: {  	s3 =	sld [smem:$0x3FFC];
	_ =	sdelay $0x3  }
0xc: {  	_ =	strace s3  }
0xd: {  	s3 =	sld [smem:$0x3FFD];
	_ =	sdelay $0x3  }
0xe: {  	_ =	strace s3  }
0xf: {  	_ =	strace $0x8FFFFFFF  }
0x10: {  	s20 =	sld [smem:$0x3FDB];
	_ =	sdelay $0x1  }
0x11: {  	s4 =	simm.s32 $_scs_section_size  }
0x12: {  	s5 =	simm.s32 $_size__tile_overlayer_lowered;
	s6 =	simm.s32 $_tile_overlayer_lowered  }
0x13: {  	s23 =	simm.s32 $0x1BFF;
	s22 =	sshll.u32 s6, $0x1;
	s3 =	sadd.s32 s4, s20  }
0x14: {  	s7 =	simm.s32 $0x0;
	s21 =	sshll.u32 s5, $0x1;
	s5 =	sadd.s32 s22, s3  }
0x15: {  	[timem:s7], [sflag:s23] =	dma.local [hbm:s5], s21  }
0x16: {  	_ =	swait.ge [sflag:s23], s21  }
0x17: {  	s4 =	ssub.s32 $0x0, s21;
	[sflag:s23] =	ssyncset.done $0x0  }
0x18: {  	[sflag:s23] =	ssyncadd.s32 s4;
	_ =	sdelay $0x1  }
0x19: {  	s24 =	simm.s32 $0x1B8B  }
0x1a: {  	_ =	swait.ge [sflag:s24], $0x1  }
0x1b: {  	[sflag:s24] =	ssyncset.done $0x0  }
0x1c: {  	s26 =	simm.s32 $0x1B8E;
	s25 =	sld [smem:$0x3FFE];
	[sflag:s24] =	ssyncadd.s32 $0xFFFFFFFF  }
0x1d: {  	s27 =	simm.s32 $execute0_lowered;
	[smem:$0x3FD2] =	sst s26  }
0x1e: {  	s5 =	sshll.u32 s27, $0x1;
	_ =	strace $0x80000049;
	[dreg:$0x1] =	wrdreg $0xFFFFFFFF  }
0x1f: {  	s28 =	simm.s32 $_size_execute0_lowered;
	s3 =	sadd.s32 s3, s5;
	[dreg:$0x0] =	wrdreg $0x0  }
0x20: {  	s5 =	sshll.u32 s28, $0x1;
	[dreg:$0x2] =	wrdreg s3  }
0x21: {  	[dreg:$0x3] =	wrdreg s5  }
0x22: {  	[dreg:$0x4] =	wrdreg $0xC0  }
0x23: {  	_ =	task [dreg:s7], $0x5FFFF  }
0x24: {  	[dreg:$0x1] =	wrdreg $0xFFFFFFFF  }
0x25: {  	[dreg:$0x0] =	wrdreg $0x60  }
0x26: {  	[dreg:$0x2] =	wrdreg s25  }
0x27: {  	[dreg:$0x3] =	wrdreg s2  }
0x28: {  	[dreg:$0x4] =	wrdreg $0x9  }
0x29: {  	_ =	task.clear_ibuf [dreg:s7], $0x5FFFF;
	_ =	strace $0x90000049  }
0x2a: {  	s29 =	simm.s32 $0x9;
	_ =	strace $0x8000004B  }
0x2b: {  	_ =	swait.ge [sflag:s29], $0x1  }
0x2c: {  	[sflag:s29] =	ssyncadd.s32 $0xFFFFFFFF  }
0x2d: {  	_ =	strace $0x9000004B  }
0x2e: {  	_ =	sfence  }
0x2f: {  	s30 =	sld [smem:$0x0];
	_ =	sdelay $0x2  }
0x30: {  	s31 =	sshll.u32 s1, $0xD;
	s1 =	sshrl.u32 s1, $0x2  }
0x31: {  	s3 =	sand.u32 $0x4000, s31;
	s1 =	sadd.s32 s1, s30  }
0x32: {  	s0 =	sor.u32 s3, s0;
	s1 =	sshll.u32 s1, $0x11  }
0x33: {  	s0 =	sor.u32 s1, s0  }
0x34: {  	s0 =	sadd.s32 $0x8F2B, s0  }
0x35: {  	[sflag:s0] =	ssyncadd.remote.s32 $0x1  }
0x36: {  	_ =	sfence.sel $0xFFFF  }
0x37: {  	[dreg:$0x0] =	wrdreg $0xFFFFFFFF;
	(pc) =	sbr.abs _section_cstart, $3  }
0x38: {  	[dreg:$0x1] =	wrdreg $0xFFFFFFFF  }
0x39: {  	_ =	task.clear_ibuf [dreg:s7], $0x2FFFF;
	_ =	strace $0x9FFFFFFF  }
0x3a: {  	(tm) =	ssettm $0x7FFFFFFF  }
0x3b: {  	_ =	shalt  }
tec
execute0_lowered:
.L_overlay_start_1:
0x0: {  	(tag) =	ssettag $0x1  }
0x1: {  	s0 =	srdreg.scid  }
0x2: {  	s1 =	sshll.u32 s0, $0x4  }
0x3: {  	s4 =	rddreg [dreg:$0x0];
	s0 =	stileid.u32;
	s1 =	sand.u32 $0x10, s1  }
0x4: {  	s2 =	rddreg [dreg:$0x1];
	s7 =	simm.s32 $0x1;
	s1 =	sor.u32 s0, s1  }
0x5: {  	s8 =	simm.s32 $0x2;
	s11 =	simm.s32 $0x0;
	s3 =	sshll.u32 s1, $0x7  }
0x6: {  	s10 =	simm.s32 $0x0;
	s4 =	sadd.s32 $0xA00, s4;
	s6 =	ssub.s32 $0x68000, s3  }
.Ltmp0:
0x7: {  	s1 =	rddreg [dreg:$0x2];
	s5 =	sand.u32 $0xF80, s6;
	(pc) =	sbr.rel .LBB1_1-.Ltmp0, $4  }
0x8: {  	_ =	strace $0x8000004A;
	s9 =	smov.u32 s3;
	p0 =	sne.s32 s5, $0x0  }
0x9: {  	s6 =	sshrl.u32 s6, $0xC;
	s5 =	simm.s32 $0x1;
	s7 =	simm.s32 @!p0 $0x0  }
0xa: {  	[sflag:s5] =	ssyncpa.u1 $0x0;
	p0 =	por $0x0, $0x0;
	s6 =	sadd.s32 s7, s6  }
0xb: {  	[sflag:s8] =	ssyncpa.u1 $0x0;
	s8 =	simm.s32 $0x340000;
	s7 =	sadd.s32 $0x1, s6  }
.LBB1_4:
0xc: {  	s14 =	sshll.u32 s11, $0x3  }
0xd: {  	s30 =	sand.u32 $0x7F, s11;
	s15 =	sand.u32 $0xFFFFFC00, s14  }
0xe: {  	s11 =	sor.u32 s30, s15  }
0xf: {  	s15 =	smulhi.u32 $0x4EC4EC4F, s11  }
0x10: {  	s14 =	smulhi.u32 $0x4EC4EC4F, s14  }
0x11: {  	s15 =	sshrl.u32 s15, $0x11  }
0x12: {  	s14 =	sshrl.u32 s14, $0x11;
	s15 =	smul.u32 $0x68000, s15  }
0x13: {  	s14 =	sand.u32 $0x1F, s14  }
0x14: {  	s14 =	smul.u32 $0xD000, s14;
	s11 =	ssub.s32 s11, s15  }
0x15: {  	s15 =	sand.u32 $0x7, s11  }
0x16: {  	s14 =	sadd.s32 s2, s14;
	s11 =	sshrl.u32 s11, $0x3;
	s15 =	sshll.u32 s15, $0x12  }
0x17: {  	[tilespmem:s13+$0x0 ss:$0x81] =	vst.msk $0xffff, v0;
	s11 =	sadd.s32 s11, s14;
	s31 =	sor.u32 $0x400, s15  }
0x18: {  	[hbm4b:s11+s31] =	stream.strided.scatter [tilespmem:s12], [sflag:$0x2], $0x1000, s8, s31, $0x20;
	[tilespmem:$0x4040] =	vst v63  }
.LBB1_5:
0x19: {  	s13 =	sadd.s32 $0x1000, s9  }
0x1a: {  	p2 =	sgt.s32 s13, $0x67FFF  }
0x1b: {  	s13 =	smov.u32 @p2 s3;
	p2 =	sne.s32 s10, s7  }
.Ltmp1:
0x1c: {  	p1 =	slt.u32 s10, $0x2;
	(pc) =	sbr.rel @!p2 .LBB1_6-.Ltmp1, $4  }
0x1d: {  	s12 =	simm.s32 @!p1 $0x2  }
0x1e: {  	s14 =	sadd.s32 $0x1, s10;
	_ =	swait.ge @!p1 [sflag:s12], $0x1000  }
0x1f: {  	s11 =	smov.u32 s9;
	p0 =	por !p0, !p0;
	[sflag:s12] =	ssyncset.done @!p1 $0x0  }
0x20: {  	s10 =	smov.u32 s14;
	s9 =	smov.u32 s13;
	[sflag:s12] =	ssyncadd.s32 @!p1 $0xFFFFF000  }
.LBB1_1:
0x21: {  	p1 =	sge.u32 s10, s6  }
0x22: {  	s12 =	sand.u32 @!p1 $0x1FFFFFF, s9  }
0x23: {  	s13 =	smulhi.u32 @!p1 $0x2762763, s12;
	_ =	sdelay $0x1  }
0x24: {  	s13 =	sshrl.u32 @!p1 s13, $0xC  }
0x25: {  	s13 =	smul.u32 @!p1 $0x68000, s13;
	_ =	sdelay $0x1  }
0x26: {  	s31 =	sadd.s32 $0xFFFFFFFF, s10;
	s14 =	sxor.u32 @!p1 $0xFFFFFFFF, s10;
	s12 =	ssub.s32 @!p1 s12, s13  }
0x27: {  	s15 =	simm.s32 @!p1 $0x80;
	s14 =	sshll.u32 @!p1 s14, $0xC;
	s12 =	sshll.u32 @!p1 s12, $0x4  }
0x28: {  	s13 =	sand.u32 @!p1 $0x1000, s14;
	s14 =	simm.s32 @!p1 $0x20;
	s12 =	sadd.s32 @!p1 s4, s12  }
0x29: {  	[tilespmem:s13], [sflag:$0x1] =	stream.strided.gather @!p1 [hbm4b:s12+s14], $0x1000, s15, s14, $0x38;
	[tilespmem:$0x4040] =	vst v63  }
0x2a: {  	p1 =	sge.u32 s31, s6  }
.Ltmp2:
0x2b: {  	_ = 	snop;
	(pc) =	sbr.rel @p1 .LBB1_5-.Ltmp2, $1  }
0x2c: {  	_ =	sdelay $0x3  }
0x2d: {  	s12 =	simm.s32 $0x1  }
0x2e: {  	_ =	swait.ge [sflag:s5], $0x1000;
	s12 =	simm.s32 @!p0 $0x0  }
0x2f: {  	[sflag:s5] =	ssyncset.done $0x0;
	s13 =	sshll.u32 s12, $0xC  }
0x30: {  	[sflag:s5] =	ssyncadd.s32 $0xFFFFF000;
	s16 =	sor.u32 $0x10, s13  }
0x31: {  	s12 =	smul.u32 $0x4080, s12;
	v1 =	vld [tilespmem:s16+$0x0]  }
0x32: {  	s30 =	sand.u32 $0x1, s10;
	v0 =	vld [tilespmem:s16+$0xFFFFFFF0]  }
0x33: {  	s13 =	smul.u32 $0x4080, s30;
	s12 =	sshrl.u32 s12, $0x2  }
0x34: {  	s14 =	sor.u32 $0x2000, s12  }
0x35: {  	s31 =	sshrl.u32 s13, $0x2;
	s13 =	sadd.s32 $0x0, s14  }
0x36: {  	s15 =	simm.s32 $0x4;
	s16 =	sadd.s32 $0x20, s16;
	s12 =	sor.u32 $0x2000, s31;
	[tilespmem:s13+$0x810 ss:$0x81] =	vst.msk $0xffff, v1  }
.LBB1_3:
0x37: {  	v1 =	vld [tilespmem:s16+$0x0];
	p1 =	sne.s32 s15, $0x1FC;
	[tilespmem:s13+$0x0 ss:$0x81] =	vst.msk $0xffff, v0;
	s13 =	smov.u32 s15;
	s15 =	sadd.s32 $0x4, s15  }
.Ltmp3:
0x38: {  	v0 =	vld [tilespmem:s16+$0xFFFFFFF0];
	(pc) =	sbr.rel @p1 .LBB1_3-.Ltmp3, $4  }
0x39: {  	_ = 	snop  }
0x3a: {  	s13 =	sshra.s32 s13, $0x2  }
0x3b: {  	s13 =	sadd.s32 s13, s14  }
0x3c: {  	s16 =	sadd.s32 $0x20, s16;
	[tilespmem:s13+$0x810 ss:$0x81] =	vst.msk $0xffff, v1  }
.Ltmp4:
0x3d: {  	_ = 	snop;
	(pc) =	sbr.rel .LBB1_4-.Ltmp4, $1  }
0x3e: {  	_ =	sdelay $0x3  }
.LBB1_6:
0x3f: {  	_ =	sfence.sel $0x180000  }
0x40: {  	s2 =	simm.s32 $0x1;
	[bflag:$0x0] =	sbarrier.arrive $0xFFFF  }
0x41: {  	s31 =	simm.s32 $0x2;
	[sflag:s2] =	ssyncpa.u1 $0x1  }
0x42: {  	[sflag:s31] =	ssyncpa.u1 $0x1  }
0x43: {  	p0 =	sne.s32 s0, $0x0;
	_ =	strace $0x9000004A  }
0x44: {  	s0 =	sadd.s32 @!p0 $0x100000, s1;
	[bflag:$0x2] =	sbarrier.arrive $0xFFFF  }
0x45: {  	[sflag:s0] =	ssyncadd.tile.s32 @!p0 $0x1;
	_ =	shalt  }
.Lfunc_end1:
_tile_overlayer_lowered:
.L_overlay_start_2:
0x46: {  	(tag) =	ssettag $0x2  }
0x47: {  	s0 =	rddreg [dreg:$0x0];
	s2 =	stileid.u32  }
0x48: {  	s1 =	rddreg [dreg:$0x1];
	p0 =	sne.s32 s2, $0x0  }
0x49: {  	s3 =	rddreg [dreg:$0x2];
	[bflag:$0x3] =	sbarrier.arrive $0xFFFF;
	s2 =	simm.s32 @!p0 $0x1C01  }
0x4a: {  	[timem:s3], [sflag:s2] =	dma.local @!p0 [hbm:s0], s1  }
0x4b: {  	s0 =	simm.s32 @!p0 $0x1  }
0x4c: {  	_ =	swait.ge @!p0 [sflag:s0], s1  }
0x4d: {  	s1 =	ssub.s32 @!p0 $0x0, s1;
	[sflag:s0] =	ssyncset.done @!p0 $0x0  }
0x4e: {  	[sflag:s0] =	ssyncadd.s32 @!p0 s1  }
0x4f: {  	[bflag:$0x3] =	sbarrier.arrive $0xFFFF  }
0x50: {  	_ =	shalt  }

</sc_bundles>
